<compile_context>
chip_gen: v7x
topology: tpu7x:2x2x1
jax: 0.10.2.dev20260603
libtpu: 0.0.44.dev20260713+nightly
codegen_flags: <defaults>
</compile_context>

<pallas_src>
import functools

import jax
import jax.numpy as jnp
from jax import lax
from jax.experimental import pallas as pl
from jax.experimental.pallas import tpu as pltpu
from jax.experimental.pallas import tpu_sc as plsc

N_CLUSTERS = 512
D = 32
B = 16
S = 4096
N_TOKENS = B * S



_BB = 4


def _argmin_body(xt_ref, ct_ref, idx_ref):
    ct = ct_ref[...]
    hc2 = 0.5 * jnp.sum(ct * ct, axis=0)
    for j in range(_BB):
        xb = xt_ref[j]
        xc_t = lax.dot_general(
            ct, xb, (((0,), (0,)), ((), ())),
            preferred_element_type=jnp.float32,
            precision=lax.Precision.DEFAULT)
        t = hc2[:, None] - xc_t
        idx_ref[pl.ds(j * S, S)] = jnp.argmin(t, axis=0).astype(jnp.int32)


def _nearest_idx(xt, ct):
    return pl.pallas_call(
        _argmin_body,
        grid=(B // _BB,),
        in_specs=[
            pl.BlockSpec((_BB, D, S), lambda i: (i, 0, 0)),
            pl.BlockSpec((D, N_CLUSTERS), lambda i: (0, 0)),
        ],
        out_specs=pl.BlockSpec((_BB * S,), lambda i: (i,)),
        out_shape=jax.ShapeDtypeStruct((N_TOKENS,), jnp.int32),
    )(xt, ct)



_NC, _NS, _L = 2, 16, 16
_NW = _NC * _NS
_BPW = N_TOKENS // _NW
_NG = _BPW // _L


@functools.lru_cache(maxsize=None)
def _gather_fn():
    mesh = plsc.VectorSubcoreMesh(
        core_axis_name="c", subcore_axis_name="s",
        num_cores=_NC, num_subcores=_NS)

    @functools.partial(
        pl.kernel,
        mesh=mesh,
        out_type=jax.ShapeDtypeStruct((B, D, S), jnp.float32),
        scratch_types=[
            pltpu.VMEM((N_CLUSTERS * D,), jnp.float32),
            pltpu.VMEM((_BPW,), jnp.int32),
            pltpu.VMEM((D, _BPW), jnp.float32),
            pltpu.SemaphoreType.DMA,
        ],
        compiler_params=pltpu.CompilerParams(
            use_tc_tiling_on_sc=True, needs_layout_passes=False),
    )
    def _gather_rows(tablet_hbm, idx_hbm, out_hbm, tablet_v, idx_v, rows_v,
                     sem):
        wid = lax.axis_index("s") * _NC + lax.axis_index("c")
        pltpu.sync_copy(tablet_hbm, tablet_v)
        pltpu.sync_copy(idx_hbm.at[pl.ds(wid * _BPW, _BPW)], idx_v)

        b = wid // 2
        s0 = (wid % 2) * _BPW
        nch = 2
        chw = _BPW // nch

        copies = []
        for h in range(nch):
            @plsc.parallel_loop(h * _NG // nch, (h + 1) * _NG // nch,
                                unroll=2)
            def body(g):
                idx16 = idx_v[pl.ds(g * _L, _L)]
                for d in range(D):
                    vals = plsc.load_gather(
                        tablet_v, [idx16 + (d * N_CLUSTERS)])
                    rows_v[d, pl.ds(g * _L, _L)] = vals

            copies.append(pltpu.async_copy(
                rows_v.at[pl.ds(0, D), pl.ds(h * chw, chw)],
                out_hbm.at[b, pl.ds(0, D), pl.ds(s0 + h * chw, chw)],
                sem))
        for cp in copies:
            cp.wait()

    return _gather_rows


def kernel(x, cluster_centers):
    xt = jnp.swapaxes(x, 1, 2)
    ct = jnp.swapaxes(cluster_centers, 0, 1)
    idx = _nearest_idx(xt, ct)
    outt = _gather_fn()(ct.reshape(N_CLUSTERS * D), idx)
    return jnp.swapaxes(outt, 1, 2)

# --- scband reference (transcript-rebuilt; emitter-appended) ---
"""Pipeline reference for scband-similar-cluster-encoder-75522704933140 (READ-ONLY COPY).

The authoritative reference and input builder live on the scoring server;
editing this copy changes nothing except your own understanding.
"""

import jax, jax.numpy as jnp
import numpy as np

N_CLUSTERS = 512
INPUT_SIZE = 32


def setup_inputs(seed: int = 0) -> dict:
    key = jax.random.key(seed)
    k1, k2 = jax.random.split(key)
    x = jax.random.normal(k1, (16, 4096, INPUT_SIZE), dtype=jnp.float32)
    cluster_centers = jax.random.normal(k2, (N_CLUSTERS, INPUT_SIZE), dtype=jnp.float32)
    return {"x": x, "cluster_centers": cluster_centers}


def reference(x, cluster_centers):
    # torch.cdist(x, centers): Euclidean distance [B, S, K]
    x2 = jnp.sum(x * x, axis=-1, keepdims=True)            # [B, S, 1]
    c2 = jnp.sum(cluster_centers * cluster_centers, axis=-1)  # [K]
    xc = jnp.einsum('bsd,kd->bsk', x, cluster_centers)      # [B, S, K]
    d2 = x2 + c2[None, None, :] - 2.0 * xc
    distances = jnp.sqrt(jnp.maximum(d2, 0.0))
    selected = jnp.argmin(distances, axis=2)                # [B, S] int
    out = jnp.take(cluster_centers, selected, axis=0)       # gather [B, S, D]
    # proj is Identity since input_size == output_size; src_masks is None
    return out

if __name__ == "__main__":
    import jax
    _d = setup_inputs()
    print(jax.jit(kernel)(*tuple(_d.values())))

</pallas_src>

<mosaic_0001>
#map = affine_map<(d0, d1) -> (0)>
#map1 = affine_map<(d0, d1) -> (0, 0, 0)>
module attributes {stable_mosaic.version = 14 : i64} {
  func.func @_gather_rows(%arg0: i32, %arg1: i32, %arg2: memref<16384xf32, #tpu.memory_space<hbm>>, %arg3: memref<65536xi32, #tpu.memory_space<hbm>>, %arg4: memref<16x32x4096xf32, #tpu.memory_space<hbm>>, %arg5: memref<16384xf32, #tpu.memory_space<vmem>>, %arg6: memref<2048xi32, #tpu.memory_space<vmem>>, %arg7: memref<32x2048xf32, #tpu.memory_space<vmem>>, %arg8: memref<!tpu.dma_semaphore, #tpu.memory_space<semaphore_mem>>) attributes {dimension_semantics = [#tpu.dimension_semantics<core_parallel>, #tpu.dimension_semantics<subcore_parallel>], iteration_bounds = array<i64: 2, 16>, scalar_prefetch = 0 : i64, scratch_operands = 4 : i64, tpu.core_type = #tpu.core_type<sc_vector_subcore>, window_params = [{transform_indices = #map}, {transform_indices = #map}, {transform_indices = #map1}]} {
    %mul3A = arith.constant 2 : i32
    %mul3A_0 = arith.muli %arg1, %mul3A : i32
    %add3A = arith.addi %mul3A_0, %arg0 : i32
    "tpu.region"() ({
      %run_scoped3A = tpu.sem_alloc : memref<!tpu.dma_semaphore, #tpu.memory_space<semaphore_mem>>
      tpu.enqueue_dma source(%arg2 : memref<16384xf32, #tpu.memory_space<hbm>>) target(%arg5 : memref<16384xf32, #tpu.memory_space<vmem>>) target_semaphore(%run_scoped3A : memref<!tpu.dma_semaphore, #tpu.memory_space<semaphore_mem>>)
      tpu.wait_dma2 semaphore(%run_scoped3A : memref<!tpu.dma_semaphore, #tpu.memory_space<semaphore_mem>>) src(%arg2 : memref<16384xf32, #tpu.memory_space<hbm>>) dst(%arg5 : memref<16384xf32, #tpu.memory_space<vmem>>)
      tpu.yield
    }) : () -> ()
    %mul3A_1 = arith.constant 2048 : i32
    %mul3A_2 = arith.muli %add3A, %mul3A_1 : i32
    "tpu.region"() ({
      %run_scoped3A = tpu.sem_alloc : memref<!tpu.dma_semaphore, #tpu.memory_space<semaphore_mem>>
      %dma_start3A_90 = tpu.memref_slice %arg3[%mul3A_2] : memref<65536xi32, #tpu.memory_space<hbm>> -> memref<2048xi32, #tpu.memory_space<hbm>>
      %dma_start3A_91 = tpu.memref_slice %arg3[%mul3A_2] : memref<65536xi32, #tpu.memory_space<hbm>> -> memref<2048xi32, #tpu.memory_space<hbm>>
      tpu.enqueue_dma source(%dma_start3A_91 : memref<2048xi32, #tpu.memory_space<hbm>>) target(%arg6 : memref<2048xi32, #tpu.memory_space<vmem>>) target_semaphore(%run_scoped3A : memref<!tpu.dma_semaphore, #tpu.memory_space<semaphore_mem>>)
      %dma_wait3A_92 = tpu.memref_slice %arg3[%mul3A_2] : memref<65536xi32, #tpu.memory_space<hbm>> -> memref<2048xi32, #tpu.memory_space<hbm>>
      %dma_wait3A_93 = tpu.memref_slice %arg3[%mul3A_2] : memref<65536xi32, #tpu.memory_space<hbm>> -> memref<2048xi32, #tpu.memory_space<hbm>>
      tpu.wait_dma2 semaphore(%run_scoped3A : memref<!tpu.dma_semaphore, #tpu.memory_space<semaphore_mem>>) src(%dma_wait3A_93 : memref<2048xi32, #tpu.memory_space<hbm>>) dst(%arg6 : memref<2048xi32, #tpu.memory_space<vmem>>)
      tpu.yield
    }) : () -> ()
    %jit3A = arith.constant 2 : i32
    %div3A = arith.divsi %add3A, %jit3A : i32
    %sign3A = arith.constant 0 : i32
    %sign3A_3 = arith.cmpi sgt, %add3A, %sign3A : i32
    %sign3A_4 = arith.extui %sign3A_3 : i1 to i32
    %sign3A_5 = arith.constant 0 : i32
    %sign3A_6 = arith.cmpi slt, %add3A, %sign3A_5 : i32
    %sign3A_7 = arith.extui %sign3A_6 : i1 to i32
    %sign3A_8 = arith.subi %sign3A_4, %sign3A_7 : i32
    %sign3A_9 = arith.constant 0 : i32
    %sign3A_10 = arith.cmpi sgt, %jit3A, %sign3A_9 : i32
    %sign3A_11 = arith.extui %sign3A_10 : i1 to i32
    %sign3A_12 = arith.constant 0 : i32
    %sign3A_13 = arith.cmpi slt, %jit3A, %sign3A_12 : i32
    %sign3A_14 = arith.extui %sign3A_13 : i1 to i32
    %sign3A_15 = arith.subi %sign3A_11, %sign3A_14 : i32
    %ne3A = arith.cmpi ne, %sign3A_8, %sign3A_15 : i32
    %rem3A = arith.remsi %add3A, %jit3A : i32
    %ne3A_16 = arith.constant 0 : i32
    %ne3A_17 = arith.cmpi ne, %rem3A, %ne3A_16 : i32
    %and3A = arith.andi %ne3A, %ne3A_17 : i1
    %sub3A = arith.constant 1 : i32
    %sub3A_18 = arith.subi %div3A, %sub3A : i32
    %select_n3A = arith.select %and3A, %sub3A_18, %div3A : i32
    %jit3A_19 = arith.constant 2 : i32
    %eq3A = arith.constant 0 : i32
    %eq3A_20 = arith.cmpi eq, %jit3A_19, %eq3A : i32
    %jit3A_21 = arith.constant 1 : i32
    %select_n3A_22 = arith.select %eq3A_20, %jit3A_21, %jit3A_19 : i32
    %rem3A_23 = arith.remsi %add3A, %select_n3A_22 : i32
    %ne3A_24 = arith.constant 0 : i32
    %ne3A_25 = arith.cmpi ne, %rem3A_23, %ne3A_24 : i32
    %lt3A = arith.constant 0 : i32
    %lt3A_26 = arith.cmpi slt, %rem3A_23, %lt3A : i32
    %lt3A_27 = arith.constant 0 : i32
    %lt3A_28 = arith.cmpi slt, %select_n3A_22, %lt3A_27 : i32
    %ne3A_29 = arith.xori %lt3A_26, %lt3A_28 : i1
    %and3A_30 = arith.andi %ne3A_29, %ne3A_25 : i1
    %add3A_31 = arith.addi %rem3A_23, %select_n3A_22 : i32
    %select_n3A_32 = arith.select %and3A_30, %add3A_31, %rem3A_23 : i32
    %mul3A_33 = arith.constant 2048 : i32
    %mul3A_34 = arith.muli %select_n3A_32, %mul3A_33 : i32
    %parallel_loop3A = arith.constant 0 : i32
    %parallel_loop3A_35 = arith.constant 64 : i32
    %parallel_loop3A_36 = arith.constant 1 : i32
    scf.for %parallel_loop3A_90 = %parallel_loop3A to %parallel_loop3A_35 step %parallel_loop3A_36  : i32 {
      %parallel_loop3A_91 = arith.constant 16 : i32
      %parallel_loop3A_92 = arith.muli %parallel_loop3A_90, %parallel_loop3A_91 : i32
      %parallel_loop3A_93 = arith.index_cast %parallel_loop3A_92 : i32 to index
      %parallel_loop3A_94 = tpu.vector_load %arg6[%parallel_loop3A_93] {strides = array<i32>} : memref<2048xi32, #tpu.memory_space<vmem>>, vector<16xi32>,
      %parallel_loop3A_95 = arith.constant 0 : i32
      %parallel_loop3A_96 = vector.broadcast %parallel_loop3A_95 : i32 to vector<16xi32>
      %parallel_loop3A_97 = arith.addi %parallel_loop3A_94, %parallel_loop3A_96 : vector<16xi32>
      %parallel_loop3A_98 = tpu.vector_load_idx %arg5[%parallel_loop3A_97] : memref<16384xf32, #tpu.memory_space<vmem>>[vector<16xi32>], vector<16xf32>,
      %parallel_loop3A_99 = arith.constant 16 : i32
      %parallel_loop3A_100 = arith.muli %parallel_loop3A_90, %parallel_loop3A_99 : i32
      %parallel_loop3A_101 = arith.constant 0 : i32
      %parallel_loop3A_102 = arith.index_cast %parallel_loop3A_101 : i32 to index
      %parallel_loop3A_103 = arith.index_cast %parallel_loop3A_100 : i32 to index
      %parallel_loop3A_104 = tpu.vector_load %arg7[%parallel_loop3A_102, %parallel_loop3A_103] {strides = array<i32>} : memref<32x2048xf32, #tpu.memory_space<vmem>>, vector<16xf32>,
      tpu.vector_store %arg7[%parallel_loop3A_102, %parallel_loop3A_103], %parallel_loop3A_98 {strides = array<i32>} : memref<32x2048xf32, #tpu.memory_space<vmem>>, vector<16xf32>,
      %parallel_loop3A_105 = arith.constant 512 : i32
      %parallel_loop3A_106 = vector.broadcast %parallel_loop3A_105 : i32 to vector<16xi32>
      %parallel_loop3A_107 = arith.addi %parallel_loop3A_94, %parallel_loop3A_106 : vector<16xi32>
      %parallel_loop3A_108 = tpu.vector_load_idx %arg5[%parallel_loop3A_107] : memref<16384xf32, #tpu.memory_space<vmem>>[vector<16xi32>], vector<16xf32>,
      %parallel_loop3A_109 = arith.constant 16 : i32
      %parallel_loop3A_110 = arith.muli %parallel_loop3A_90, %parallel_loop3A_109 : i32
      %parallel_loop3A_111 = arith.constant 1 : i32
      %parallel_loop3A_112 = arith.index_cast %parallel_loop3A_111 : i32 to index
      %parallel_loop3A_113 = arith.index_cast %parallel_loop3A_110 : i32 to index
      %parallel_loop3A_114 = tpu.vector_load %arg7[%parallel_loop3A_112, %parallel_loop3A_113] {strides = array<i32>} : memref<32x2048xf32, #tpu.memory_space<vmem>>, vector<16xf32>,
      tpu.vector_store %arg7[%parallel_loop3A_112, %parallel_loop3A_113], %parallel_loop3A_108 {strides = array<i32>} : memref<32x2048xf32, #tpu.memory_space<vmem>>, vector<16xf32>,
      %parallel_loop3A_115 = arith.constant 1024 : i32
      %parallel_loop3A_116 = vector.broadcast %parallel_loop3A_115 : i32 to vector<16xi32>
      %parallel_loop3A_117 = arith.addi %parallel_loop3A_94, %parallel_loop3A_116 : vector<16xi32>
      %parallel_loop3A_118 = tpu.vector_load_idx %arg5[%parallel_loop3A_117] : memref<16384xf32, #tpu.memory_space<vmem>>[vector<16xi32>], vector<16xf32>,
      %parallel_loop3A_119 = arith.constant 16 : i32
      %parallel_loop3A_120 = arith.muli %parallel_loop3A_90, %parallel_loop3A_119 : i32
      %parallel_loop3A_121 = arith.constant 2 : i32
      %parallel_loop3A_122 = arith.index_cast %parallel_loop3A_121 : i32 to index
      %parallel_loop3A_123 = arith.index_cast %parallel_loop3A_120 : i32 to index
      %parallel_loop3A_124 = tpu.vector_load %arg7[%parallel_loop3A_122, %parallel_loop3A_123] {strides = array<i32>} : memref<32x2048xf32, #tpu.memory_space<vmem>>, vector<16xf32>,
      tpu.vector_store %arg7[%parallel_loop3A_122, %parallel_loop3A_123], %parallel_loop3A_118 {strides = array<i32>} : memref<32x2048xf32, #tpu.memory_space<vmem>>, vector<16xf32>,
      %parallel_loop3A_125 = arith.constant 1536 : i32
      %parallel_loop3A_126 = vector.broadcast %parallel_loop3A_125 : i32 to vector<16xi32>
      %parallel_loop3A_127 = arith.addi %parallel_loop3A_94, %parallel_loop3A_126 : vector<16xi32>
      %parallel_loop3A_128 = tpu.vector_load_idx %arg5[%parallel_loop3A_127] : memref<16384xf32, #tpu.memory_space<vmem>>[vector<16xi32>], vector<16xf32>,
      %parallel_loop3A_129 = arith.constant 16 : i32
      %parallel_loop3A_130 = arith.muli %parallel_loop3A_90, %parallel_loop3A_129 : i32
      %parallel_loop3A_131 = arith.constant 3 : i32
      %parallel_loop3A_132 = arith.index_cast %parallel_loop3A_131 : i32 to index
      %parallel_loop3A_133 = arith.index_cast %parallel_loop3A_130 : i32 to index
      %parallel_loop3A_134 = tpu.vector_load %arg7[%parallel_loop3A_132, %parallel_loop3A_133] {strides = array<i32>} : memref<32x2048xf32, #tpu.memory_space<vmem>>, vector<16xf32>,
      tpu.vector_store %arg7[%parallel_loop3A_132, %parallel_loop3A_133], %parallel_loop3A_128 {strides = array<i32>} : memref<32x2048xf32, #tpu.memory_space<vmem>>, vector<16xf32>,
      %parallel_loop3A_135 = arith.constant 2048 : i32
      %parallel_loop3A_136 = vector.broadcast %parallel_loop3A_135 : i32 to vector<16xi32>
      %parallel_loop3A_137 = arith.addi %parallel_loop3A_94, %parallel_loop3A_136 : vector<16xi32>
      %parallel_loop3A_138 = tpu.vector_load_idx %arg5[%parallel_loop3A_137] : memref<16384xf32, #tpu.memory_space<vmem>>[vector<16xi32>], vector<16xf32>,
      %parallel_loop3A_139 = arith.constant 16 : i32
      %parallel_loop3A_140 = arith.muli %parallel_loop3A_90, %parallel_loop3A_139 : i32
      %parallel_loop3A_141 = arith.constant 4 : i32
      %parallel_loop3A_142 = arith.index_cast %parallel_loop3A_141 : i32 to index
      %parallel_loop3A_143 = arith.index_cast %parallel_loop3A_140 : i32 to index
      %parallel_loop3A_144 = tpu.vector_load %arg7[%parallel_loop3A_142, %parallel_loop3A_143] {strides = array<i32>} : memref<32x2048xf32, #tpu.memory_space<vmem>>, vector<16xf32>,
      tpu.vector_store %arg7[%parallel_loop3A_142, %parallel_loop3A_143], %parallel_loop3A_138 {strides = array<i32>} : memref<32x2048xf32, #tpu.memory_space<vmem>>, vector<16xf32>,
      %parallel_loop3A_145 = arith.constant 2560 : i32
      %parallel_loop3A_146 = vector.broadcast %parallel_loop3A_145 : i32 to vector<16xi32>
      %parallel_loop3A_147 = arith.addi %parallel_loop3A_94, %parallel_loop3A_146 : vector<16xi32>
      %parallel_loop3A_148 = tpu.vector_load_idx %arg5[%parallel_loop3A_147] : memref<16384xf32, #tpu.memory_space<vmem>>[vector<16xi32>], vector<16xf32>,
      %parallel_loop3A_149 = arith.constant 16 : i32
      %parallel_loop3A_150 = arith.muli %parallel_loop3A_90, %parallel_loop3A_149 : i32
      %parallel_loop3A_151 = arith.constant 5 : i32
      %parallel_loop3A_152 = arith.index_cast %parallel_loop3A_151 : i32 to index
      %parallel_loop3A_153 = arith.index_cast %parallel_loop3A_150 : i32 to index
      %parallel_loop3A_154 = tpu.vector_load %arg7[%parallel_loop3A_152, %parallel_loop3A_153] {strides = array<i32>} : memref<32x2048xf32, #tpu.memory_space<vmem>>, vector<16xf32>,
      tpu.vector_store %arg7[%parallel_loop3A_152, %parallel_loop3A_153], %parallel_loop3A_148 {strides = array<i32>} : memref<32x2048xf32, #tpu.memory_space<vmem>>, vector<16xf32>,
      %parallel_loop3A_155 = arith.constant 3072 : i32
      %parallel_loop3A_156 = vector.broadcast %parallel_loop3A_155 : i32 to vector<16xi32>
      %parallel_loop3A_157 = arith.addi %parallel_loop3A_94, %parallel_loop3A_156 : vector<16xi32>
      %parallel_loop3A_158 = tpu.vector_load_idx %arg5[%parallel_loop3A_157] : memref<16384xf32, #tpu.memory_space<vmem>>[vector<16xi32>], vector<16xf32>,
      %parallel_loop3A_159 = arith.constant 16 : i32
      %parallel_loop3A_160 = arith.muli %parallel_loop3A_90, %parallel_loop3A_159 : i32
      %parallel_loop3A_161 = arith.constant 6 : i32
      %parallel_loop3A_162 = arith.index_cast %parallel_loop3A_161 : i32 to index
      %parallel_loop3A_163 = arith.index_cast %parallel_loop3A_160 : i32 to index
      %parallel_loop3A_164 = tpu.vector_load %arg7[%parallel_loop3A_162, %parallel_loop3A_163] {strides = array<i32>} : memref<32x2048xf32, #tpu.memory_space<vmem>>, vector<16xf32>,
      tpu.vector_store %arg7[%parallel_loop3A_162, %parallel_loop3A_163], %parallel_loop3A_158 {strides = array<i32>} : memref<32x2048xf32, #tpu.memory_space<vmem>>, vector<16xf32>,
      %parallel_loop3A_165 = arith.constant 3584 : i32
      %parallel_loop3A_166 = vector.broadcast %parallel_loop3A_165 : i32 to vector<16xi32>
      %parallel_loop3A_167 = arith.addi %parallel_loop3A_94, %parallel_loop3A_166 : vector<16xi32>
      %parallel_loop3A_168 = tpu.vector_load_idx %arg5[%parallel_loop3A_167] : memref<16384xf32, #tpu.memory_space<vmem>>[vector<16xi32>], vector<16xf32>,
      %parallel_loop3A_169 = arith.constant 16 : i32
      %parallel_loop3A_170 = arith.muli %parallel_loop3A_90, %parallel_loop3A_169 : i32
      %parallel_loop3A_171 = arith.constant 7 : i32
      %parallel_loop3A_172 = arith.index_cast %parallel_loop3A_171 : i32 to index
      %parallel_loop3A_173 = arith.index_cast %parallel_loop3A_170 : i32 to index
      %parallel_loop3A_174 = tpu.vector_load %arg7[%parallel_loop3A_172, %parallel_loop3A_173] {strides = array<i32>} : memref<32x2048xf32, #tpu.memory_space<vmem>>, vector<16xf32>,
      tpu.vector_store %arg7[%parallel_loop3A_172, %parallel_loop3A_173], %parallel_loop3A_168 {strides = array<i32>} : memref<32x2048xf32, #tpu.memory_space<vmem>>, vector<16xf32>,
      %parallel_loop3A_175 = arith.constant 4096 : i32
      %parallel_loop3A_176 = vector.broadcast %parallel_loop3A_175 : i32 to vector<16xi32>
      %parallel_loop3A_177 = arith.addi %parallel_loop3A_94, %parallel_loop3A_176 : vector<16xi32>
      %parallel_loop3A_178 = tpu.vector_load_idx %arg5[%parallel_loop3A_177] : memref<16384xf32, #tpu.memory_space<vmem>>[vector<16xi32>], vector<16xf32>,
      %parallel_loop3A_179 = arith.constant 16 : i32
      %parallel_loop3A_180 = arith.muli %parallel_loop3A_90, %parallel_loop3A_179 : i32
      %parallel_loop3A_181 = arith.constant 8 : i32
      %parallel_loop3A_182 = arith.index_cast %parallel_loop3A_181 : i32 to index
      %parallel_loop3A_183 = arith.index_cast %parallel_loop3A_180 : i32 to index
      %parallel_loop3A_184 = tpu.vector_load %arg7[%parallel_loop3A_182, %parallel_loop3A_183] {strides = array<i32>} : memref<32x2048xf32, #tpu.memory_space<vmem>>, vector<16xf32>,
      tpu.vector_store %arg7[%parallel_loop3A_182, %parallel_loop3A_183], %parallel_loop3A_178 {strides = array<i32>} : memref<32x2048xf32, #tpu.memory_space<vmem>>, vector<16xf32>,
      %parallel_loop3A_185 = arith.constant 4608 : i32
      %parallel_loop3A_186 = vector.broadcast %parallel_loop3A_185 : i32 to vector<16xi32>
      %parallel_loop3A_187 = arith.addi %parallel_loop3A_94, %parallel_loop3A_186 : vector<16xi32>
      %parallel_loop3A_188 = tpu.vector_load_idx %arg5[%parallel_loop3A_187] : memref<16384xf32, #tpu.memory_space<vmem>>[vector<16xi32>], vector<16xf32>,
      %parallel_loop3A_189 = arith.constant 16 : i32
      %parallel_loop3A_190 = arith.muli %parallel_loop3A_90, %parallel_loop3A_189 : i32
      %parallel_loop3A_191 = arith.constant 9 : i32
      %parallel_loop3A_192 = arith.index_cast %parallel_loop3A_191 : i32 to index
      %parallel_loop3A_193 = arith.index_cast %parallel_loop3A_190 : i32 to index
      %parallel_loop3A_194 = tpu.vector_load %arg7[%parallel_loop3A_192, %parallel_loop3A_193] {strides = array<i32>} : memref<32x2048xf32, #tpu.memory_space<vmem>>, vector<16xf32>,
      tpu.vector_store %arg7[%parallel_loop3A_192, %parallel_loop3A_193], %parallel_loop3A_188 {strides = array<i32>} : memref<32x2048xf32, #tpu.memory_space<vmem>>, vector<16xf32>,
      %parallel_loop3A_195 = arith.constant 5120 : i32
      %parallel_loop3A_196 = vector.broadcast %parallel_loop3A_195 : i32 to vector<16xi32>
      %parallel_loop3A_197 = arith.addi %parallel_loop3A_94, %parallel_loop3A_196 : vector<16xi32>
      %parallel_loop3A_198 = tpu.vector_load_idx %arg5[%parallel_loop3A_197] : memref<16384xf32, #tpu.memory_space<vmem>>[vector<16xi32>], vector<16xf32>,
      %parallel_loop3A_199 = arith.constant 16 : i32
      %parallel_loop3A_200 = arith.muli %parallel_loop3A_90, %parallel_loop3A_199 : i32
      %parallel_loop3A_201 = arith.constant 10 : i32
      %parallel_loop3A_202 = arith.index_cast %parallel_loop3A_201 : i32 to index
      %parallel_loop3A_203 = arith.index_cast %parallel_loop3A_200 : i32 to index
      %parallel_loop3A_204 = tpu.vector_load %arg7[%parallel_loop3A_202, %parallel_loop3A_203] {strides = array<i32>} : memref<32x2048xf32, #tpu.memory_space<vmem>>, vector<16xf32>,
      tpu.vector_store %arg7[%parallel_loop3A_202, %parallel_loop3A_203], %parallel_loop3A_198 {strides = array<i32>} : memref<32x2048xf32, #tpu.memory_space<vmem>>, vector<16xf32>,
      %parallel_loop3A_205 = arith.constant 5632 : i32
      %parallel_loop3A_206 = vector.broadcast %parallel_loop3A_205 : i32 to vector<16xi32>
      %parallel_loop3A_207 = arith.addi %parallel_loop3A_94, %parallel_loop3A_206 : vector<16xi32>
      %parallel_loop3A_208 = tpu.vector_load_idx %arg5[%parallel_loop3A_207] : memref<16384xf32, #tpu.memory_space<vmem>>[vector<16xi32>], vector<16xf32>,
      %parallel_loop3A_209 = arith.constant 16 : i32
      %parallel_loop3A_210 = arith.muli %parallel_loop3A_90, %parallel_loop3A_209 : i32
      %parallel_loop3A_211 = arith.constant 11 : i32
      %parallel_loop3A_212 = arith.index_cast %parallel_loop3A_211 : i32 to index
      %parallel_loop3A_213 = arith.index_cast %parallel_loop3A_210 : i32 to index
      %parallel_loop3A_214 = tpu.vector_load %arg7[%parallel_loop3A_212, %parallel_loop3A_213] {strides = array<i32>} : memref<32x2048xf32, #tpu.memory_space<vmem>>, vector<16xf32>,
      tpu.vector_store %arg7[%parallel_loop3A_212, %parallel_loop3A_213], %parallel_loop3A_208 {strides = array<i32>} : memref<32x2048xf32, #tpu.memory_space<vmem>>, vector<16xf32>,
      %parallel_loop3A_215 = arith.constant 6144 : i32
      %parallel_loop3A_216 = vector.broadcast %parallel_loop3A_215 : i32 to vector<16xi32>
      %parallel_loop3A_217 = arith.addi %parallel_loop3A_94, %parallel_loop3A_216 : vector<16xi32>
      %parallel_loop3A_218 = tpu.vector_load_idx %arg5[%parallel_loop3A_217] : memref<16384xf32, #tpu.memory_space<vmem>>[vector<16xi32>], vector<16xf32>,
      %parallel_loop3A_219 = arith.constant 16 : i32
      %parallel_loop3A_220 = arith.muli %parallel_loop3A_90, %parallel_loop3A_219 : i32
      %parallel_loop3A_221 = arith.constant 12 : i32
      %parallel_loop3A_222 = arith.index_cast %parallel_loop3A_221 : i32 to index
      %parallel_loop3A_223 = arith.index_cast %parallel_loop3A_220 : i32 to index
      %parallel_loop3A_224 = tpu.vector_load %arg7[%parallel_loop3A_222, %parallel_loop3A_223] {strides = array<i32>} : memref<32x2048xf32, #tpu.memory_space<vmem>>, vector<16xf32>,
      tpu.vector_store %arg7[%parallel_loop3A_222, %parallel_loop3A_223], %parallel_loop3A_218 {strides = array<i32>} : memref<32x2048xf32, #tpu.memory_space<vmem>>, vector<16xf32>,
      %parallel_loop3A_225 = arith.constant 6656 : i32
      %parallel_loop3A_226 = vector.broadcast %parallel_loop3A_225 : i32 to vector<16xi32>
      %parallel_loop3A_227 = arith.addi %parallel_loop3A_94, %parallel_loop3A_226 : vector<16xi32>
      %parallel_loop3A_228 = tpu.vector_load_idx %arg5[%parallel_loop3A_227] : memref<16384xf32, #tpu.memory_space<vmem>>[vector<16xi32>], vector<16xf32>,
      %parallel_loop3A_229 = arith.constant 16 : i32
      %parallel_loop3A_230 = arith.muli %parallel_loop3A_90, %parallel_loop3A_229 : i32
      %parallel_loop3A_231 = arith.constant 13 : i32
      %parallel_loop3A_232 = arith.index_cast %parallel_loop3A_231 : i32 to index
      %parallel_loop3A_233 = arith.index_cast %parallel_loop3A_230 : i32 to index
      %parallel_loop3A_234 = tpu.vector_load %arg7[%parallel_loop3A_232, %parallel_loop3A_233] {strides = array<i32>} : memref<32x2048xf32, #tpu.memory_space<vmem>>, vector<16xf32>,
      tpu.vector_store %arg7[%parallel_loop3A_232, %parallel_loop3A_233], %parallel_loop3A_228 {strides = array<i32>} : memref<32x2048xf32, #tpu.memory_space<vmem>>, vector<16xf32>,
      %parallel_loop3A_235 = arith.constant 7168 : i32
      %parallel_loop3A_236 = vector.broadcast %parallel_loop3A_235 : i32 to vector<16xi32>
      %parallel_loop3A_237 = arith.addi %parallel_loop3A_94, %parallel_loop3A_236 : vector<16xi32>
      %parallel_loop3A_238 = tpu.vector_load_idx %arg5[%parallel_loop3A_237] : memref<16384xf32, #tpu.memory_space<vmem>>[vector<16xi32>], vector<16xf32>,
      %parallel_loop3A_239 = arith.constant 16 : i32
      %parallel_loop3A_240 = arith.muli %parallel_loop3A_90, %parallel_loop3A_239 : i32
      %parallel_loop3A_241 = arith.constant 14 : i32
      %parallel_loop3A_242 = arith.index_cast %parallel_loop3A_241 : i32 to index
      %parallel_loop3A_243 = arith.index_cast %parallel_loop3A_240 : i32 to index
      %parallel_loop3A_244 = tpu.vector_load %arg7[%parallel_loop3A_242, %parallel_loop3A_243] {strides = array<i32>} : memref<32x2048xf32, #tpu.memory_space<vmem>>, vector<16xf32>,
      tpu.vector_store %arg7[%parallel_loop3A_242, %parallel_loop3A_243], %parallel_loop3A_238 {strides = array<i32>} : memref<32x2048xf32, #tpu.memory_space<vmem>>, vector<16xf32>,
      %parallel_loop3A_245 = arith.constant 7680 : i32
      %parallel_loop3A_246 = vector.broadcast %parallel_loop3A_245 : i32 to vector<16xi32>
      %parallel_loop3A_247 = arith.addi %parallel_loop3A_94, %parallel_loop3A_246 : vector<16xi32>
      %parallel_loop3A_248 = tpu.vector_load_idx %arg5[%parallel_loop3A_247] : memref<16384xf32, #tpu.memory_space<vmem>>[vector<16xi32>], vector<16xf32>,
      %parallel_loop3A_249 = arith.constant 16 : i32
      %parallel_loop3A_250 = arith.muli %parallel_loop3A_90, %parallel_loop3A_249 : i32
      %parallel_loop3A_251 = arith.constant 15 : i32
      %parallel_loop3A_252 = arith.index_cast %parallel_loop3A_251 : i32 to index
      %parallel_loop3A_253 = arith.index_cast %parallel_loop3A_250 : i32 to index
      %parallel_loop3A_254 = tpu.vector_load %arg7[%parallel_loop3A_252, %parallel_loop3A_253] {strides = array<i32>} : memref<32x2048xf32, #tpu.memory_space<vmem>>, vector<16xf32>,
      tpu.vector_store %arg7[%parallel_loop3A_252, %parallel_loop3A_253], %parallel_loop3A_248 {strides = array<i32>} : memref<32x2048xf32, #tpu.memory_space<vmem>>, vector<16xf32>,
      %parallel_loop3A_255 = arith.constant 8192 : i32
      %parallel_loop3A_256 = vector.broadcast %parallel_loop3A_255 : i32 to vector<16xi32>
      %parallel_loop3A_257 = arith.addi %parallel_loop3A_94, %parallel_loop3A_256 : vector<16xi32>
      %parallel_loop3A_258 = tpu.vector_load_idx %arg5[%parallel_loop3A_257] : memref<16384xf32, #tpu.memory_space<vmem>>[vector<16xi32>], vector<16xf32>,
      %parallel_loop3A_259 = arith.constant 16 : i32
      %parallel_loop3A_260 = arith.muli %parallel_loop3A_90, %parallel_loop3A_259 : i32
      %parallel_loop3A_261 = arith.constant 16 : i32
      %parallel_loop3A_262 = arith.index_cast %parallel_loop3A_261 : i32 to index
      %parallel_loop3A_263 = arith.index_cast %parallel_loop3A_260 : i32 to index
      %parallel_loop3A_264 = tpu.vector_load %arg7[%parallel_loop3A_262, %parallel_loop3A_263] {strides = array<i32>} : memref<32x2048xf32, #tpu.memory_space<vmem>>, vector<16xf32>,
      tpu.vector_store %arg7[%parallel_loop3A_262, %parallel_loop3A_263], %parallel_loop3A_258 {strides = array<i32>} : memref<32x2048xf32, #tpu.memory_space<vmem>>, vector<16xf32>,
      %parallel_loop3A_265 = arith.constant 8704 : i32
      %parallel_loop3A_266 = vector.broadcast %parallel_loop3A_265 : i32 to vector<16xi32>
      %parallel_loop3A_267 = arith.addi %parallel_loop3A_94, %parallel_loop3A_266 : vector<16xi32>
      %parallel_loop3A_268 = tpu.vector_load_idx %arg5[%parallel_loop3A_267] : memref<16384xf32, #tpu.memory_space<vmem>>[vector<16xi32>], vector<16xf32>,
      %parallel_loop3A_269 = arith.constant 16 : i32
      %parallel_loop3A_270 = arith.muli %parallel_loop3A_90, %parallel_loop3A_269 : i32
      %parallel_loop3A_271 = arith.constant 17 : i32
      %parallel_loop3A_272 = arith.index_cast %parallel_loop3A_271 : i32 to index
      %parallel_loop3A_273 = arith.index_cast %parallel_loop3A_270 : i32 to index
      %parallel_loop3A_274 = tpu.vector_load %arg7[%parallel_loop3A_272, %parallel_loop3A_273] {strides = array<i32>} : memref<32x2048xf32, #tpu.memory_space<vmem>>, vector<16xf32>,
      tpu.vector_store %arg7[%parallel_loop3A_272, %parallel_loop3A_273], %parallel_loop3A_268 {strides = array<i32>} : memref<32x2048xf32, #tpu.memory_space<vmem>>, vector<16xf32>,
      %parallel_loop3A_275 = arith.constant 9216 : i32
      %parallel_loop3A_276 = vector.broadcast %parallel_loop3A_275 : i32 to vector<16xi32>
      %parallel_loop3A_277 = arith.addi %parallel_loop3A_94, %parallel_loop3A_276 : vector<16xi32>
      %parallel_loop3A_278 = tpu.vector_load_idx %arg5[%parallel_loop3A_277] : memref<16384xf32, #tpu.memory_space<vmem>>[vector<16xi32>], vector<16xf32>,
      %parallel_loop3A_279 = arith.constant 16 : i32
      %parallel_loop3A_280 = arith.muli %parallel_loop3A_90, %parallel_loop3A_279 : i32
      %parallel_loop3A_281 = arith.constant 18 : i32
      %parallel_loop3A_282 = arith.index_cast %parallel_loop3A_281 : i32 to index
      %parallel_loop3A_283 = arith.index_cast %parallel_loop3A_280 : i32 to index
      %parallel_loop3A_284 = tpu.vector_load %arg7[%parallel_loop3A_282, %parallel_loop3A_283] {strides = array<i32>} : memref<32x2048xf32, #tpu.memory_space<vmem>>, vector<16xf32>,
      tpu.vector_store %arg7[%parallel_loop3A_282, %parallel_loop3A_283], %parallel_loop3A_278 {strides = array<i32>} : memref<32x2048xf32, #tpu.memory_space<vmem>>, vector<16xf32>,
      %parallel_loop3A_285 = arith.constant 9728 : i32
      %parallel_loop3A_286 = vector.broadcast %parallel_loop3A_285 : i32 to vector<16xi32>
      %parallel_loop3A_287 = arith.addi %parallel_loop3A_94, %parallel_loop3A_286 : vector<16xi32>
      %parallel_loop3A_288 = tpu.vector_load_idx %arg5[%parallel_loop3A_287] : memref<16384xf32, #tpu.memory_space<vmem>>[vector<16xi32>], vector<16xf32>,
      %parallel_loop3A_289 = arith.constant 16 : i32
      %parallel_loop3A_290 = arith.muli %parallel_loop3A_90, %parallel_loop3A_289 : i32
      %parallel_loop3A_291 = arith.constant 19 : i32
      %parallel_loop3A_292 = arith.index_cast %parallel_loop3A_291 : i32 to index
      %parallel_loop3A_293 = arith.index_cast %parallel_loop3A_290 : i32 to index
      %parallel_loop3A_294 = tpu.vector_load %arg7[%parallel_loop3A_292, %parallel_loop3A_293] {strides = array<i32>} : memref<32x2048xf32, #tpu.memory_space<vmem>>, vector<16xf32>,
      tpu.vector_store %arg7[%parallel_loop3A_292, %parallel_loop3A_293], %parallel_loop3A_288 {strides = array<i32>} : memref<32x2048xf32, #tpu.memory_space<vmem>>, vector<16xf32>,
      %parallel_loop3A_295 = arith.constant 10240 : i32
      %parallel_loop3A_296 = vector.broadcast %parallel_loop3A_295 : i32 to vector<16xi32>
      %parallel_loop3A_297 = arith.addi %parallel_loop3A_94, %parallel_loop3A_296 : vector<16xi32>
      %parallel_loop3A_298 = tpu.vector_load_idx %arg5[%parallel_loop3A_297] : memref<16384xf32, #tpu.memory_space<vmem>>[vector<16xi32>], vector<16xf32>,
      %parallel_loop3A_299 = arith.constant 16 : i32
      %parallel_loop3A_300 = arith.muli %parallel_loop3A_90, %parallel_loop3A_299 : i32
      %parallel_loop3A_301 = arith.constant 20 : i32
      %parallel_loop3A_302 = arith.index_cast %parallel_loop3A_301 : i32 to index
      %parallel_loop3A_303 = arith.index_cast %parallel_loop3A_300 : i32 to index
      %parallel_loop3A_304 = tpu.vector_load %arg7[%parallel_loop3A_302, %parallel_loop3A_303] {strides = array<i32>} : memref<32x2048xf32, #tpu.memory_space<vmem>>, vector<16xf32>,
      tpu.vector_store %arg7[%parallel_loop3A_302, %parallel_loop3A_303], %parallel_loop3A_298 {strides = array<i32>} : memref<32x2048xf32, #tpu.memory_space<vmem>>, vector<16xf32>,
      %parallel_loop3A_305 = arith.constant 10752 : i32
      %parallel_loop3A_306 = vector.broadcast %parallel_loop3A_305 : i32 to vector<16xi32>
      %parallel_loop3A_307 = arith.addi %parallel_loop3A_94, %parallel_loop3A_306 : vector<16xi32>
      %parallel_loop3A_308 = tpu.vector_load_idx %arg5[%parallel_loop3A_307] : memref<16384xf32, #tpu.memory_space<vmem>>[vector<16xi32>], vector<16xf32>,
      %parallel_loop3A_309 = arith.constant 16 : i32
      %parallel_loop3A_310 = arith.muli %parallel_loop3A_90, %parallel_loop3A_309 : i32
      %parallel_loop3A_311 = arith.constant 21 : i32
      %parallel_loop3A_312 = arith.index_cast %parallel_loop3A_311 : i32 to index
      %parallel_loop3A_313 = arith.index_cast %parallel_loop3A_310 : i32 to index
      %parallel_loop3A_314 = tpu.vector_load %arg7[%parallel_loop3A_312, %parallel_loop3A_313] {strides = array<i32>} : memref<32x2048xf32, #tpu.memory_space<vmem>>, vector<16xf32>,
      tpu.vector_store %arg7[%parallel_loop3A_312, %parallel_loop3A_313], %parallel_loop3A_308 {strides = array<i32>} : memref<32x2048xf32, #tpu.memory_space<vmem>>, vector<16xf32>,
      %parallel_loop3A_315 = arith.constant 11264 : i32
      %parallel_loop3A_316 = vector.broadcast %parallel_loop3A_315 : i32 to vector<16xi32>
      %parallel_loop3A_317 = arith.addi %parallel_loop3A_94, %parallel_loop3A_316 : vector<16xi32>
      %parallel_loop3A_318 = tpu.vector_load_idx %arg5[%parallel_loop3A_317] : memref<16384xf32, #tpu.memory_space<vmem>>[vector<16xi32>], vector<16xf32>,
      %parallel_loop3A_319 = arith.constant 16 : i32
      %parallel_loop3A_320 = arith.muli %parallel_loop3A_90, %parallel_loop3A_319 : i32
      %parallel_loop3A_321 = arith.constant 22 : i32
      %parallel_loop3A_322 = arith.index_cast %parallel_loop3A_321 : i32 to index
      %parallel_loop3A_323 = arith.index_cast %parallel_loop3A_320 : i32 to index
      %parallel_loop3A_324 = tpu.vector_load %arg7[%parallel_loop3A_322, %parallel_loop3A_323] {strides = array<i32>} : memref<32x2048xf32, #tpu.memory_space<vmem>>, vector<16xf32>,
      tpu.vector_store %arg7[%parallel_loop3A_322, %parallel_loop3A_323], %parallel_loop3A_318 {strides = array<i32>} : memref<32x2048xf32, #tpu.memory_space<vmem>>, vector<16xf32>,
      %parallel_loop3A_325 = arith.constant 11776 : i32
      %parallel_loop3A_326 = vector.broadcast %parallel_loop3A_325 : i32 to vector<16xi32>
      %parallel_loop3A_327 = arith.addi %parallel_loop3A_94, %parallel_loop3A_326 : vector<16xi32>
      %parallel_loop3A_328 = tpu.vector_load_idx %arg5[%parallel_loop3A_327] : memref<16384xf32, #tpu.memory_space<vmem>>[vector<16xi32>], vector<16xf32>,
      %parallel_loop3A_329 = arith.constant 16 : i32
      %parallel_loop3A_330 = arith.muli %parallel_loop3A_90, %parallel_loop3A_329 : i32
      %parallel_loop3A_331 = arith.constant 23 : i32
      %parallel_loop3A_332 = arith.index_cast %parallel_loop3A_331 : i32 to index
      %parallel_loop3A_333 = arith.index_cast %parallel_loop3A_330 : i32 to index
      %parallel_loop3A_334 = tpu.vector_load %arg7[%parallel_loop3A_332, %parallel_loop3A_333] {strides = array<i32>} : memref<32x2048xf32, #tpu.memory_space<vmem>>, vector<16xf32>,
      tpu.vector_store %arg7[%parallel_loop3A_332, %parallel_loop3A_333], %parallel_loop3A_328 {strides = array<i32>} : memref<32x2048xf32, #tpu.memory_space<vmem>>, vector<16xf32>,
      %parallel_loop3A_335 = arith.constant 12288 : i32
      %parallel_loop3A_336 = vector.broadcast %parallel_loop3A_335 : i32 to vector<16xi32>
      %parallel_loop3A_337 = arith.addi %parallel_loop3A_94, %parallel_loop3A_336 : vector<16xi32>
      %parallel_loop3A_338 = tpu.vector_load_idx %arg5[%parallel_loop3A_337] : memref<16384xf32, #tpu.memory_space<vmem>>[vector<16xi32>], vector<16xf32>,
      %parallel_loop3A_339 = arith.constant 16 : i32
      %parallel_loop3A_340 = arith.muli %parallel_loop3A_90, %parallel_loop3A_339 : i32
      %parallel_loop3A_341 = arith.constant 24 : i32
      %parallel_loop3A_342 = arith.index_cast %parallel_loop3A_341 : i32 to index
      %parallel_loop3A_343 = arith.index_cast %parallel_loop3A_340 : i32 to index
      %parallel_loop3A_344 = tpu.vector_load %arg7[%parallel_loop3A_342, %parallel_loop3A_343] {strides = array<i32>} : memref<32x2048xf32, #tpu.memory_space<vmem>>, vector<16xf32>,
      tpu.vector_store %arg7[%parallel_loop3A_342, %parallel_loop3A_343], %parallel_loop3A_338 {strides = array<i32>} : memref<32x2048xf32, #tpu.memory_space<vmem>>, vector<16xf32>,
      %parallel_loop3A_345 = arith.constant 12800 : i32
      %parallel_loop3A_346 = vector.broadcast %parallel_loop3A_345 : i32 to vector<16xi32>
      %parallel_loop3A_347 = arith.addi %parallel_loop3A_94, %parallel_loop3A_346 : vector<16xi32>
      %parallel_loop3A_348 = tpu.vector_load_idx %arg5[%parallel_loop3A_347] : memref<16384xf32, #tpu.memory_space<vmem>>[vector<16xi32>], vector<16xf32>,
      %parallel_loop3A_349 = arith.constant 16 : i32
      %parallel_loop3A_350 = arith.muli %parallel_loop3A_90, %parallel_loop3A_349 : i32
      %parallel_loop3A_351 = arith.constant 25 : i32
      %parallel_loop3A_352 = arith.index_cast %parallel_loop3A_351 : i32 to index
      %parallel_loop3A_353 = arith.index_cast %parallel_loop3A_350 : i32 to index
      %parallel_loop3A_354 = tpu.vector_load %arg7[%parallel_loop3A_352, %parallel_loop3A_353] {strides = array<i32>} : memref<32x2048xf32, #tpu.memory_space<vmem>>, vector<16xf32>,
      tpu.vector_store %arg7[%parallel_loop3A_352, %parallel_loop3A_353], %parallel_loop3A_348 {strides = array<i32>} : memref<32x2048xf32, #tpu.memory_space<vmem>>, vector<16xf32>,
      %parallel_loop3A_355 = arith.constant 13312 : i32
      %parallel_loop3A_356 = vector.broadcast %parallel_loop3A_355 : i32 to vector<16xi32>
      %parallel_loop3A_357 = arith.addi %parallel_loop3A_94, %parallel_loop3A_356 : vector<16xi32>
      %parallel_loop3A_358 = tpu.vector_load_idx %arg5[%parallel_loop3A_357] : memref<16384xf32, #tpu.memory_space<vmem>>[vector<16xi32>], vector<16xf32>,
      %parallel_loop3A_359 = arith.constant 16 : i32
      %parallel_loop3A_360 = arith.muli %parallel_loop3A_90, %parallel_loop3A_359 : i32
      %parallel_loop3A_361 = arith.constant 26 : i32
      %parallel_loop3A_362 = arith.index_cast %parallel_loop3A_361 : i32 to index
      %parallel_loop3A_363 = arith.index_cast %parallel_loop3A_360 : i32 to index
      %parallel_loop3A_364 = tpu.vector_load %arg7[%parallel_loop3A_362, %parallel_loop3A_363] {strides = array<i32>} : memref<32x2048xf32, #tpu.memory_space<vmem>>, vector<16xf32>,
      tpu.vector_store %arg7[%parallel_loop3A_362, %parallel_loop3A_363], %parallel_loop3A_358 {strides = array<i32>} : memref<32x2048xf32, #tpu.memory_space<vmem>>, vector<16xf32>,
      %parallel_loop3A_365 = arith.constant 13824 : i32
      %parallel_loop3A_366 = vector.broadcast %parallel_loop3A_365 : i32 to vector<16xi32>
      %parallel_loop3A_367 = arith.addi %parallel_loop3A_94, %parallel_loop3A_366 : vector<16xi32>
      %parallel_loop3A_368 = tpu.vector_load_idx %arg5[%parallel_loop3A_367] : memref<16384xf32, #tpu.memory_space<vmem>>[vector<16xi32>], vector<16xf32>,
      %parallel_loop3A_369 = arith.constant 16 : i32
      %parallel_loop3A_370 = arith.muli %parallel_loop3A_90, %parallel_loop3A_369 : i32
      %parallel_loop3A_371 = arith.constant 27 : i32
      %parallel_loop3A_372 = arith.index_cast %parallel_loop3A_371 : i32 to index
      %parallel_loop3A_373 = arith.index_cast %parallel_loop3A_370 : i32 to index
      %parallel_loop3A_374 = tpu.vector_load %arg7[%parallel_loop3A_372, %parallel_loop3A_373] {strides = array<i32>} : memref<32x2048xf32, #tpu.memory_space<vmem>>, vector<16xf32>,
      tpu.vector_store %arg7[%parallel_loop3A_372, %parallel_loop3A_373], %parallel_loop3A_368 {strides = array<i32>} : memref<32x2048xf32, #tpu.memory_space<vmem>>, vector<16xf32>,
      %parallel_loop3A_375 = arith.constant 14336 : i32
      %parallel_loop3A_376 = vector.broadcast %parallel_loop3A_375 : i32 to vector<16xi32>
      %parallel_loop3A_377 = arith.addi %parallel_loop3A_94, %parallel_loop3A_376 : vector<16xi32>
      %parallel_loop3A_378 = tpu.vector_load_idx %arg5[%parallel_loop3A_377] : memref<16384xf32, #tpu.memory_space<vmem>>[vector<16xi32>], vector<16xf32>,
      %parallel_loop3A_379 = arith.constant 16 : i32
      %parallel_loop3A_380 = arith.muli %parallel_loop3A_90, %parallel_loop3A_379 : i32
      %parallel_loop3A_381 = arith.constant 28 : i32
      %parallel_loop3A_382 = arith.index_cast %parallel_loop3A_381 : i32 to index
      %parallel_loop3A_383 = arith.index_cast %parallel_loop3A_380 : i32 to index
      %parallel_loop3A_384 = tpu.vector_load %arg7[%parallel_loop3A_382, %parallel_loop3A_383] {strides = array<i32>} : memref<32x2048xf32, #tpu.memory_space<vmem>>, vector<16xf32>,
      tpu.vector_store %arg7[%parallel_loop3A_382, %parallel_loop3A_383], %parallel_loop3A_378 {strides = array<i32>} : memref<32x2048xf32, #tpu.memory_space<vmem>>, vector<16xf32>,
      %parallel_loop3A_385 = arith.constant 14848 : i32
      %parallel_loop3A_386 = vector.broadcast %parallel_loop3A_385 : i32 to vector<16xi32>
      %parallel_loop3A_387 = arith.addi %parallel_loop3A_94, %parallel_loop3A_386 : vector<16xi32>
      %parallel_loop3A_388 = tpu.vector_load_idx %arg5[%parallel_loop3A_387] : memref<16384xf32, #tpu.memory_space<vmem>>[vector<16xi32>], vector<16xf32>,
      %parallel_loop3A_389 = arith.constant 16 : i32
      %parallel_loop3A_390 = arith.muli %parallel_loop3A_90, %parallel_loop3A_389 : i32
      %parallel_loop3A_391 = arith.constant 29 : i32
      %parallel_loop3A_392 = arith.index_cast %parallel_loop3A_391 : i32 to index
      %parallel_loop3A_393 = arith.index_cast %parallel_loop3A_390 : i32 to index
      %parallel_loop3A_394 = tpu.vector_load %arg7[%parallel_loop3A_392, %parallel_loop3A_393] {strides = array<i32>} : memref<32x2048xf32, #tpu.memory_space<vmem>>, vector<16xf32>,
      tpu.vector_store %arg7[%parallel_loop3A_392, %parallel_loop3A_393], %parallel_loop3A_388 {strides = array<i32>} : memref<32x2048xf32, #tpu.memory_space<vmem>>, vector<16xf32>,
      %parallel_loop3A_395 = arith.constant 15360 : i32
      %parallel_loop3A_396 = vector.broadcast %parallel_loop3A_395 : i32 to vector<16xi32>
      %parallel_loop3A_397 = arith.addi %parallel_loop3A_94, %parallel_loop3A_396 : vector<16xi32>
      %parallel_loop3A_398 = tpu.vector_load_idx %arg5[%parallel_loop3A_397] : memref<16384xf32, #tpu.memory_space<vmem>>[vector<16xi32>], vector<16xf32>,
      %parallel_loop3A_399 = arith.constant 16 : i32
      %parallel_loop3A_400 = arith.muli %parallel_loop3A_90, %parallel_loop3A_399 : i32
      %parallel_loop3A_401 = arith.constant 30 : i32
      %parallel_loop3A_402 = arith.index_cast %parallel_loop3A_401 : i32 to index
      %parallel_loop3A_403 = arith.index_cast %parallel_loop3A_400 : i32 to index
      %parallel_loop3A_404 = tpu.vector_load %arg7[%parallel_loop3A_402, %parallel_loop3A_403] {strides = array<i32>} : memref<32x2048xf32, #tpu.memory_space<vmem>>, vector<16xf32>,
      tpu.vector_store %arg7[%parallel_loop3A_402, %parallel_loop3A_403], %parallel_loop3A_398 {strides = array<i32>} : memref<32x2048xf32, #tpu.memory_space<vmem>>, vector<16xf32>,
      %parallel_loop3A_405 = arith.constant 15872 : i32
      %parallel_loop3A_406 = vector.broadcast %parallel_loop3A_405 : i32 to vector<16xi32>
      %parallel_loop3A_407 = arith.addi %parallel_loop3A_94, %parallel_loop3A_406 : vector<16xi32>
      %parallel_loop3A_408 = tpu.vector_load_idx %arg5[%parallel_loop3A_407] : memref<16384xf32, #tpu.memory_space<vmem>>[vector<16xi32>], vector<16xf32>,
      %parallel_loop3A_409 = arith.constant 16 : i32
      %parallel_loop3A_410 = arith.muli %parallel_loop3A_90, %parallel_loop3A_409 : i32
      %parallel_loop3A_411 = arith.constant 31 : i32
      %parallel_loop3A_412 = arith.index_cast %parallel_loop3A_411 : i32 to index
      %parallel_loop3A_413 = arith.index_cast %parallel_loop3A_410 : i32 to index
      %parallel_loop3A_414 = tpu.vector_load %arg7[%parallel_loop3A_412, %parallel_loop3A_413] {strides = array<i32>} : memref<32x2048xf32, #tpu.memory_space<vmem>>, vector<16xf32>,
      tpu.vector_store %arg7[%parallel_loop3A_412, %parallel_loop3A_413], %parallel_loop3A_408 {strides = array<i32>} : memref<32x2048xf32, #tpu.memory_space<vmem>>, vector<16xf32>,
    } {sc.loop_unroll_factor = 2 : i64, sc.parallel_access}
    %add3A_37 = arith.constant 0 : i32
    %add3A_38 = arith.addi %mul3A_34, %add3A_37 : i32
    %dma_start3A = arith.constant 0 : i32
    %dma_start3A_39 = arith.constant 0 : i32
    %dma_start3A_40 = tpu.memref_slice %arg7[%dma_start3A, %dma_start3A_39] : memref<32x2048xf32, #tpu.memory_space<vmem>> -> memref<32x1024xf32, #tpu.memory_space<vmem>>
    %dma_start3A_41 = arith.constant 0 : i32
    %dma_start3A_42 = tpu.memref_slice %arg4[%select_n3A, %dma_start3A_41, %add3A_38] : memref<16x32x4096xf32, #tpu.memory_space<hbm>> -> memref<1x32x1024xf32, #tpu.memory_space<hbm>>
    %dma_start3A_43 = tpu.memref_squeeze %dma_start3A_42 : memref<1x32x1024xf32, #tpu.memory_space<hbm>> -> memref<32x1024xf32, #tpu.memory_space<hbm>>
    %dma_start3A_44 = arith.constant 0 : i32
    %dma_start3A_45 = tpu.memref_slice %arg4[%select_n3A, %dma_start3A_44, %add3A_38] : memref<16x32x4096xf32, #tpu.memory_space<hbm>> -> memref<1x32x1024xf32, #tpu.memory_space<hbm>>
    %dma_start3A_46 = tpu.memref_squeeze %dma_start3A_45 : memref<1x32x1024xf32, #tpu.memory_space<hbm>> -> memref<32x1024xf32, #tpu.memory_space<hbm>>
    %dma_start3A_47 = arith.constant 0 : i32
    %dma_start3A_48 = arith.constant 0 : i32
    %dma_start3A_49 = tpu.memref_slice %arg7[%dma_start3A_47, %dma_start3A_48] : memref<32x2048xf32, #tpu.memory_space<vmem>> -> memref<32x1024xf32, #tpu.memory_space<vmem>>
    tpu.enqueue_dma source(%dma_start3A_49 : memref<32x1024xf32, #tpu.memory_space<vmem>>) target(%dma_start3A_46 : memref<32x1024xf32, #tpu.memory_space<hbm>>) target_semaphore(%arg8 : memref<!tpu.dma_semaphore, #tpu.memory_space<semaphore_mem>>)
    %parallel_loop3A_50 = arith.constant 64 : i32
    %parallel_loop3A_51 = arith.constant 128 : i32
    %parallel_loop3A_52 = arith.constant 1 : i32
    scf.for %parallel_loop3A_90 = %parallel_loop3A_50 to %parallel_loop3A_51 step %parallel_loop3A_52  : i32 {
      %parallel_loop3A_91 = arith.constant 16 : i32
      %parallel_loop3A_92 = arith.muli %parallel_loop3A_90, %parallel_loop3A_91 : i32
      %parallel_loop3A_93 = arith.index_cast %parallel_loop3A_92 : i32 to index
      %parallel_loop3A_94 = tpu.vector_load %arg6[%parallel_loop3A_93] {strides = array<i32>} : memref<2048xi32, #tpu.memory_space<vmem>>, vector<16xi32>,
      %parallel_loop3A_95 = arith.constant 0 : i32
      %parallel_loop3A_96 = vector.broadcast %parallel_loop3A_95 : i32 to vector<16xi32>
      %parallel_loop3A_97 = arith.addi %parallel_loop3A_94, %parallel_loop3A_96 : vector<16xi32>
      %parallel_loop3A_98 = tpu.vector_load_idx %arg5[%parallel_loop3A_97] : memref<16384xf32, #tpu.memory_space<vmem>>[vector<16xi32>], vector<16xf32>,
      %parallel_loop3A_99 = arith.constant 16 : i32
      %parallel_loop3A_100 = arith.muli %parallel_loop3A_90, %parallel_loop3A_99 : i32
      %parallel_loop3A_101 = arith.constant 0 : i32
      %parallel_loop3A_102 = arith.index_cast %parallel_loop3A_101 : i32 to index
      %parallel_loop3A_103 = arith.index_cast %parallel_loop3A_100 : i32 to index
      %parallel_loop3A_104 = tpu.vector_load %arg7[%parallel_loop3A_102, %parallel_loop3A_103] {strides = array<i32>} : memref<32x2048xf32, #tpu.memory_space<vmem>>, vector<16xf32>,
      tpu.vector_store %arg7[%parallel_loop3A_102, %parallel_loop3A_103], %parallel_loop3A_98 {strides = array<i32>} : memref<32x2048xf32, #tpu.memory_space<vmem>>, vector<16xf32>,
      %parallel_loop3A_105 = arith.constant 512 : i32
      %parallel_loop3A_106 = vector.broadcast %parallel_loop3A_105 : i32 to vector<16xi32>
      %parallel_loop3A_107 = arith.addi %parallel_loop3A_94, %parallel_loop3A_106 : vector<16xi32>
      %parallel_loop3A_108 = tpu.vector_load_idx %arg5[%parallel_loop3A_107] : memref<16384xf32, #tpu.memory_space<vmem>>[vector<16xi32>], vector<16xf32>,
      %parallel_loop3A_109 = arith.constant 16 : i32
      %parallel_loop3A_110 = arith.muli %parallel_loop3A_90, %parallel_loop3A_109 : i32
      %parallel_loop3A_111 = arith.constant 1 : i32
      %parallel_loop3A_112 = arith.index_cast %parallel_loop3A_111 : i32 to index
      %parallel_loop3A_113 = arith.index_cast %parallel_loop3A_110 : i32 to index
      %parallel_loop3A_114 = tpu.vector_load %arg7[%parallel_loop3A_112, %parallel_loop3A_113] {strides = array<i32>} : memref<32x2048xf32, #tpu.memory_space<vmem>>, vector<16xf32>,
      tpu.vector_store %arg7[%parallel_loop3A_112, %parallel_loop3A_113], %parallel_loop3A_108 {strides = array<i32>} : memref<32x2048xf32, #tpu.memory_space<vmem>>, vector<16xf32>,
      %parallel_loop3A_115 = arith.constant 1024 : i32
      %parallel_loop3A_116 = vector.broadcast %parallel_loop3A_115 : i32 to vector<16xi32>
      %parallel_loop3A_117 = arith.addi %parallel_loop3A_94, %parallel_loop3A_116 : vector<16xi32>
      %parallel_loop3A_118 = tpu.vector_load_idx %arg5[%parallel_loop3A_117] : memref<16384xf32, #tpu.memory_space<vmem>>[vector<16xi32>], vector<16xf32>,
      %parallel_loop3A_119 = arith.constant 16 : i32
      %parallel_loop3A_120 = arith.muli %parallel_loop3A_90, %parallel_loop3A_119 : i32
      %parallel_loop3A_121 = arith.constant 2 : i32
      %parallel_loop3A_122 = arith.index_cast %parallel_loop3A_121 : i32 to index
      %parallel_loop3A_123 = arith.index_cast %parallel_loop3A_120 : i32 to index
      %parallel_loop3A_124 = tpu.vector_load %arg7[%parallel_loop3A_122, %parallel_loop3A_123] {strides = array<i32>} : memref<32x2048xf32, #tpu.memory_space<vmem>>, vector<16xf32>,
      tpu.vector_store %arg7[%parallel_loop3A_122, %parallel_loop3A_123], %parallel_loop3A_118 {strides = array<i32>} : memref<32x2048xf32, #tpu.memory_space<vmem>>, vector<16xf32>,
      %parallel_loop3A_125 = arith.constant 1536 : i32
      %parallel_loop3A_126 = vector.broadcast %parallel_loop3A_125 : i32 to vector<16xi32>
      %parallel_loop3A_127 = arith.addi %parallel_loop3A_94, %parallel_loop3A_126 : vector<16xi32>
      %parallel_loop3A_128 = tpu.vector_load_idx %arg5[%parallel_loop3A_127] : memref<16384xf32, #tpu.memory_space<vmem>>[vector<16xi32>], vector<16xf32>,
      %parallel_loop3A_129 = arith.constant 16 : i32
      %parallel_loop3A_130 = arith.muli %parallel_loop3A_90, %parallel_loop3A_129 : i32
      %parallel_loop3A_131 = arith.constant 3 : i32
      %parallel_loop3A_132 = arith.index_cast %parallel_loop3A_131 : i32 to index
      %parallel_loop3A_133 = arith.index_cast %parallel_loop3A_130 : i32 to index
      %parallel_loop3A_134 = tpu.vector_load %arg7[%parallel_loop3A_132, %parallel_loop3A_133] {strides = array<i32>} : memref<32x2048xf32, #tpu.memory_space<vmem>>, vector<16xf32>,
      tpu.vector_store %arg7[%parallel_loop3A_132, %parallel_loop3A_133], %parallel_loop3A_128 {strides = array<i32>} : memref<32x2048xf32, #tpu.memory_space<vmem>>, vector<16xf32>,
      %parallel_loop3A_135 = arith.constant 2048 : i32
      %parallel_loop3A_136 = vector.broadcast %parallel_loop3A_135 : i32 to vector<16xi32>
      %parallel_loop3A_137 = arith.addi %parallel_loop3A_94, %parallel_loop3A_136 : vector<16xi32>
      %parallel_loop3A_138 = tpu.vector_load_idx %arg5[%parallel_loop3A_137] : memref<16384xf32, #tpu.memory_space<vmem>>[vector<16xi32>], vector<16xf32>,
      %parallel_loop3A_139 = arith.constant 16 : i32
      %parallel_loop3A_140 = arith.muli %parallel_loop3A_90, %parallel_loop3A_139 : i32
      %parallel_loop3A_141 = arith.constant 4 : i32
      %parallel_loop3A_142 = arith.index_cast %parallel_loop3A_141 : i32 to index
      %parallel_loop3A_143 = arith.index_cast %parallel_loop3A_140 : i32 to index
      %parallel_loop3A_144 = tpu.vector_load %arg7[%parallel_loop3A_142, %parallel_loop3A_143] {strides = array<i32>} : memref<32x2048xf32, #tpu.memory_space<vmem>>, vector<16xf32>,
      tpu.vector_store %arg7[%parallel_loop3A_142, %parallel_loop3A_143], %parallel_loop3A_138 {strides = array<i32>} : memref<32x2048xf32, #tpu.memory_space<vmem>>, vector<16xf32>,
      %parallel_loop3A_145 = arith.constant 2560 : i32
      %parallel_loop3A_146 = vector.broadcast %parallel_loop3A_145 : i32 to vector<16xi32>
      %parallel_loop3A_147 = arith.addi %parallel_loop3A_94, %parallel_loop3A_146 : vector<16xi32>
      %parallel_loop3A_148 = tpu.vector_load_idx %arg5[%parallel_loop3A_147] : memref<16384xf32, #tpu.memory_space<vmem>>[vector<16xi32>], vector<16xf32>,
      %parallel_loop3A_149 = arith.constant 16 : i32
      %parallel_loop3A_150 = arith.muli %parallel_loop3A_90, %parallel_loop3A_149 : i32
      %parallel_loop3A_151 = arith.constant 5 : i32
      %parallel_loop3A_152 = arith.index_cast %parallel_loop3A_151 : i32 to index
      %parallel_loop3A_153 = arith.index_cast %parallel_loop3A_150 : i32 to index
      %parallel_loop3A_154 = tpu.vector_load %arg7[%parallel_loop3A_152, %parallel_loop3A_153] {strides = array<i32>} : memref<32x2048xf32, #tpu.memory_space<vmem>>, vector<16xf32>,
      tpu.vector_store %arg7[%parallel_loop3A_152, %parallel_loop3A_153], %parallel_loop3A_148 {strides = array<i32>} : memref<32x2048xf32, #tpu.memory_space<vmem>>, vector<16xf32>,
      %parallel_loop3A_155 = arith.constant 3072 : i32
      %parallel_loop3A_156 = vector.broadcast %parallel_loop3A_155 : i32 to vector<16xi32>
      %parallel_loop3A_157 = arith.addi %parallel_loop3A_94, %parallel_loop3A_156 : vector<16xi32>
      %parallel_loop3A_158 = tpu.vector_load_idx %arg5[%parallel_loop3A_157] : memref<16384xf32, #tpu.memory_space<vmem>>[vector<16xi32>], vector<16xf32>,
      %parallel_loop3A_159 = arith.constant 16 : i32
      %parallel_loop3A_160 = arith.muli %parallel_loop3A_90, %parallel_loop3A_159 : i32
      %parallel_loop3A_161 = arith.constant 6 : i32
      %parallel_loop3A_162 = arith.index_cast %parallel_loop3A_161 : i32 to index
      %parallel_loop3A_163 = arith.index_cast %parallel_loop3A_160 : i32 to index
      %parallel_loop3A_164 = tpu.vector_load %arg7[%parallel_loop3A_162, %parallel_loop3A_163] {strides = array<i32>} : memref<32x2048xf32, #tpu.memory_space<vmem>>, vector<16xf32>,
      tpu.vector_store %arg7[%parallel_loop3A_162, %parallel_loop3A_163], %parallel_loop3A_158 {strides = array<i32>} : memref<32x2048xf32, #tpu.memory_space<vmem>>, vector<16xf32>,
      %parallel_loop3A_165 = arith.constant 3584 : i32
      %parallel_loop3A_166 = vector.broadcast %parallel_loop3A_165 : i32 to vector<16xi32>
      %parallel_loop3A_167 = arith.addi %parallel_loop3A_94, %parallel_loop3A_166 : vector<16xi32>
      %parallel_loop3A_168 = tpu.vector_load_idx %arg5[%parallel_loop3A_167] : memref<16384xf32, #tpu.memory_space<vmem>>[vector<16xi32>], vector<16xf32>,
      %parallel_loop3A_169 = arith.constant 16 : i32
      %parallel_loop3A_170 = arith.muli %parallel_loop3A_90, %parallel_loop3A_169 : i32
      %parallel_loop3A_171 = arith.constant 7 : i32
      %parallel_loop3A_172 = arith.index_cast %parallel_loop3A_171 : i32 to index
      %parallel_loop3A_173 = arith.index_cast %parallel_loop3A_170 : i32 to index
      %parallel_loop3A_174 = tpu.vector_load %arg7[%parallel_loop3A_172, %parallel_loop3A_173] {strides = array<i32>} : memref<32x2048xf32, #tpu.memory_space<vmem>>, vector<16xf32>,
      tpu.vector_store %arg7[%parallel_loop3A_172, %parallel_loop3A_173], %parallel_loop3A_168 {strides = array<i32>} : memref<32x2048xf32, #tpu.memory_space<vmem>>, vector<16xf32>,
      %parallel_loop3A_175 = arith.constant 4096 : i32
      %parallel_loop3A_176 = vector.broadcast %parallel_loop3A_175 : i32 to vector<16xi32>
      %parallel_loop3A_177 = arith.addi %parallel_loop3A_94, %parallel_loop3A_176 : vector<16xi32>
      %parallel_loop3A_178 = tpu.vector_load_idx %arg5[%parallel_loop3A_177] : memref<16384xf32, #tpu.memory_space<vmem>>[vector<16xi32>], vector<16xf32>,
      %parallel_loop3A_179 = arith.constant 16 : i32
      %parallel_loop3A_180 = arith.muli %parallel_loop3A_90, %parallel_loop3A_179 : i32
      %parallel_loop3A_181 = arith.constant 8 : i32
      %parallel_loop3A_182 = arith.index_cast %parallel_loop3A_181 : i32 to index
      %parallel_loop3A_183 = arith.index_cast %parallel_loop3A_180 : i32 to index
      %parallel_loop3A_184 = tpu.vector_load %arg7[%parallel_loop3A_182, %parallel_loop3A_183] {strides = array<i32>} : memref<32x2048xf32, #tpu.memory_space<vmem>>, vector<16xf32>,
      tpu.vector_store %arg7[%parallel_loop3A_182, %parallel_loop3A_183], %parallel_loop3A_178 {strides = array<i32>} : memref<32x2048xf32, #tpu.memory_space<vmem>>, vector<16xf32>,
      %parallel_loop3A_185 = arith.constant 4608 : i32
      %parallel_loop3A_186 = vector.broadcast %parallel_loop3A_185 : i32 to vector<16xi32>
      %parallel_loop3A_187 = arith.addi %parallel_loop3A_94, %parallel_loop3A_186 : vector<16xi32>
      %parallel_loop3A_188 = tpu.vector_load_idx %arg5[%parallel_loop3A_187] : memref<16384xf32, #tpu.memory_space<vmem>>[vector<16xi32>], vector<16xf32>,
      %parallel_loop3A_189 = arith.constant 16 : i32
      %parallel_loop3A_190 = arith.muli %parallel_loop3A_90, %parallel_loop3A_189 : i32
      %parallel_loop3A_191 = arith.constant 9 : i32
      %parallel_loop3A_192 = arith.index_cast %parallel_loop3A_191 : i32 to index
      %parallel_loop3A_193 = arith.index_cast %parallel_loop3A_190 : i32 to index
      %parallel_loop3A_194 = tpu.vector_load %arg7[%parallel_loop3A_192, %parallel_loop3A_193] {strides = array<i32>} : memref<32x2048xf32, #tpu.memory_space<vmem>>, vector<16xf32>,
      tpu.vector_store %arg7[%parallel_loop3A_192, %parallel_loop3A_193], %parallel_loop3A_188 {strides = array<i32>} : memref<32x2048xf32, #tpu.memory_space<vmem>>, vector<16xf32>,
      %parallel_loop3A_195 = arith.constant 5120 : i32
      %parallel_loop3A_196 = vector.broadcast %parallel_loop3A_195 : i32 to vector<16xi32>
      %parallel_loop3A_197 = arith.addi %parallel_loop3A_94, %parallel_loop3A_196 : vector<16xi32>
      %parallel_loop3A_198 = tpu.vector_load_idx %arg5[%parallel_loop3A_197] : memref<16384xf32, #tpu.memory_space<vmem>>[vector<16xi32>], vector<16xf32>,
      %parallel_loop3A_199 = arith.constant 16 : i32
      %parallel_loop3A_200 = arith.muli %parallel_loop3A_90, %parallel_loop3A_199 : i32
      %parallel_loop3A_201 = arith.constant 10 : i32
      %parallel_loop3A_202 = arith.index_cast %parallel_loop3A_201 : i32 to index
      %parallel_loop3A_203 = arith.index_cast %parallel_loop3A_200 : i32 to index
      %parallel_loop3A_204 = tpu.vector_load %arg7[%parallel_loop3A_202, %parallel_loop3A_203] {strides = array<i32>} : memref<32x2048xf32, #tpu.memory_space<vmem>>, vector<16xf32>,
      tpu.vector_store %arg7[%parallel_loop3A_202, %parallel_loop3A_203], %parallel_loop3A_198 {strides = array<i32>} : memref<32x2048xf32, #tpu.memory_space<vmem>>, vector<16xf32>,
      %parallel_loop3A_205 = arith.constant 5632 : i32
      %parallel_loop3A_206 = vector.broadcast %parallel_loop3A_205 : i32 to vector<16xi32>
      %parallel_loop3A_207 = arith.addi %parallel_loop3A_94, %parallel_loop3A_206 : vector<16xi32>
      %parallel_loop3A_208 = tpu.vector_load_idx %arg5[%parallel_loop3A_207] : memref<16384xf32, #tpu.memory_space<vmem>>[vector<16xi32>], vector<16xf32>,
      %parallel_loop3A_209 = arith.constant 16 : i32
      %parallel_loop3A_210 = arith.muli %parallel_loop3A_90, %parallel_loop3A_209 : i32
      %parallel_loop3A_211 = arith.constant 11 : i32
      %parallel_loop3A_212 = arith.index_cast %parallel_loop3A_211 : i32 to index
      %parallel_loop3A_213 = arith.index_cast %parallel_loop3A_210 : i32 to index
      %parallel_loop3A_214 = tpu.vector_load %arg7[%parallel_loop3A_212, %parallel_loop3A_213] {strides = array<i32>} : memref<32x2048xf32, #tpu.memory_space<vmem>>, vector<16xf32>,
      tpu.vector_store %arg7[%parallel_loop3A_212, %parallel_loop3A_213], %parallel_loop3A_208 {strides = array<i32>} : memref<32x2048xf32, #tpu.memory_space<vmem>>, vector<16xf32>,
      %parallel_loop3A_215 = arith.constant 6144 : i32
      %parallel_loop3A_216 = vector.broadcast %parallel_loop3A_215 : i32 to vector<16xi32>
      %parallel_loop3A_217 = arith.addi %parallel_loop3A_94, %parallel_loop3A_216 : vector<16xi32>
      %parallel_loop3A_218 = tpu.vector_load_idx %arg5[%parallel_loop3A_217] : memref<16384xf32, #tpu.memory_space<vmem>>[vector<16xi32>], vector<16xf32>,
      %parallel_loop3A_219 = arith.constant 16 : i32
      %parallel_loop3A_220 = arith.muli %parallel_loop3A_90, %parallel_loop3A_219 : i32
      %parallel_loop3A_221 = arith.constant 12 : i32
      %parallel_loop3A_222 = arith.index_cast %parallel_loop3A_221 : i32 to index
      %parallel_loop3A_223 = arith.index_cast %parallel_loop3A_220 : i32 to index
      %parallel_loop3A_224 = tpu.vector_load %arg7[%parallel_loop3A_222, %parallel_loop3A_223] {strides = array<i32>} : memref<32x2048xf32, #tpu.memory_space<vmem>>, vector<16xf32>,
      tpu.vector_store %arg7[%parallel_loop3A_222, %parallel_loop3A_223], %parallel_loop3A_218 {strides = array<i32>} : memref<32x2048xf32, #tpu.memory_space<vmem>>, vector<16xf32>,
      %parallel_loop3A_225 = arith.constant 6656 : i32
      %parallel_loop3A_226 = vector.broadcast %parallel_loop3A_225 : i32 to vector<16xi32>
      %parallel_loop3A_227 = arith.addi %parallel_loop3A_94, %parallel_loop3A_226 : vector<16xi32>
      %parallel_loop3A_228 = tpu.vector_load_idx %arg5[%parallel_loop3A_227] : memref<16384xf32, #tpu.memory_space<vmem>>[vector<16xi32>], vector<16xf32>,
      %parallel_loop3A_229 = arith.constant 16 : i32
      %parallel_loop3A_230 = arith.muli %parallel_loop3A_90, %parallel_loop3A_229 : i32
      %parallel_loop3A_231 = arith.constant 13 : i32
      %parallel_loop3A_232 = arith.index_cast %parallel_loop3A_231 : i32 to index
      %parallel_loop3A_233 = arith.index_cast %parallel_loop3A_230 : i32 to index
      %parallel_loop3A_234 = tpu.vector_load %arg7[%parallel_loop3A_232, %parallel_loop3A_233] {strides = array<i32>} : memref<32x2048xf32, #tpu.memory_space<vmem>>, vector<16xf32>,
      tpu.vector_store %arg7[%parallel_loop3A_232, %parallel_loop3A_233], %parallel_loop3A_228 {strides = array<i32>} : memref<32x2048xf32, #tpu.memory_space<vmem>>, vector<16xf32>,
      %parallel_loop3A_235 = arith.constant 7168 : i32
      %parallel_loop3A_236 = vector.broadcast %parallel_loop3A_235 : i32 to vector<16xi32>
      %parallel_loop3A_237 = arith.addi %parallel_loop3A_94, %parallel_loop3A_236 : vector<16xi32>
      %parallel_loop3A_238 = tpu.vector_load_idx %arg5[%parallel_loop3A_237] : memref<16384xf32, #tpu.memory_space<vmem>>[vector<16xi32>], vector<16xf32>,
      %parallel_loop3A_239 = arith.constant 16 : i32
      %parallel_loop3A_240 = arith.muli %parallel_loop3A_90, %parallel_loop3A_239 : i32
      %parallel_loop3A_241 = arith.constant 14 : i32
      %parallel_loop3A_242 = arith.index_cast %parallel_loop3A_241 : i32 to index
      %parallel_loop3A_243 = arith.index_cast %parallel_loop3A_240 : i32 to index
      %parallel_loop3A_244 = tpu.vector_load %arg7[%parallel_loop3A_242, %parallel_loop3A_243] {strides = array<i32>} : memref<32x2048xf32, #tpu.memory_space<vmem>>, vector<16xf32>,
      tpu.vector_store %arg7[%parallel_loop3A_242, %parallel_loop3A_243], %parallel_loop3A_238 {strides = array<i32>} : memref<32x2048xf32, #tpu.memory_space<vmem>>, vector<16xf32>,
      %parallel_loop3A_245 = arith.constant 7680 : i32
      %parallel_loop3A_246 = vector.broadcast %parallel_loop3A_245 : i32 to vector<16xi32>
      %parallel_loop3A_247 = arith.addi %parallel_loop3A_94, %parallel_loop3A_246 : vector<16xi32>
      %parallel_loop3A_248 = tpu.vector_load_idx %arg5[%parallel_loop3A_247] : memref<16384xf32, #tpu.memory_space<vmem>>[vector<16xi32>], vector<16xf32>,
      %parallel_loop3A_249 = arith.constant 16 : i32
      %parallel_loop3A_250 = arith.muli %parallel_loop3A_90, %parallel_loop3A_249 : i32
      %parallel_loop3A_251 = arith.constant 15 : i32
      %parallel_loop3A_252 = arith.index_cast %parallel_loop3A_251 : i32 to index
      %parallel_loop3A_253 = arith.index_cast %parallel_loop3A_250 : i32 to index
      %parallel_loop3A_254 = tpu.vector_load %arg7[%parallel_loop3A_252, %parallel_loop3A_253] {strides = array<i32>} : memref<32x2048xf32, #tpu.memory_space<vmem>>, vector<16xf32>,
      tpu.vector_store %arg7[%parallel_loop3A_252, %parallel_loop3A_253], %parallel_loop3A_248 {strides = array<i32>} : memref<32x2048xf32, #tpu.memory_space<vmem>>, vector<16xf32>,
      %parallel_loop3A_255 = arith.constant 8192 : i32
      %parallel_loop3A_256 = vector.broadcast %parallel_loop3A_255 : i32 to vector<16xi32>
      %parallel_loop3A_257 = arith.addi %parallel_loop3A_94, %parallel_loop3A_256 : vector<16xi32>
      %parallel_loop3A_258 = tpu.vector_load_idx %arg5[%parallel_loop3A_257] : memref<16384xf32, #tpu.memory_space<vmem>>[vector<16xi32>], vector<16xf32>,
      %parallel_loop3A_259 = arith.constant 16 : i32
      %parallel_loop3A_260 = arith.muli %parallel_loop3A_90, %parallel_loop3A_259 : i32
      %parallel_loop3A_261 = arith.constant 16 : i32
      %parallel_loop3A_262 = arith.index_cast %parallel_loop3A_261 : i32 to index
      %parallel_loop3A_263 = arith.index_cast %parallel_loop3A_260 : i32 to index
      %parallel_loop3A_264 = tpu.vector_load %arg7[%parallel_loop3A_262, %parallel_loop3A_263] {strides = array<i32>} : memref<32x2048xf32, #tpu.memory_space<vmem>>, vector<16xf32>,
      tpu.vector_store %arg7[%parallel_loop3A_262, %parallel_loop3A_263], %parallel_loop3A_258 {strides = array<i32>} : memref<32x2048xf32, #tpu.memory_space<vmem>>, vector<16xf32>,
      %parallel_loop3A_265 = arith.constant 8704 : i32
      %parallel_loop3A_266 = vector.broadcast %parallel_loop3A_265 : i32 to vector<16xi32>
      %parallel_loop3A_267 = arith.addi %parallel_loop3A_94, %parallel_loop3A_266 : vector<16xi32>
      %parallel_loop3A_268 = tpu.vector_load_idx %arg5[%parallel_loop3A_267] : memref<16384xf32, #tpu.memory_space<vmem>>[vector<16xi32>], vector<16xf32>,
      %parallel_loop3A_269 = arith.constant 16 : i32
      %parallel_loop3A_270 = arith.muli %parallel_loop3A_90, %parallel_loop3A_269 : i32
      %parallel_loop3A_271 = arith.constant 17 : i32
      %parallel_loop3A_272 = arith.index_cast %parallel_loop3A_271 : i32 to index
      %parallel_loop3A_273 = arith.index_cast %parallel_loop3A_270 : i32 to index
      %parallel_loop3A_274 = tpu.vector_load %arg7[%parallel_loop3A_272, %parallel_loop3A_273] {strides = array<i32>} : memref<32x2048xf32, #tpu.memory_space<vmem>>, vector<16xf32>,
      tpu.vector_store %arg7[%parallel_loop3A_272, %parallel_loop3A_273], %parallel_loop3A_268 {strides = array<i32>} : memref<32x2048xf32, #tpu.memory_space<vmem>>, vector<16xf32>,
      %parallel_loop3A_275 = arith.constant 9216 : i32
      %parallel_loop3A_276 = vector.broadcast %parallel_loop3A_275 : i32 to vector<16xi32>
      %parallel_loop3A_277 = arith.addi %parallel_loop3A_94, %parallel_loop3A_276 : vector<16xi32>
      %parallel_loop3A_278 = tpu.vector_load_idx %arg5[%parallel_loop3A_277] : memref<16384xf32, #tpu.memory_space<vmem>>[vector<16xi32>], vector<16xf32>,
      %parallel_loop3A_279 = arith.constant 16 : i32
      %parallel_loop3A_280 = arith.muli %parallel_loop3A_90, %parallel_loop3A_279 : i32
      %parallel_loop3A_281 = arith.constant 18 : i32
      %parallel_loop3A_282 = arith.index_cast %parallel_loop3A_281 : i32 to index
      %parallel_loop3A_283 = arith.index_cast %parallel_loop3A_280 : i32 to index
      %parallel_loop3A_284 = tpu.vector_load %arg7[%parallel_loop3A_282, %parallel_loop3A_283] {strides = array<i32>} : memref<32x2048xf32, #tpu.memory_space<vmem>>, vector<16xf32>,
      tpu.vector_store %arg7[%parallel_loop3A_282, %parallel_loop3A_283], %parallel_loop3A_278 {strides = array<i32>} : memref<32x2048xf32, #tpu.memory_space<vmem>>, vector<16xf32>,
      %parallel_loop3A_285 = arith.constant 9728 : i32
      %parallel_loop3A_286 = vector.broadcast %parallel_loop3A_285 : i32 to vector<16xi32>
      %parallel_loop3A_287 = arith.addi %parallel_loop3A_94, %parallel_loop3A_286 : vector<16xi32>
      %parallel_loop3A_288 = tpu.vector_load_idx %arg5[%parallel_loop3A_287] : memref<16384xf32, #tpu.memory_space<vmem>>[vector<16xi32>], vector<16xf32>,
      %parallel_loop3A_289 = arith.constant 16 : i32
      %parallel_loop3A_290 = arith.muli %parallel_loop3A_90, %parallel_loop3A_289 : i32
      %parallel_loop3A_291 = arith.constant 19 : i32
      %parallel_loop3A_292 = arith.index_cast %parallel_loop3A_291 : i32 to index
      %parallel_loop3A_293 = arith.index_cast %parallel_loop3A_290 : i32 to index
      %parallel_loop3A_294 = tpu.vector_load %arg7[%parallel_loop3A_292, %parallel_loop3A_293] {strides = array<i32>} : memref<32x2048xf32, #tpu.memory_space<vmem>>, vector<16xf32>,
      tpu.vector_store %arg7[%parallel_loop3A_292, %parallel_loop3A_293], %parallel_loop3A_288 {strides = array<i32>} : memref<32x2048xf32, #tpu.memory_space<vmem>>, vector<16xf32>,
      %parallel_loop3A_295 = arith.constant 10240 : i32
      %parallel_loop3A_296 = vector.broadcast %parallel_loop3A_295 : i32 to vector<16xi32>
      %parallel_loop3A_297 = arith.addi %parallel_loop3A_94, %parallel_loop3A_296 : vector<16xi32>
      %parallel_loop3A_298 = tpu.vector_load_idx %arg5[%parallel_loop3A_297] : memref<16384xf32, #tpu.memory_space<vmem>>[vector<16xi32>], vector<16xf32>,
      %parallel_loop3A_299 = arith.constant 16 : i32
      %parallel_loop3A_300 = arith.muli %parallel_loop3A_90, %parallel_loop3A_299 : i32
      %parallel_loop3A_301 = arith.constant 20 : i32
      %parallel_loop3A_302 = arith.index_cast %parallel_loop3A_301 : i32 to index
      %parallel_loop3A_303 = arith.index_cast %parallel_loop3A_300 : i32 to index
      %parallel_loop3A_304 = tpu.vector_load %arg7[%parallel_loop3A_302, %parallel_loop3A_303] {strides = array<i32>} : memref<32x2048xf32, #tpu.memory_space<vmem>>, vector<16xf32>,
      tpu.vector_store %arg7[%parallel_loop3A_302, %parallel_loop3A_303], %parallel_loop3A_298 {strides = array<i32>} : memref<32x2048xf32, #tpu.memory_space<vmem>>, vector<16xf32>,
      %parallel_loop3A_305 = arith.constant 10752 : i32
      %parallel_loop3A_306 = vector.broadcast %parallel_loop3A_305 : i32 to vector<16xi32>
      %parallel_loop3A_307 = arith.addi %parallel_loop3A_94, %parallel_loop3A_306 : vector<16xi32>
      %parallel_loop3A_308 = tpu.vector_load_idx %arg5[%parallel_loop3A_307] : memref<16384xf32, #tpu.memory_space<vmem>>[vector<16xi32>], vector<16xf32>,
      %parallel_loop3A_309 = arith.constant 16 : i32
      %parallel_loop3A_310 = arith.muli %parallel_loop3A_90, %parallel_loop3A_309 : i32
      %parallel_loop3A_311 = arith.constant 21 : i32
      %parallel_loop3A_312 = arith.index_cast %parallel_loop3A_311 : i32 to index
      %parallel_loop3A_313 = arith.index_cast %parallel_loop3A_310 : i32 to index
      %parallel_loop3A_314 = tpu.vector_load %arg7[%parallel_loop3A_312, %parallel_loop3A_313] {strides = array<i32>} : memref<32x2048xf32, #tpu.memory_space<vmem>>, vector<16xf32>,
      tpu.vector_store %arg7[%parallel_loop3A_312, %parallel_loop3A_313], %parallel_loop3A_308 {strides = array<i32>} : memref<32x2048xf32, #tpu.memory_space<vmem>>, vector<16xf32>,
      %parallel_loop3A_315 = arith.constant 11264 : i32
      %parallel_loop3A_316 = vector.broadcast %parallel_loop3A_315 : i32 to vector<16xi32>
      %parallel_loop3A_317 = arith.addi %parallel_loop3A_94, %parallel_loop3A_316 : vector<16xi32>
      %parallel_loop3A_318 = tpu.vector_load_idx %arg5[%parallel_loop3A_317] : memref<16384xf32, #tpu.memory_space<vmem>>[vector<16xi32>], vector<16xf32>,
      %parallel_loop3A_319 = arith.constant 16 : i32
      %parallel_loop3A_320 = arith.muli %parallel_loop3A_90, %parallel_loop3A_319 : i32
      %parallel_loop3A_321 = arith.constant 22 : i32
      %parallel_loop3A_322 = arith.index_cast %parallel_loop3A_321 : i32 to index
      %parallel_loop3A_323 = arith.index_cast %parallel_loop3A_320 : i32 to index
      %parallel_loop3A_324 = tpu.vector_load %arg7[%parallel_loop3A_322, %parallel_loop3A_323] {strides = array<i32>} : memref<32x2048xf32, #tpu.memory_space<vmem>>, vector<16xf32>,
      tpu.vector_store %arg7[%parallel_loop3A_322, %parallel_loop3A_323], %parallel_loop3A_318 {strides = array<i32>} : memref<32x2048xf32, #tpu.memory_space<vmem>>, vector<16xf32>,
      %parallel_loop3A_325 = arith.constant 11776 : i32
      %parallel_loop3A_326 = vector.broadcast %parallel_loop3A_325 : i32 to vector<16xi32>
      %parallel_loop3A_327 = arith.addi %parallel_loop3A_94, %parallel_loop3A_326 : vector<16xi32>
      %parallel_loop3A_328 = tpu.vector_load_idx %arg5[%parallel_loop3A_327] : memref<16384xf32, #tpu.memory_space<vmem>>[vector<16xi32>], vector<16xf32>,
      %parallel_loop3A_329 = arith.constant 16 : i32
      %parallel_loop3A_330 = arith.muli %parallel_loop3A_90, %parallel_loop3A_329 : i32
      %parallel_loop3A_331 = arith.constant 23 : i32
      %parallel_loop3A_332 = arith.index_cast %parallel_loop3A_331 : i32 to index
      %parallel_loop3A_333 = arith.index_cast %parallel_loop3A_330 : i32 to index
      %parallel_loop3A_334 = tpu.vector_load %arg7[%parallel_loop3A_332, %parallel_loop3A_333] {strides = array<i32>} : memref<32x2048xf32, #tpu.memory_space<vmem>>, vector<16xf32>,
      tpu.vector_store %arg7[%parallel_loop3A_332, %parallel_loop3A_333], %parallel_loop3A_328 {strides = array<i32>} : memref<32x2048xf32, #tpu.memory_space<vmem>>, vector<16xf32>,
      %parallel_loop3A_335 = arith.constant 12288 : i32
      %parallel_loop3A_336 = vector.broadcast %parallel_loop3A_335 : i32 to vector<16xi32>
      %parallel_loop3A_337 = arith.addi %parallel_loop3A_94, %parallel_loop3A_336 : vector<16xi32>
      %parallel_loop3A_338 = tpu.vector_load_idx %arg5[%parallel_loop3A_337] : memref<16384xf32, #tpu.memory_space<vmem>>[vector<16xi32>], vector<16xf32>,
      %parallel_loop3A_339 = arith.constant 16 : i32
      %parallel_loop3A_340 = arith.muli %parallel_loop3A_90, %parallel_loop3A_339 : i32
      %parallel_loop3A_341 = arith.constant 24 : i32
      %parallel_loop3A_342 = arith.index_cast %parallel_loop3A_341 : i32 to index
      %parallel_loop3A_343 = arith.index_cast %parallel_loop3A_340 : i32 to index
      %parallel_loop3A_344 = tpu.vector_load %arg7[%parallel_loop3A_342, %parallel_loop3A_343] {strides = array<i32>} : memref<32x2048xf32, #tpu.memory_space<vmem>>, vector<16xf32>,
      tpu.vector_store %arg7[%parallel_loop3A_342, %parallel_loop3A_343], %parallel_loop3A_338 {strides = array<i32>} : memref<32x2048xf32, #tpu.memory_space<vmem>>, vector<16xf32>,
      %parallel_loop3A_345 = arith.constant 12800 : i32
      %parallel_loop3A_346 = vector.broadcast %parallel_loop3A_345 : i32 to vector<16xi32>
      %parallel_loop3A_347 = arith.addi %parallel_loop3A_94, %parallel_loop3A_346 : vector<16xi32>
      %parallel_loop3A_348 = tpu.vector_load_idx %arg5[%parallel_loop3A_347] : memref<16384xf32, #tpu.memory_space<vmem>>[vector<16xi32>], vector<16xf32>,
      %parallel_loop3A_349 = arith.constant 16 : i32
      %parallel_loop3A_350 = arith.muli %parallel_loop3A_90, %parallel_loop3A_349 : i32
      %parallel_loop3A_351 = arith.constant 25 : i32
      %parallel_loop3A_352 = arith.index_cast %parallel_loop3A_351 : i32 to index
      %parallel_loop3A_353 = arith.index_cast %parallel_loop3A_350 : i32 to index
      %parallel_loop3A_354 = tpu.vector_load %arg7[%parallel_loop3A_352, %parallel_loop3A_353] {strides = array<i32>} : memref<32x2048xf32, #tpu.memory_space<vmem>>, vector<16xf32>,
      tpu.vector_store %arg7[%parallel_loop3A_352, %parallel_loop3A_353], %parallel_loop3A_348 {strides = array<i32>} : memref<32x2048xf32, #tpu.memory_space<vmem>>, vector<16xf32>,
      %parallel_loop3A_355 = arith.constant 13312 : i32
      %parallel_loop3A_356 = vector.broadcast %parallel_loop3A_355 : i32 to vector<16xi32>
      %parallel_loop3A_357 = arith.addi %parallel_loop3A_94, %parallel_loop3A_356 : vector<16xi32>
      %parallel_loop3A_358 = tpu.vector_load_idx %arg5[%parallel_loop3A_357] : memref<16384xf32, #tpu.memory_space<vmem>>[vector<16xi32>], vector<16xf32>,
      %parallel_loop3A_359 = arith.constant 16 : i32
      %parallel_loop3A_360 = arith.muli %parallel_loop3A_90, %parallel_loop3A_359 : i32
      %parallel_loop3A_361 = arith.constant 26 : i32
      %parallel_loop3A_362 = arith.index_cast %parallel_loop3A_361 : i32 to index
      %parallel_loop3A_363 = arith.index_cast %parallel_loop3A_360 : i32 to index
      %parallel_loop3A_364 = tpu.vector_load %arg7[%parallel_loop3A_362, %parallel_loop3A_363] {strides = array<i32>} : memref<32x2048xf32, #tpu.memory_space<vmem>>, vector<16xf32>,
      tpu.vector_store %arg7[%parallel_loop3A_362, %parallel_loop3A_363], %parallel_loop3A_358 {strides = array<i32>} : memref<32x2048xf32, #tpu.memory_space<vmem>>, vector<16xf32>,
      %parallel_loop3A_365 = arith.constant 13824 : i32
      %parallel_loop3A_366 = vector.broadcast %parallel_loop3A_365 : i32 to vector<16xi32>
      %parallel_loop3A_367 = arith.addi %parallel_loop3A_94, %parallel_loop3A_366 : vector<16xi32>
      %parallel_loop3A_368 = tpu.vector_load_idx %arg5[%parallel_loop3A_367] : memref<16384xf32, #tpu.memory_space<vmem>>[vector<16xi32>], vector<16xf32>,
      %parallel_loop3A_369 = arith.constant 16 : i32
      %parallel_loop3A_370 = arith.muli %parallel_loop3A_90, %parallel_loop3A_369 : i32
      %parallel_loop3A_371 = arith.constant 27 : i32
      %parallel_loop3A_372 = arith.index_cast %parallel_loop3A_371 : i32 to index
      %parallel_loop3A_373 = arith.index_cast %parallel_loop3A_370 : i32 to index
      %parallel_loop3A_374 = tpu.vector_load %arg7[%parallel_loop3A_372, %parallel_loop3A_373] {strides = array<i32>} : memref<32x2048xf32, #tpu.memory_space<vmem>>, vector<16xf32>,
      tpu.vector_store %arg7[%parallel_loop3A_372, %parallel_loop3A_373], %parallel_loop3A_368 {strides = array<i32>} : memref<32x2048xf32, #tpu.memory_space<vmem>>, vector<16xf32>,
      %parallel_loop3A_375 = arith.constant 14336 : i32
      %parallel_loop3A_376 = vector.broadcast %parallel_loop3A_375 : i32 to vector<16xi32>
      %parallel_loop3A_377 = arith.addi %parallel_loop3A_94, %parallel_loop3A_376 : vector<16xi32>
      %parallel_loop3A_378 = tpu.vector_load_idx %arg5[%parallel_loop3A_377] : memref<16384xf32, #tpu.memory_space<vmem>>[vector<16xi32>], vector<16xf32>,
      %parallel_loop3A_379 = arith.constant 16 : i32
      %parallel_loop3A_380 = arith.muli %parallel_loop3A_90, %parallel_loop3A_379 : i32
      %parallel_loop3A_381 = arith.constant 28 : i32
      %parallel_loop3A_382 = arith.index_cast %parallel_loop3A_381 : i32 to index
      %parallel_loop3A_383 = arith.index_cast %parallel_loop3A_380 : i32 to index
      %parallel_loop3A_384 = tpu.vector_load %arg7[%parallel_loop3A_382, %parallel_loop3A_383] {strides = array<i32>} : memref<32x2048xf32, #tpu.memory_space<vmem>>, vector<16xf32>,
      tpu.vector_store %arg7[%parallel_loop3A_382, %parallel_loop3A_383], %parallel_loop3A_378 {strides = array<i32>} : memref<32x2048xf32, #tpu.memory_space<vmem>>, vector<16xf32>,
      %parallel_loop3A_385 = arith.constant 14848 : i32
      %parallel_loop3A_386 = vector.broadcast %parallel_loop3A_385 : i32 to vector<16xi32>
      %parallel_loop3A_387 = arith.addi %parallel_loop3A_94, %parallel_loop3A_386 : vector<16xi32>
      %parallel_loop3A_388 = tpu.vector_load_idx %arg5[%parallel_loop3A_387] : memref<16384xf32, #tpu.memory_space<vmem>>[vector<16xi32>], vector<16xf32>,
      %parallel_loop3A_389 = arith.constant 16 : i32
      %parallel_loop3A_390 = arith.muli %parallel_loop3A_90, %parallel_loop3A_389 : i32
      %parallel_loop3A_391 = arith.constant 29 : i32
      %parallel_loop3A_392 = arith.index_cast %parallel_loop3A_391 : i32 to index
      %parallel_loop3A_393 = arith.index_cast %parallel_loop3A_390 : i32 to index
      %parallel_loop3A_394 = tpu.vector_load %arg7[%parallel_loop3A_392, %parallel_loop3A_393] {strides = array<i32>} : memref<32x2048xf32, #tpu.memory_space<vmem>>, vector<16xf32>,
      tpu.vector_store %arg7[%parallel_loop3A_392, %parallel_loop3A_393], %parallel_loop3A_388 {strides = array<i32>} : memref<32x2048xf32, #tpu.memory_space<vmem>>, vector<16xf32>,
      %parallel_loop3A_395 = arith.constant 15360 : i32
      %parallel_loop3A_396 = vector.broadcast %parallel_loop3A_395 : i32 to vector<16xi32>
      %parallel_loop3A_397 = arith.addi %parallel_loop3A_94, %parallel_loop3A_396 : vector<16xi32>
      %parallel_loop3A_398 = tpu.vector_load_idx %arg5[%parallel_loop3A_397] : memref<16384xf32, #tpu.memory_space<vmem>>[vector<16xi32>], vector<16xf32>,
      %parallel_loop3A_399 = arith.constant 16 : i32
      %parallel_loop3A_400 = arith.muli %parallel_loop3A_90, %parallel_loop3A_399 : i32
      %parallel_loop3A_401 = arith.constant 30 : i32
      %parallel_loop3A_402 = arith.index_cast %parallel_loop3A_401 : i32 to index
      %parallel_loop3A_403 = arith.index_cast %parallel_loop3A_400 : i32 to index
      %parallel_loop3A_404 = tpu.vector_load %arg7[%parallel_loop3A_402, %parallel_loop3A_403] {strides = array<i32>} : memref<32x2048xf32, #tpu.memory_space<vmem>>, vector<16xf32>,
      tpu.vector_store %arg7[%parallel_loop3A_402, %parallel_loop3A_403], %parallel_loop3A_398 {strides = array<i32>} : memref<32x2048xf32, #tpu.memory_space<vmem>>, vector<16xf32>,
      %parallel_loop3A_405 = arith.constant 15872 : i32
      %parallel_loop3A_406 = vector.broadcast %parallel_loop3A_405 : i32 to vector<16xi32>
      %parallel_loop3A_407 = arith.addi %parallel_loop3A_94, %parallel_loop3A_406 : vector<16xi32>
      %parallel_loop3A_408 = tpu.vector_load_idx %arg5[%parallel_loop3A_407] : memref<16384xf32, #tpu.memory_space<vmem>>[vector<16xi32>], vector<16xf32>,
      %parallel_loop3A_409 = arith.constant 16 : i32
      %parallel_loop3A_410 = arith.muli %parallel_loop3A_90, %parallel_loop3A_409 : i32
      %parallel_loop3A_411 = arith.constant 31 : i32
      %parallel_loop3A_412 = arith.index_cast %parallel_loop3A_411 : i32 to index
      %parallel_loop3A_413 = arith.index_cast %parallel_loop3A_410 : i32 to index
      %parallel_loop3A_414 = tpu.vector_load %arg7[%parallel_loop3A_412, %parallel_loop3A_413] {strides = array<i32>} : memref<32x2048xf32, #tpu.memory_space<vmem>>, vector<16xf32>,
      tpu.vector_store %arg7[%parallel_loop3A_412, %parallel_loop3A_413], %parallel_loop3A_408 {strides = array<i32>} : memref<32x2048xf32, #tpu.memory_space<vmem>>, vector<16xf32>,
    } {sc.loop_unroll_factor = 2 : i64, sc.parallel_access}
    %add3A_53 = arith.constant 1024 : i32
    %add3A_54 = arith.addi %mul3A_34, %add3A_53 : i32
    %dma_start3A_55 = arith.constant 0 : i32
    %dma_start3A_56 = arith.constant 1024 : i32
    %dma_start3A_57 = tpu.memref_slice %arg7[%dma_start3A_55, %dma_start3A_56] : memref<32x2048xf32, #tpu.memory_space<vmem>> -> memref<32x1024xf32, #tpu.memory_space<vmem>>
    %dma_start3A_58 = arith.constant 0 : i32
    %dma_start3A_59 = tpu.memref_slice %arg4[%select_n3A, %dma_start3A_58, %add3A_54] : memref<16x32x4096xf32, #tpu.memory_space<hbm>> -> memref<1x32x1024xf32, #tpu.memory_space<hbm>>
    %dma_start3A_60 = tpu.memref_squeeze %dma_start3A_59 : memref<1x32x1024xf32, #tpu.memory_space<hbm>> -> memref<32x1024xf32, #tpu.memory_space<hbm>>
    %dma_start3A_61 = arith.constant 0 : i32
    %dma_start3A_62 = tpu.memref_slice %arg4[%select_n3A, %dma_start3A_61, %add3A_54] : memref<16x32x4096xf32, #tpu.memory_space<hbm>> -> memref<1x32x1024xf32, #tpu.memory_space<hbm>>
    %dma_start3A_63 = tpu.memref_squeeze %dma_start3A_62 : memref<1x32x1024xf32, #tpu.memory_space<hbm>> -> memref<32x1024xf32, #tpu.memory_space<hbm>>
    %dma_start3A_64 = arith.constant 0 : i32
    %dma_start3A_65 = arith.constant 1024 : i32
    %dma_start3A_66 = tpu.memref_slice %arg7[%dma_start3A_64, %dma_start3A_65] : memref<32x2048xf32, #tpu.memory_space<vmem>> -> memref<32x1024xf32, #tpu.memory_space<vmem>>
    tpu.enqueue_dma source(%dma_start3A_66 : memref<32x1024xf32, #tpu.memory_space<vmem>>) target(%dma_start3A_63 : memref<32x1024xf32, #tpu.memory_space<hbm>>) target_semaphore(%arg8 : memref<!tpu.dma_semaphore, #tpu.memory_space<semaphore_mem>>)
    %dma_wait3A = arith.constant 0 : i32
    %dma_wait3A_67 = arith.constant 0 : i32
    %dma_wait3A_68 = tpu.memref_slice %arg7[%dma_wait3A, %dma_wait3A_67] : memref<32x2048xf32, #tpu.memory_space<vmem>> -> memref<32x1024xf32, #tpu.memory_space<vmem>>
    %dma_wait3A_69 = arith.constant 0 : i32
    %dma_wait3A_70 = tpu.memref_slice %arg4[%select_n3A, %dma_wait3A_69, %add3A_38] : memref<16x32x4096xf32, #tpu.memory_space<hbm>> -> memref<1x32x1024xf32, #tpu.memory_space<hbm>>
    %dma_wait3A_71 = tpu.memref_squeeze %dma_wait3A_70 : memref<1x32x1024xf32, #tpu.memory_space<hbm>> -> memref<32x1024xf32, #tpu.memory_space<hbm>>
    %dma_wait3A_72 = arith.constant 0 : i32
    %dma_wait3A_73 = tpu.memref_slice %arg4[%select_n3A, %dma_wait3A_72, %add3A_38] : memref<16x32x4096xf32, #tpu.memory_space<hbm>> -> memref<1x32x1024xf32, #tpu.memory_space<hbm>>
    %dma_wait3A_74 = tpu.memref_squeeze %dma_wait3A_73 : memref<1x32x1024xf32, #tpu.memory_space<hbm>> -> memref<32x1024xf32, #tpu.memory_space<hbm>>
    %dma_wait3A_75 = arith.constant 0 : i32
    %dma_wait3A_76 = arith.constant 0 : i32
    %dma_wait3A_77 = tpu.memref_slice %arg7[%dma_wait3A_75, %dma_wait3A_76] : memref<32x2048xf32, #tpu.memory_space<vmem>> -> memref<32x1024xf32, #tpu.memory_space<vmem>>
    tpu.wait_dma2 semaphore(%arg8 : memref<!tpu.dma_semaphore, #tpu.memory_space<semaphore_mem>>) src(%dma_wait3A_77 : memref<32x1024xf32, #tpu.memory_space<vmem>>) dst(%dma_wait3A_74 : memref<32x1024xf32, #tpu.memory_space<hbm>>)
    %dma_wait3A_78 = arith.constant 0 : i32
    %dma_wait3A_79 = arith.constant 1024 : i32
    %dma_wait3A_80 = tpu.memref_slice %arg7[%dma_wait3A_78, %dma_wait3A_79] : memref<32x2048xf32, #tpu.memory_space<vmem>> -> memref<32x1024xf32, #tpu.memory_space<vmem>>
    %dma_wait3A_81 = arith.constant 0 : i32
    %dma_wait3A_82 = tpu.memref_slice %arg4[%select_n3A, %dma_wait3A_81, %add3A_54] : memref<16x32x4096xf32, #tpu.memory_space<hbm>> -> memref<1x32x1024xf32, #tpu.memory_space<hbm>>
    %dma_wait3A_83 = tpu.memref_squeeze %dma_wait3A_82 : memref<1x32x1024xf32, #tpu.memory_space<hbm>> -> memref<32x1024xf32, #tpu.memory_space<hbm>>
    %dma_wait3A_84 = arith.constant 0 : i32
    %dma_wait3A_85 = tpu.memref_slice %arg4[%select_n3A, %dma_wait3A_84, %add3A_54] : memref<16x32x4096xf32, #tpu.memory_space<hbm>> -> memref<1x32x1024xf32, #tpu.memory_space<hbm>>
    %dma_wait3A_86 = tpu.memref_squeeze %dma_wait3A_85 : memref<1x32x1024xf32, #tpu.memory_space<hbm>> -> memref<32x1024xf32, #tpu.memory_space<hbm>>
    %dma_wait3A_87 = arith.constant 0 : i32
    %dma_wait3A_88 = arith.constant 1024 : i32
    %dma_wait3A_89 = tpu.memref_slice %arg7[%dma_wait3A_87, %dma_wait3A_88] : memref<32x2048xf32, #tpu.memory_space<vmem>> -> memref<32x1024xf32, #tpu.memory_space<vmem>>
    tpu.wait_dma2 semaphore(%arg8 : memref<!tpu.dma_semaphore, #tpu.memory_space<semaphore_mem>>) src(%dma_wait3A_89 : memref<32x1024xf32, #tpu.memory_space<vmem>>) dst(%dma_wait3A_86 : memref<32x1024xf32, #tpu.memory_space<hbm>>)
    return
  }
}

module attributes {stable_mosaic.version = 14 : i64} {
  func.func @_argmin_body(%arg0: i32, %arg1: memref<4x32x4096xf32, #tpu.memory_space<vmem>>, %arg2: memref<32x512xf32, #tpu.memory_space<vmem>>, %arg3: memref<16384xi32, #tpu.memory_space<vmem>>) attributes {dimension_semantics = [#tpu.dimension_semantics<arbitrary>], iteration_bounds = array<i64: 4>, scalar_prefetch = 0 : i64, scratch_operands = 0 : i64, tpu.core_type = #tpu.core_type<tc>, window_params = [{transform_indices = @transform_0, window_bounds = array<i64: 4, 32, 4096>}, {pipeline_mode = #tpu.pipeline_mode<synchronous>, transform_indices = @transform_1, window_bounds = array<i64: 32, 512>}, {transform_indices = @transform_2, window_bounds = array<i64: 16384>}]} {
    %get3A = arith.constant 0 : index
    %get3A_0 = arith.constant 0 : index
    %get3A_1 = vector.load %arg2[%get3A, %get3A_0] : memref<32x512xf32, #tpu.memory_space<vmem>>, vector<32x512xf32>
    %mul3A = arith.mulf %get3A_1, %get3A_1 : vector<32x512xf32>
    %reduce_sum3A = arith.constant dense<0.000000e+00> : vector<512xf32>
    %reduce_sum3A_2 = vector.multi_reduction <add>, %mul3A, %reduce_sum3A [0] : vector<32x512xf32> to vector<512xf32>
    %mul3A_3 = arith.constant 5.000000e-01 : f32
    %mul3A_4 = vector.broadcast %mul3A_3 : f32 to vector<512xf32>
    %mul3A_5 = arith.mulf %mul3A_4, %reduce_sum3A_2 : vector<512xf32>
    %get3A_6 = arith.constant 0 : index
    %get3A_7 = arith.constant 0 : index
    %get3A_8 = arith.constant 0 : index
    %get3A_9 = vector.load %arg1[%get3A_6, %get3A_7, %get3A_8] : memref<4x32x4096xf32, #tpu.memory_space<vmem>>, vector<1x32x4096xf32>
    %get3A_10 = vector.shape_cast %get3A_9 : vector<1x32x4096xf32> to vector<32x4096xf32>
    %dot_general3A = arith.constant dense<0.000000e+00> : vector<512x4096xf32>
    %dot_general3A_11 = tpu.matmul %get3A_1, %get3A_10, %dot_general3A {dimension_numbers = #tpu.dot_dimension_numbers<[0], [0], [1], [1], [0, 1, 1, 1], [], []>, transpose_lhs_hint = false} : vector<32x512xf32>, vector<32x4096xf32>, vector<512x4096xf32> -> vector<512x4096xf32>
    %broadcast_in_dim3A = vector.shape_cast %mul3A_5 : vector<512xf32> to vector<512x1xf32>
    %sub3A = vector.broadcast %broadcast_in_dim3A : vector<512x1xf32> to vector<512x4096xf32>
    %sub3A_12 = arith.subf %sub3A, %dot_general3A_11 : vector<512x4096xf32>
    %argmin3A = tpu.reduce_index %sub3A_12 {axis = 0 : i32, kind = #tpu.reduction_kind<arg_min>} : vector<512x4096xf32> -> vector<4096xi32>
    %swap3A = arith.constant 0 : index
    %swap3A_13 = vector.load %arg3[%swap3A] : memref<16384xi32, #tpu.memory_space<vmem>>, vector<4096xi32>
    tpu.vector_store %arg3[%swap3A], %argmin3A {strides = array<i32>} : memref<16384xi32, #tpu.memory_space<vmem>>, vector<4096xi32>,
    %get3A_14 = arith.constant 1 : index
    %get3A_15 = arith.constant 0 : index
    %get3A_16 = arith.constant 0 : index
    %get3A_17 = vector.load %arg1[%get3A_14, %get3A_15, %get3A_16] : memref<4x32x4096xf32, #tpu.memory_space<vmem>>, vector<1x32x4096xf32>
    %get3A_18 = vector.shape_cast %get3A_17 : vector<1x32x4096xf32> to vector<32x4096xf32>
    %dot_general3A_19 = arith.constant dense<0.000000e+00> : vector<512x4096xf32>
    %dot_general3A_20 = tpu.matmul %get3A_1, %get3A_18, %dot_general3A_19 {dimension_numbers = #tpu.dot_dimension_numbers<[0], [0], [1], [1], [0, 1, 1, 1], [], []>, transpose_lhs_hint = false} : vector<32x512xf32>, vector<32x4096xf32>, vector<512x4096xf32> -> vector<512x4096xf32>
    %broadcast_in_dim3A_21 = vector.shape_cast %mul3A_5 : vector<512xf32> to vector<512x1xf32>
    %sub3A_22 = vector.broadcast %broadcast_in_dim3A_21 : vector<512x1xf32> to vector<512x4096xf32>
    %sub3A_23 = arith.subf %sub3A_22, %dot_general3A_20 : vector<512x4096xf32>
    %argmin3A_24 = tpu.reduce_index %sub3A_23 {axis = 0 : i32, kind = #tpu.reduction_kind<arg_min>} : vector<512x4096xf32> -> vector<4096xi32>
    %swap3A_25 = arith.constant 4096 : index
    %swap3A_26 = vector.load %arg3[%swap3A_25] : memref<16384xi32, #tpu.memory_space<vmem>>, vector<4096xi32>
    tpu.vector_store %arg3[%swap3A_25], %argmin3A_24 {strides = array<i32>} : memref<16384xi32, #tpu.memory_space<vmem>>, vector<4096xi32>,
    %get3A_27 = arith.constant 2 : index
    %get3A_28 = arith.constant 0 : index
    %get3A_29 = arith.constant 0 : index
    %get3A_30 = vector.load %arg1[%get3A_27, %get3A_28, %get3A_29] : memref<4x32x4096xf32, #tpu.memory_space<vmem>>, vector<1x32x4096xf32>
    %get3A_31 = vector.shape_cast %get3A_30 : vector<1x32x4096xf32> to vector<32x4096xf32>
    %dot_general3A_32 = arith.constant dense<0.000000e+00> : vector<512x4096xf32>
    %dot_general3A_33 = tpu.matmul %get3A_1, %get3A_31, %dot_general3A_32 {dimension_numbers = #tpu.dot_dimension_numbers<[0], [0], [1], [1], [0, 1, 1, 1], [], []>, transpose_lhs_hint = false} : vector<32x512xf32>, vector<32x4096xf32>, vector<512x4096xf32> -> vector<512x4096xf32>
    %broadcast_in_dim3A_34 = vector.shape_cast %mul3A_5 : vector<512xf32> to vector<512x1xf32>
    %sub3A_35 = vector.broadcast %broadcast_in_dim3A_34 : vector<512x1xf32> to vector<512x4096xf32>
    %sub3A_36 = arith.subf %sub3A_35, %dot_general3A_33 : vector<512x4096xf32>
    %argmin3A_37 = tpu.reduce_index %sub3A_36 {axis = 0 : i32, kind = #tpu.reduction_kind<arg_min>} : vector<512x4096xf32> -> vector<4096xi32>
    %swap3A_38 = arith.constant 8192 : index
    %swap3A_39 = vector.load %arg3[%swap3A_38] : memref<16384xi32, #tpu.memory_space<vmem>>, vector<4096xi32>
    tpu.vector_store %arg3[%swap3A_38], %argmin3A_37 {strides = array<i32>} : memref<16384xi32, #tpu.memory_space<vmem>>, vector<4096xi32>,
    %get3A_40 = arith.constant 3 : index
    %get3A_41 = arith.constant 0 : index
    %get3A_42 = arith.constant 0 : index
    %get3A_43 = vector.load %arg1[%get3A_40, %get3A_41, %get3A_42] : memref<4x32x4096xf32, #tpu.memory_space<vmem>>, vector<1x32x4096xf32>
    %get3A_44 = vector.shape_cast %get3A_43 : vector<1x32x4096xf32> to vector<32x4096xf32>
    %dot_general3A_45 = arith.constant dense<0.000000e+00> : vector<512x4096xf32>
    %dot_general3A_46 = tpu.matmul %get3A_1, %get3A_44, %dot_general3A_45 {dimension_numbers = #tpu.dot_dimension_numbers<[0], [0], [1], [1], [0, 1, 1, 1], [], []>, transpose_lhs_hint = false} : vector<32x512xf32>, vector<32x4096xf32>, vector<512x4096xf32> -> vector<512x4096xf32>
    %broadcast_in_dim3A_47 = vector.shape_cast %mul3A_5 : vector<512xf32> to vector<512x1xf32>
    %sub3A_48 = vector.broadcast %broadcast_in_dim3A_47 : vector<512x1xf32> to vector<512x4096xf32>
    %sub3A_49 = arith.subf %sub3A_48, %dot_general3A_46 : vector<512x4096xf32>
    %argmin3A_50 = tpu.reduce_index %sub3A_49 {axis = 0 : i32, kind = #tpu.reduction_kind<arg_min>} : vector<512x4096xf32> -> vector<4096xi32>
    %swap3A_51 = arith.constant 12288 : index
    %swap3A_52 = vector.load %arg3[%swap3A_51] : memref<16384xi32, #tpu.memory_space<vmem>>, vector<4096xi32>
    tpu.vector_store %arg3[%swap3A_51], %argmin3A_50 {strides = array<i32>} : memref<16384xi32, #tpu.memory_space<vmem>>, vector<4096xi32>,
    return
  }
  func.func @transform_0(%arg0: i32) -> (i32, i32, i32) {
    %c0_i32 = arith.constant 0 : i32
    %c0_i32_0 = arith.constant 0 : i32
    %c0_i32_1 = arith.constant 0 : i32
    return %arg0, %c0_i32, %c0_i32_0 : i32, i32, i32
  }
  func.func @transform_1(%arg0: i32) -> (i32, i32) {
    %c0_i32 = arith.constant 0 : i32
    %c0_i32_0 = arith.constant 0 : i32
    %c0_i32_1 = arith.constant 0 : i32
    return %c0_i32, %c0_i32_0 : i32, i32
  }
  func.func @transform_2(%arg0: i32) -> i32 {
    %c0_i32 = arith.constant 0 : i32
    return %arg0 : i32
  }
}

</mosaic_0001>

<sc_bundles>
// kernel: kernel.4.cloned.1.call-start
scs
__scs_entry_jumppad:
0x0: {  	(pc) =	sbr.rel $0x88, $3  }
0x1: {  	(tag) =	ssettag $0x0;
	lr =	simm.s32 $0x1  }
0x2: {  	[smem:$0x3F9F] =	sst lr;
	_ =	strace $0xD0000000  }
0x3: {  	_ = 	snop  }
0x4: {  	_ = 	snop  }
0x5: {  	_ = 	snop  }
0x6: {  	_ = 	snop  }
0x7: {  	_ = 	snop  }
__scs_overlays_trampoline_lowered:
0x8: {  	[smem:$0x3FAE] =	sst s0  }
0x9: {  	[smem:$0x3FAF] =	sst s1  }
0xa: {  	[smem:$0x3FB0] =	sst s2  }
0xb: {  	[smem:$0x3FB1] =	sst s3  }
0xc: {  	[smem:$0x3FB2] =	sst s4  }
0xd: {  	[smem:$0x3FB3] =	sst s5  }
0xe: {  	[smem:$0x3FB4] =	sst s6  }
0xf: {  	[smem:$0x3FB5] =	sst s7  }
0x10: {  	[smem:$0x3FB6] =	sst s8  }
0x11: {  	[smem:$0x3FB7] =	sst s9;
	s0 =	simm.s32 @!p0 $0x0  }
0x12: {  	s1 =	sld [smem:$0x3F9D];
	s0 =	simm.s32 @p0 $0x1  }
0x13: {  	[smem:$0x3FB8] =	sst s0;
	s0 =	simm.s32 @!p1 $0x0  }
0x14: {  	s2 =	sld [smem:$0x3F9C];
	s0 =	simm.s32 @p1 $0x1  }
0x15: {  	[smem:$0x3FB9] =	sst s0;
	s0 =	simm.s32 @!p2 $0x0  }
0x16: {  	s3 =	sld [smem:$0x3FDB];
	s0 =	simm.s32 @p2 $0x1  }
0x17: {  	s4 =	simm.s32 $0x1BF5;
	[smem:$0x3FBB] =	sst s0  }
0x18: {  	s0 =	sld [smem:$0x3F9E];
	_ =	swait.ge [sflag:s4], $0x0  }
0x19: {  	s7 =	sld [smem:$0x3F9F]  }
0x1a: {  	s8 =	sadd.s32 $0xFFFFE003, lr  }
0x1b: {  	s9 =	sadd.s32 $0xFFFFFEF7, lr;
	s5 =	simm.s32 $0xFFFFFFFF;
	p2 =	slt.u32 s8, $0xFFFFF086  }
0x1c: {  	p1 =	slt.u32 s9, $0xF7A;
	s5 =	simm.s32 @!p2 $0x0  }
0x1d: {  	s5 =	simm.s32 @p1 $0x1;
	p0 =	seq.s32 s7, s2  }
0x1e: {  	s7 =	smul.u32 @!p0 $0xF7A, s2;
	p2 =	seq.s32 @!p0 s5, $0x0  }
0x1f: {  	s9 =	smul.u32 $0xF7A, s1;
	s8 =	simm.s32 @!p0 $0x1BF5;
	p2 =	por !p2, p0  }
0x20: {  	[sflag:s8] =	ssyncset.s32 @!p0 $0xFFFFF086;
	s6 =	sadd.s32 @!p0 s3, s7;
	s7 =	simm.s32 @!p0 $0x108  }
0x21: {  	s3 =	sadd.s32 s3, s9;
	s6 =	sadd.s32 @!p0 $0x88, s6;
	s7 =	simm.s32 @p2 $0x1082  }
0x22: {  	[simem:s7], [sflag:s8] =	dma.local @!p0 [hbm:s6], $0xF7A  }
0x23: {  	s9 =	sor.u32 $0xD0000000, s2;
	s6 =	simm.s32 $0x108;
	_ =	swait.ge @!p0 [sflag:s8], $0x0  }
0x24: {  	s3 =	sadd.s32 $0x88, s3;
	s6 =	simm.s32 @!p1 $0x1082;
	[sflag:s4] =	ssyncset.s32 $0xFFFFF086  }
0x25: {  	[simem:s6], [sflag:s4] =	dma.local [hbm:s3], $0xF7A  }
0x26: {  	[smem:$0x3F9F] =	sst s1;
	(tag) =	ssettag s2;
	_ =	strace s9  }
0x27: {  	s1 =	sld [smem:$0x3FAF]  }
0x28: {  	s2 =	sld [smem:$0x3FB0]  }
0x29: {  	s4 =	sld [smem:$0x3FB2]  }
0x2a: {  	p0 =	seq.s32 s5, $0x0;
	s5 =	sld [smem:$0x3FB3]  }
0x2b: {  	s6 =	sld [smem:$0x3FB4]  }
0x2c: {  	s7 =	sld [smem:$0x3FB5]  }
0x2d: {  	s3 =	simm.s32 $0x108;
	s8 =	sld [smem:$0x3FB6]  }
0x2e: {  	s3 =	simm.s32 @!p0 $0x1082;
	s9 =	sld [smem:$0x3FB7]  }
0x2f: {  	lr =	sadd.s32 s0, s3;
	s0 =	sld [smem:$0x3FAE]  }
0x30: {  	s3 =	sld [smem:$0x3FB1]  }
0x31: {  	[smem:$0x3FBA] =	sst s10  }
0x32: {  	s10 =	sld [smem:$0x3FB8];
	_ =	sdelay $0x3  }
0x33: {  	p0 =	seq.s32 s10, $0x1;
	s10 =	sld [smem:$0x3FBA];
	_ =	sdelay $0x3  }
0x34: {  	[smem:$0x3FBA] =	sst s10  }
0x35: {  	s10 =	sld [smem:$0x3FB9];
	_ =	sdelay $0x3  }
0x36: {  	p1 =	seq.s32 s10, $0x1;
	s10 =	sld [smem:$0x3FBA];
	_ =	sdelay $0x3  }
0x37: {  	[smem:$0x3FBA] =	sst s10  }
0x38: {  	s10 =	sld [smem:$0x3FBB]  }
0x39: {  	_ = 	snop;
	(pc) =	sbr.ind lr, $3  }
0x3a: {  	_ = 	snop  }
0x3b: {  	_ = 	snop  }
0x3c: {  	p2 =	seq.s32 s10, $0x1;
	s10 =	sld [smem:$0x3FBA]  }
0x3d: {  	_ =	shalt  }
0x3e: {  	_ =	shalt  }
0x3f: {  	_ =	shalt  }
0x40: {  	_ =	shalt  }
0x41: {  	_ =	shalt  }
0x42: {  	_ =	shalt  }
0x43: {  	_ =	shalt  }
0x44: {  	_ =	shalt  }
0x45: {  	_ =	shalt  }
0x46: {  	_ =	shalt  }
0x47: {  	_ =	shalt  }
0x48: {  	_ =	shalt  }
0x49: {  	_ =	shalt  }
0x4a: {  	_ =	shalt  }
0x4b: {  	_ =	shalt  }
0x4c: {  	_ =	shalt  }
0x4d: {  	_ =	shalt  }
0x4e: {  	_ =	shalt  }
0x4f: {  	_ =	shalt  }
0x50: {  	_ =	shalt  }
0x51: {  	_ =	shalt  }
0x52: {  	_ =	shalt  }
0x53: {  	_ =	shalt  }
0x54: {  	_ =	shalt  }
0x55: {  	_ =	shalt  }
0x56: {  	_ =	shalt  }
0x57: {  	_ =	shalt  }
0x58: {  	_ =	shalt  }
0x59: {  	_ =	shalt  }
0x5a: {  	_ =	shalt  }
0x5b: {  	_ =	shalt  }
0x5c: {  	_ =	shalt  }
0x5d: {  	_ =	shalt  }
0x5e: {  	_ =	shalt  }
0x5f: {  	_ =	shalt  }
0x60: {  	_ =	shalt  }
0x61: {  	_ =	shalt  }
0x62: {  	_ =	shalt  }
0x63: {  	_ =	shalt  }
0x64: {  	_ =	shalt  }
0x65: {  	_ =	shalt  }
0x66: {  	_ =	shalt  }
0x67: {  	_ =	shalt  }
0x68: {  	_ =	shalt  }
0x69: {  	_ =	shalt  }
0x6a: {  	_ =	shalt  }
0x6b: {  	_ =	shalt  }
0x6c: {  	_ =	shalt  }
0x6d: {  	_ =	shalt  }
0x6e: {  	_ =	shalt  }
0x6f: {  	_ =	shalt  }
0x70: {  	_ =	shalt  }
0x71: {  	_ =	shalt  }
0x72: {  	_ =	shalt  }
0x73: {  	_ =	shalt  }
0x74: {  	_ =	shalt  }
0x75: {  	_ =	shalt  }
0x76: {  	_ =	shalt  }
0x77: {  	_ =	shalt  }
0x78: {  	_ =	shalt  }
0x79: {  	_ =	shalt  }
0x7a: {  	_ =	shalt  }
0x7b: {  	_ =	shalt  }
0x7c: {  	_ =	shalt  }
0x7d: {  	_ =	shalt  }
0x7e: {  	_ =	shalt  }
0x7f: {  	_ =	shalt  }
0x80: {  	_ =	shalt  }
0x81: {  	_ =	shalt  }
0x82: {  	_ =	shalt  }
0x83: {  	_ =	shalt  }
0x84: {  	_ =	shalt  }
0x85: {  	_ =	shalt  }
0x86: {  	_ =	shalt  }
0x87: {  	_ =	shalt  }
.Lfunc_end0:
.L_simem_size_0:
called_computation_lowered:
.L_overlay_start_0:
0x88: {  	s2 =	sld [smem:$0x3FD9]  }
0x89: {  	s3 =	sld [smem:$0x3FFE];
	_ =	sdelay $0x1  }
0x8a: {  	s1 =	srdreg.scid  }
0x8b: {  	s0 =	sand.u32 $0x1, s1  }
0x8c: {  	s17 =	sshll.u32 s0, $0xA;
	s2 =	sadd.s32 s3, s2  }
0x8d: {  	s2 =	sadd.s32 s2, s17  }
0x8e: {  	[smem:$0x3FC6] =	sst s2  }
0x8f: {  	_ = 	snop  }
0x90: {  	s2 =	sld [smem:$0x3FD0];
	(tm) =	ssettm $0x1  }
0x91: {  	s18 =	sld [smem:$0x3FFB];
	_ =	sdelay $0x3  }
0x92: {  	_ =	strace s18  }
0x93: {  	s3 =	sld [smem:$0x3FFC];
	_ =	sdelay $0x3  }
0x94: {  	_ =	strace s3  }
0x95: {  	s3 =	sld [smem:$0x3FFD];
	_ =	sdelay $0x3  }
0x96: {  	_ =	strace s3  }
0x97: {  	_ =	strace $0x8FFFFFFF  }
0x98: {  	s19 =	sld [smem:$0x3FDB];
	_ =	sdelay $0x1  }
0x99: {  	s4 =	simm.s32 $_scs_section_size  }
0x9a: {  	s5 =	simm.s32 $_size__tile_overlayer_lowered;
	s6 =	simm.s32 $_tile_overlayer_lowered  }
0x9b: {  	s22 =	simm.s32 $0x1BFF;
	s21 =	sshll.u32 s6, $0x1;
	s3 =	sadd.s32 s4, s19  }
0x9c: {  	s7 =	simm.s32 $0x0;
	s20 =	sshll.u32 s5, $0x1;
	s5 =	sadd.s32 s21, s3  }
0x9d: {  	[timem:s7], [sflag:s22] =	dma.local [hbm:s5], s20  }
0x9e: {  	_ =	swait.ge [sflag:s22], s20  }
0x9f: {  	s4 =	ssub.s32 $0x0, s20;
	[sflag:s22] =	ssyncset.done $0x0  }
0xa0: {  	[sflag:s22] =	ssyncadd.s32 s4;
	_ =	sdelay $0x1  }
0xa1: {  	s23 =	simm.s32 $0x1B8B  }
0xa2: {  	_ =	swait.ge [sflag:s23], $0x1  }
0xa3: {  	[sflag:s23] =	ssyncset.done $0x0  }
0xa4: {  	s25 =	simm.s32 $0x1B8E;
	s24 =	sld [smem:$0x3FFE];
	[sflag:s23] =	ssyncadd.s32 $0xFFFFFFFF  }
0xa5: {  	s26 =	simm.s32 $execute0_lowered;
	[smem:$0x3FD2] =	sst s25  }
0xa6: {  	s5 =	sshll.u32 s26, $0x1;
	_ =	strace $0x80000046;
	[dreg:$0x1] =	wrdreg $0xFFFFFFFF  }
0xa7: {  	s28 =	simm.s32 $_size_execute0_lowered;
	s3 =	sadd.s32 s3, s5;
	[dreg:$0x0] =	wrdreg $0x0  }
0xa8: {  	s5 =	sshll.u32 s28, $0x1;
	[dreg:$0x2] =	wrdreg s3  }
0xa9: {  	[dreg:$0x3] =	wrdreg s5  }
0xaa: {  	[dreg:$0x4] =	wrdreg $0xC0  }
0xab: {  	_ =	task [dreg:s7], $0x5FFFF  }
0xac: {  	[dreg:$0x1] =	wrdreg $0xFFFFFFFF  }
0xad: {  	[dreg:$0x0] =	wrdreg $0x60  }
0xae: {  	[dreg:$0x2] =	wrdreg s24  }
0xaf: {  	[dreg:$0x3] =	wrdreg s2  }
0xb0: {  	[dreg:$0x4] =	wrdreg $0x9  }
0xb1: {  	_ =	task.clear_ibuf [dreg:s7], $0x5FFFF;
	_ =	strace $0x90000046  }
0xb2: {  	s29 =	simm.s32 $0x9;
	_ =	strace $0x80000048  }
0xb3: {  	_ =	swait.ge [sflag:s29], $0x1  }
0xb4: {  	[sflag:s29] =	ssyncadd.s32 $0xFFFFFFFF  }
0xb5: {  	_ =	strace $0x90000048  }
0xb6: {  	_ =	sfence  }
0xb7: {  	s30 =	sld [smem:$0x0];
	_ =	sdelay $0x2  }
0xb8: {  	s31 =	sshll.u32 s1, $0xD;
	s1 =	sshrl.u32 s1, $0x2  }
0xb9: {  	s3 =	sand.u32 $0x4000, s31;
	s1 =	sadd.s32 s1, s30  }
0xba: {  	s0 =	sor.u32 s3, s0;
	s1 =	sshll.u32 s1, $0x11  }
0xbb: {  	s0 =	sor.u32 s1, s0  }
0xbc: {  	s0 =	sadd.s32 $0x8F2B, s0  }
0xbd: {  	[sflag:s0] =	ssyncadd.remote.s32 $0x1  }
0xbe: {  	_ =	sfence.sel $0xFFFF  }
0xbf: {  	[dreg:$0x0] =	wrdreg $0xFFFFFFFF;
	(pc) =	sbr.abs _section_cstart, $3  }
0xc0: {  	[dreg:$0x1] =	wrdreg $0xFFFFFFFF  }
0xc1: {  	_ =	task.clear_ibuf [dreg:s7], $0x2FFFF;
	_ =	strace $0x9FFFFFFF  }
0xc2: {  	(tm) =	ssettm $0x7FFFFFFF  }
0xc3: {  	_ =	shalt  }
tec
execute0_lowered:
.L_overlay_start_1:
0x0: {  	(tag) =	ssettag $0x1  }
0x1: {  	s0 =	rddreg [dreg:$0x0];
	s1 =	srdreg.scid  }
0x2: {  	s7 =	stileid.u32;
	s3 =	rddreg [dreg:$0x1]  }
0x3: {  	s2 =	simm.s32 $0x0;
	s1 =	sand.u32 $0x1, s1;
	s4 =	sshll.u32 s7, $0x1  }
0x4: {  	[smem:$0x7FF] =	sst s2;
	s5 =	sadd.s32 $0xA00, s0;
	s4 =	sor.u32 s1, s4  }
0x5: {  	p1 =	seq.s32 s1, $0x1;
	_ =	strace $0x80000047;
	p0 =	seq.s32 s4, $0x0  }
0x6: {  	[dreg:$0x3] =	wrdreg s5;
	s5 =	simm.s32 $0x1;
	p0 =	por !p0, !p1  }
0x7: {  	s6 =	ssub.s32 $0x2, s1;
	s26 =	sshll.u32 s1, $0xE;
	p0 =	por !p0, !p0  }
0x8: {  	s28 =	sshll.u32 s1, $0xB;
	s4 =	sshll.u32 s4, $0x8;
	s5 =	simm.s32 @!p0 $0x0  }
0x9: {  	s25 =	sshrl.u32 s6, $0x1;
	s0 =	sadd.s32 s4, s0;
	s5 =	ssub.s32 s7, s5  }
0xa: {  	s4 =	ssub.s32 s6, s25;
	s0 =	sadd.s32 $0x1200, s0;
	s5 =	sshll.u32 s5, $0x11  }
0xb: {  	s31 =	smax.u32 s4, $0x1;
	[dreg:$0x4] =	wrdreg s0;
	s29 =	sor.u32 s5, s26  }
0xc: {  	s0 =	sadd.s32 s3, s28;
	s5 =	sshrl.u32 s5, $0x3;
	s1 =	sor.u32 $0x2000, s29  }
0xd: {  	[dreg:$0x7] =	wrdreg s31;
	s0 =	sadd.s32 s5, s0;
	s30 =	sshrl.u32 s1, $0x3  }
0xe: {  	[dreg:$0x5] =	wrdreg s0;
	s0 =	sadd.s32 s3, s30  }
0xf: {  	s18 =	simm.s32 $0x0;
	[dreg:$0x6] =	wrdreg s0  }
.LBB2_1:
0x10: {  	s0 =	rddreg [dreg:$0x3];
	s3 =	simm.s32 $0x2  }
0x11: {  	[tilespmem:s2], [sflag:$0x2] =	stream.linear.gather [hbm4b:s0+s2], $0x4000, $0x38;
	[tilespmem:$0x14800] =	vst v63  }
0x12: {  	_ =	swait.ge [sflag:s3], $0x4000  }
0x13: {  	[sflag:s3] =	ssyncset.done $0x0  }
0x14: {  	s7 =	simm.s32 $0x4000;
	s1 =	rddreg [dreg:$0x4];
	[sflag:s3] =	ssyncadd.s32 $0xFFFFC000  }
0x15: {  	[tilespmem:s7], [sflag:$0x2] =	stream.linear.gather [hbm4b:s1+s2], $0x800, $0x38;
	[tilespmem:$0x14800] =	vst v63  }
0x16: {  	s30 =	sand.u32 $0x60, s2;
	_ =	swait.ge [sflag:s3], $0x800  }
0x17: {  	s8 =	sand.u32 $0x380, s2;
	s31 =	sor.u32 $0x10, s30;
	[sflag:s3] =	ssyncset.done $0x0  }
0x18: {  	s1 =	sor.u32 s31, s8;
	[sflag:s3] =	ssyncadd.s32 $0xFFFFF800  }
0x19: {  	v7 =	vld [tilespmem:s1+$0x4000];
	_ =	sdelay $0x7  }
0x1a: {  	v0 =	vld.idx.msk [tilespmem:v7+s2+$0x0], $0xffff  }
0x1b: {  	v1 =	vadd.s32 $0x200, v7  }
0x1c: {  	s1 =	sand.u32 $0x1C00, s2;
	v2 =	vld [tilespmem:s7+$0x0]  }
0x1d: {  	s9 =	sadd.s32 $0x4800, s1  }
0x1e: {  	s10 =	sor.u32 s31, s9  }
0x1f: {  	[tilespmem:s10+$0x0] =	vst v0  }
0x20: {  	v0 =	vld.idx.msk [tilespmem:v1+s2+$0x0], $0xffff  }
0x21: {  	v1 =	vadd.s32 $0x400, v7;
	_ =	sdelay $0x2  }
0x22: {  	v3 =	vld.idx.msk [tilespmem:v2+s2+$0x0], $0xffff  }
0x23: {  	[tilespmem:s10+$0x80] =	vst v0;
	v0 =	vadd.s32 $0x200, v2  }
0x24: {  	v1 =	vld.idx.msk [tilespmem:v1+s2+$0x0], $0xffff  }
0x25: {  	v4 =	vadd.s32 $0x600, v7  }
0x26: {  	s0 =	sor.u32 s30, s9  }
0x27: {  	[tilespmem:s0+$0x0] =	vst v3  }
0x28: {  	v0 =	vld.idx.msk [tilespmem:v0+s2+$0x0], $0xffff  }
0x29: {  	[tilespmem:s10+$0x100] =	vst v1;
	v1 =	vadd.s32 $0x400, v2  }
0x2a: {  	v3 =	vld.idx.msk [tilespmem:v4+s2+$0x0], $0xffff  }
0x2b: {  	v4 =	vadd.s32 $0x800, v7;
	_ =	sdelay $0x1  }
0x2c: {  	[tilespmem:s0+$0x80] =	vst v0  }
0x2d: {  	v0 =	vld.idx.msk [tilespmem:v1+s2+$0x0], $0xffff  }
0x2e: {  	v1 =	vadd.s32 $0x600, v2;
	[tilespmem:s10+$0x180] =	vst v3  }
0x2f: {  	v3 =	vld.idx.msk [tilespmem:v4+s2+$0x0], $0xffff  }
0x30: {  	v4 =	vadd.s32 $0xA00, v7;
	_ =	sdelay $0x1  }
0x31: {  	[tilespmem:s0+$0x100] =	vst v0  }
0x32: {  	v0 =	vld.idx.msk [tilespmem:v1+s2+$0x0], $0xffff  }
0x33: {  	v1 =	vadd.s32 $0x800, v2;
	[tilespmem:s10+$0x200] =	vst v3  }
0x34: {  	v3 =	vld.idx.msk [tilespmem:v4+s2+$0x0], $0xffff  }
0x35: {  	v4 =	vadd.s32 $0xC00, v7;
	_ =	sdelay $0x1  }
0x36: {  	[tilespmem:s0+$0x180] =	vst v0  }
0x37: {  	v0 =	vld.idx.msk [tilespmem:v1+s2+$0x0], $0xffff  }
0x38: {  	v1 =	vadd.s32 $0xA00, v2;
	[tilespmem:s10+$0x280] =	vst v3  }
0x39: {  	s11 =	sand.u32 $0x3, s2;
	v3 =	vld.idx.msk [tilespmem:v4+s2+$0x0], $0xffff  }
0x3a: {  	s3 =	sshll.u32 s11, $0x5;
	v4 =	vadd.s32 $0xE00, v7  }
0x3b: {  	s4 =	sadd.s32 $0x0, s3  }
0x3c: {  	s5 =	sadd.s32 $0x10, s4;
	[tilespmem:s0+$0x200] =	vst v0  }
0x3d: {  	s12 =	sor.u32 $0x300, s5;
	v0 =	vld.idx.msk [tilespmem:v1+s2+$0x0], $0xffff  }
0x3e: {  	v1 =	vadd.s32 $0xC00, v2;
	[tilespmem:s12+$0x4800] =	vst v3  }
0x3f: {  	v3 =	vld.idx.msk [tilespmem:v4+s2+$0x0], $0xffff  }
0x40: {  	s3 =	simm.s32 $0x20;
	v4 =	vadd.s32 $0x1000, v7  }
0x41: {  	s19 =	sand.u32 $0x60, s3  }
0x42: {  	s14 =	sand.u32 $0x380, s3;
	s20 =	sor.u32 $0x10, s19;
	[tilespmem:s0+$0x280] =	vst v0  }
0x43: {  	s13 =	sor.u32 $0x380, s5;
	s0 =	sor.u32 s20, s14;
	v1 =	vld.idx.msk [tilespmem:v1+s2+$0x0], $0xffff  }
0x44: {  	v0 =	vld [tilespmem:s0+$0x4000];
	[tilespmem:s13+$0x4800] =	vst v3;
	v3 =	vadd.s32 $0xE00, v2  }
0x45: {  	v4 =	vld.idx.msk [tilespmem:v4+s2+$0x0], $0xffff  }
0x46: {  	v5 =	vadd.s32 $0x1200, v7  }
0x47: {  	s15 =	sor.u32 $0x300, s4  }
0x48: {  	s16 =	sadd.s32 $0x8800, s1;
	[tilespmem:s15+$0x4800] =	vst v1  }
0x49: {  	s17 =	simm.s32 $0x4020;
	s21 =	sor.u32 s31, s16;
	v3 =	vld.idx.msk [tilespmem:v3+s2+$0x0], $0xffff  }
0x4a: {  	v6 =	vadd.s32 $0x1000, v2;
	v1 =	vld [tilespmem:s17+$0x0];
	[tilespmem:s21+$0x0] =	vst v4  }
0x4b: {  	v4 =	vld.idx.msk [tilespmem:v5+s2+$0x0], $0xffff  }
0x4c: {  	s22 =	sor.u32 s2, s2;
	v5 =	vadd.s32 $0x1400, v7  }
0x4d: {  	s4 =	sor.u32 $0x380, s22;
	v8 =	vld.idx.msk [tilespmem:v0+s2+$0x0], $0xffff  }
0x4e: {  	s6 =	sadd.s32 $0x8880, s1;
	[tilespmem:s4+$0x4800] =	vst v3;
	v3 =	vadd.s32 $0x200, v0;
	s4 =	simm.s32 $0x100  }
0x4f: {  	s23 =	sor.u32 s31, s6;
	v6 =	vld.idx.msk [tilespmem:v6+s2+$0x0], $0xffff;
	s21 =	sand.u32 $0x1C00, s4  }
0x50: {  	v9 =	vadd.s32 $0x1200, v2;
	[tilespmem:s23+$0x0] =	vst v4;
	s8 =	sadd.s32 $0x4800, s21  }
0x51: {  	v4 =	vld.idx.msk [tilespmem:v5+s2+$0x0], $0xffff;
	s24 =	sor.u32 s20, s8  }
0x52: {  	v5 =	vld.idx.msk [tilespmem:v1+s2+$0x0], $0xffff;
	[tilespmem:s24+$0x0] =	vst v8;
	v8 =	vadd.s32 $0x1600, v7  }
0x53: {  	s0 =	sor.u32 s30, s16;
	v10 =	vadd.s32 $0x200, v1;
	v3 =	vld.idx.msk [tilespmem:v3+s2+$0x0], $0xffff  }
0x54: {  	s9 =	sadd.s32 $0x8900, s1;
	[tilespmem:s0+$0x0] =	vst v6;
	v6 =	vadd.s32 $0x400, v0  }
0x55: {  	s10 =	sor.u32 s31, s9;
	v9 =	vld.idx.msk [tilespmem:v9+s2+$0x0], $0xffff  }
0x56: {  	v11 =	vadd.s32 $0x1400, v2;
	s25 =	sor.u32 s19, s8;
	[tilespmem:s10+$0x0] =	vst v4  }
0x57: {  	[tilespmem:s25+$0x0] =	vst v5;
	v4 =	vld.idx.msk [tilespmem:v8+s2+$0x0], $0xffff  }
0x58: {  	v5 =	vld.idx.msk [tilespmem:v10+s2+$0x0], $0xffff;
	[tilespmem:s24+$0x80] =	vst v3;
	v3 =	vadd.s32 $0x1800, v7  }
0x59: {  	s6 =	sor.u32 s30, s6;
	v8 =	vadd.s32 $0x400, v1;
	v6 =	vld.idx.msk [tilespmem:v6+s2+$0x0], $0xffff  }
0x5a: {  	s26 =	sadd.s32 $0x8980, s1;
	[tilespmem:s6+$0x0] =	vst v9;
	v9 =	vadd.s32 $0x600, v0  }
0x5b: {  	s7 =	sor.u32 s31, s26;
	v10 =	vld.idx.msk [tilespmem:v11+s2+$0x0], $0xffff  }
0x5c: {  	v11 =	vadd.s32 $0x1600, v2;
	[tilespmem:s7+$0x0] =	vst v4  }
0x5d: {  	[tilespmem:s25+$0x80] =	vst v5;
	v3 =	vld.idx.msk [tilespmem:v3+s2+$0x0], $0xffff  }
0x5e: {  	v5 =	vadd.s32 $0x1A00, v7;
	v4 =	vld.idx.msk [tilespmem:v8+s2+$0x0], $0xffff;
	[tilespmem:s24+$0x100] =	vst v6  }
0x5f: {  	s9 =	sor.u32 s30, s9;
	v6 =	vadd.s32 $0x600, v1;
	v8 =	vld.idx.msk [tilespmem:v9+s2+$0x0], $0xffff  }
0x60: {  	s10 =	sadd.s32 $0x8A00, s1;
	v9 =	vadd.s32 $0x800, v0;
	[tilespmem:s9+$0x0] =	vst v10  }
0x61: {  	s11 =	sor.u32 s31, s10;
	v10 =	vld.idx.msk [tilespmem:v11+s2+$0x0], $0xffff  }
0x62: {  	v11 =	vadd.s32 $0x1800, v2;
	[tilespmem:s11+$0x0] =	vst v3  }
0x63: {  	[tilespmem:s25+$0x100] =	vst v4;
	v3 =	vld.idx.msk [tilespmem:v5+s2+$0x0], $0xffff  }
0x64: {  	v4 =	vld.idx.msk [tilespmem:v6+s2+$0x0], $0xffff;
	v5 =	vadd.s32 $0x1C00, v7;
	[tilespmem:s24+$0x180] =	vst v8  }
0x65: {  	s6 =	sor.u32 s30, s26;
	v6 =	vadd.s32 $0x800, v1;
	v8 =	vld.idx.msk [tilespmem:v9+s2+$0x0], $0xffff  }
0x66: {  	s12 =	sadd.s32 $0x8A80, s1;
	v9 =	vadd.s32 $0xA00, v0;
	[tilespmem:s6+$0x0] =	vst v10  }
0x67: {  	s13 =	sor.u32 s31, s12;
	v10 =	vld.idx.msk [tilespmem:v11+s2+$0x0], $0xffff  }
0x68: {  	v11 =	vadd.s32 $0x1A00, v2;
	[tilespmem:s13+$0x0] =	vst v3  }
0x69: {  	[tilespmem:s25+$0x180] =	vst v4;
	v3 =	vld.idx.msk [tilespmem:v5+s2+$0x0], $0xffff  }
0x6a: {  	v4 =	vld.idx.msk [tilespmem:v6+s2+$0x0], $0xffff;
	v5 =	vadd.s32 $0x1E00, v7;
	[tilespmem:s24+$0x200] =	vst v8  }
0x6b: {  	s8 =	sor.u32 s30, s10;
	v6 =	vadd.s32 $0xA00, v1;
	v8 =	vld.idx.msk [tilespmem:v9+s2+$0x0], $0xffff  }
0x6c: {  	s14 =	sadd.s32 $0x8B00, s1;
	v9 =	vadd.s32 $0xC00, v0;
	[tilespmem:s8+$0x0] =	vst v10  }
0x6d: {  	s15 =	sor.u32 s31, s14;
	v10 =	vld.idx.msk [tilespmem:v11+s2+$0x0], $0xffff  }
0x6e: {  	v11 =	vadd.s32 $0x1C00, v2;
	[tilespmem:s15+$0x0] =	vst v3  }
0x6f: {  	[tilespmem:s25+$0x200] =	vst v4;
	v3 =	vld.idx.msk [tilespmem:v5+s2+$0x0], $0xffff  }
0x70: {  	s16 =	simm.s32 $0x1;
	v4 =	vld.idx.msk [tilespmem:v6+s2+$0x0], $0xffff;
	v5 =	vadd.s32 $0x2000, v7;
	[tilespmem:s24+$0x280] =	vst v8  }
0x71: {  	s5 =	sand.u32 $0x3, s16;
	s6 =	sor.u32 s30, s12;
	v6 =	vadd.s32 $0xC00, v1;
	v8 =	vld.idx.msk [tilespmem:v9+s2+$0x0], $0xffff  }
0x72: {  	s5 =	sshll.u32 s5, $0x5;
	s17 =	sadd.s32 $0x8B80, s1;
	v9 =	vadd.s32 $0xE00, v0;
	[tilespmem:s6+$0x0] =	vst v10  }
0x73: {  	s5 =	sadd.s32 $0x100, s5;
	s22 =	sor.u32 s31, s17;
	v10 =	vld.idx.msk [tilespmem:v11+s2+$0x0], $0xffff  }
0x74: {  	s23 =	sadd.s32 $0x10, s5;
	v11 =	vadd.s32 $0x1E00, v2;
	[tilespmem:s22+$0x0] =	vst v3  }
0x75: {  	s24 =	sor.u32 $0x300, s23;
	[tilespmem:s25+$0x280] =	vst v4;
	v3 =	vld.idx.msk [tilespmem:v5+s2+$0x0], $0xffff  }
0x76: {  	v4 =	vld.idx.msk [tilespmem:v6+s2+$0x0], $0xffff;
	v5 =	vadd.s32 $0x2200, v7;
	[tilespmem:s24+$0x4800] =	vst v8  }
0x77: {  	s25 =	sor.u32 s30, s14;
	v6 =	vadd.s32 $0xE00, v1;
	v8 =	vld.idx.msk [tilespmem:v9+s2+$0x0], $0xffff  }
0x78: {  	s26 =	sadd.s32 $0xC800, s1;
	[tilespmem:s25+$0x0] =	vst v10  }
0x79: {  	s0 =	simm.s32 $0x40;
	s7 =	sor.u32 s31, s26;
	v9 =	vadd.s32 $0x1000, v0;
	v10 =	vld.idx.msk [tilespmem:v11+s2+$0x0], $0xffff  }
0x7a: {  	s5 =	sor.u32 $0x300, s5;
	s22 =	sand.u32 $0x60, s0;
	v11 =	vadd.s32 $0x2000, v2;
	[tilespmem:s7+$0x0] =	vst v3  }
0x7b: {  	s10 =	sand.u32 $0x380, s0;
	s9 =	sor.u32 $0x380, s23;
	s23 =	sor.u32 $0x10, s22;
	[tilespmem:s5+$0x4800] =	vst v4;
	v5 =	vld.idx.msk [tilespmem:v5+s2+$0x0], $0xffff  }
0x7c: {  	s5 =	sor.u32 s23, s10;
	v6 =	vld.idx.msk [tilespmem:v6+s2+$0x0], $0xffff;
	[tilespmem:s9+$0x4800] =	vst v8;
	v8 =	vadd.s32 $0x2400, v7  }
0x7d: {  	s6 =	sor.u32 s30, s17;
	v3 =	vld [tilespmem:s5+$0x4000]  }
0x7e: {  	s11 =	sadd.s32 $0xC880, s1;
	v9 =	vld.idx.msk [tilespmem:v9+s2+$0x0], $0xffff;
	[tilespmem:s6+$0x0] =	vst v10;
	v10 =	vadd.s32 $0x1000, v1  }
0x7f: {  	v12 =	vadd.s32 $0x1200, v0;
	s12 =	simm.s32 $0x4040;
	s13 =	sor.u32 s31, s11;
	v11 =	vld.idx.msk [tilespmem:v11+s2+$0x0], $0xffff  }
0x80: {  	v13 =	vadd.s32 $0x2200, v2;
	s3 =	sor.u32 s4, s3;
	v4 =	vld [tilespmem:s12+$0x0];
	[tilespmem:s13+$0x0] =	vst v5  }
0x81: {  	s3 =	sor.u32 $0x380, s3;
	s14 =	sadd.s32 $0x8800, s21;
	v5 =	vld.idx.msk [tilespmem:v8+s2+$0x0], $0xffff  }
0x82: {  	s15 =	sor.u32 s20, s14;
	[tilespmem:s3+$0x4800] =	vst v6;
	v6 =	vadd.s32 $0x2600, v7  }
0x83: {  	s16 =	sor.u32 s30, s26;
	[tilespmem:s15+$0x0] =	vst v9;
	v8 =	vld.idx.msk [tilespmem:v10+s2+$0x0], $0xffff  }
0x84: {  	s17 =	sadd.s32 $0xC900, s1;
	v9 =	vadd.s32 $0x1200, v1;
	v10 =	vld.idx.msk [tilespmem:v12+s2+$0x0], $0xffff;
	[tilespmem:s16+$0x0] =	vst v11  }
0x85: {  	s25 =	sor.u32 s31, s17;
	v12 =	vadd.s32 $0x1400, v0;
	v11 =	vld.idx.msk [tilespmem:v13+s2+$0x0], $0xffff  }
0x86: {  	v14 =	vld.idx.msk [tilespmem:v3+s2+$0x0], $0xffff;
	v13 =	vadd.s32 $0x2400, v2;
	[tilespmem:s25+$0x0] =	vst v5  }
0x87: {  	s26 =	sadd.s32 $0x8880, s21;
	s4 =	sor.u32 s19, s14;
	s3 =	simm.s32 $0x200;
	v5 =	vld.idx.msk [tilespmem:v6+s2+$0x0], $0xffff;
	v6 =	vadd.s32 $0x200, v3  }
0x88: {  	s5 =	sor.u32 s20, s26;
	s24 =	sand.u32 $0x1C00, s3;
	v15 =	vld.idx.msk [tilespmem:v4+s2+$0x0], $0xffff;
	[tilespmem:s4+$0x0] =	vst v8;
	v8 =	vadd.s32 $0x2800, v7  }
0x89: {  	s7 =	sor.u32 s30, s11;
	s10 =	sadd.s32 $0x4800, s24;
	[tilespmem:s5+$0x0] =	vst v10;
	v10 =	vadd.s32 $0x200, v4;
	v9 =	vld.idx.msk [tilespmem:v9+s2+$0x0], $0xffff  }
0x8a: {  	s11 =	sadd.s32 $0xC980, s1;
	s5 =	sor.u32 s23, s10;
	[tilespmem:s7+$0x0] =	vst v11;
	v11 =	vld.idx.msk [tilespmem:v12+s2+$0x0], $0xffff;
	v12 =	vadd.s32 $0x1400, v1  }
0x8b: {  	s12 =	sor.u32 s31, s11;
	[tilespmem:s5+$0x0] =	vst v14;
	v14 =	vadd.s32 $0x1600, v0;
	v13 =	vld.idx.msk [tilespmem:v13+s2+$0x0], $0xffff  }
0x8c: {  	s4 =	sor.u32 s22, s10;
	v6 =	vld.idx.msk [tilespmem:v6+s2+$0x0], $0xffff;
	[tilespmem:s12+$0x0] =	vst v5;
	v5 =	vadd.s32 $0x2600, v2  }
0x8d: {  	s9 =	sor.u32 s19, s26;
	s13 =	sadd.s32 $0x8900, s21;
	[tilespmem:s4+$0x0] =	vst v15;
	v15 =	vadd.s32 $0x400, v3;
	v8 =	vld.idx.msk [tilespmem:v8+s2+$0x0], $0xffff  }
0x8e: {  	s14 =	sor.u32 s20, s13;
	v10 =	vld.idx.msk [tilespmem:v10+s2+$0x0], $0xffff;
	[tilespmem:s9+$0x0] =	vst v9;
	v9 =	vadd.s32 $0x2A00, v7  }
0x8f: {  	s8 =	sor.u32 s30, s17;
	v12 =	vld.idx.msk [tilespmem:v12+s2+$0x0], $0xffff;
	[tilespmem:s14+$0x0] =	vst v11;
	v11 =	vadd.s32 $0x400, v4  }
0x90: {  	v16 =	vadd.s32 $0x1600, v1;
	s15 =	sadd.s32 $0xCA00, s1;
	v14 =	vld.idx.msk [tilespmem:v14+s2+$0x0], $0xffff;
	[tilespmem:s8+$0x0] =	vst v13  }
0x91: {  	s16 =	sor.u32 s31, s15;
	[tilespmem:s5+$0x80] =	vst v6;
	v6 =	vadd.s32 $0x1800, v0;
	v5 =	vld.idx.msk [tilespmem:v5+s2+$0x0], $0xffff  }
0x92: {  	v13 =	vld.idx.msk [tilespmem:v15+s2+$0x0], $0xffff;
	[tilespmem:s16+$0x0] =	vst v8;
	v8 =	vadd.s32 $0x2800, v2  }
0x93: {  	s17 =	sor.u32 s19, s13;
	s25 =	sadd.s32 $0x8980, s21;
	[tilespmem:s4+$0x80] =	vst v10;
	v10 =	vadd.s32 $0x600, v3;
	v9 =	vld.idx.msk [tilespmem:v9+s2+$0x0], $0xffff  }
0x94: {  	s26 =	sor.u32 s20, s25;
	v11 =	vld.idx.msk [tilespmem:v11+s2+$0x0], $0xffff;
	[tilespmem:s17+$0x0] =	vst v12;
	v12 =	vadd.s32 $0x2C00, v7  }
0x95: {  	s6 =	sor.u32 s30, s11;
	v15 =	vld.idx.msk [tilespmem:v16+s2+$0x0], $0xffff;
	[tilespmem:s26+$0x0] =	vst v14;
	v14 =	vadd.s32 $0x600, v4  }
0x96: {  	v16 =	vadd.s32 $0x1800, v1;
	v6 =	vld.idx.msk [tilespmem:v6+s2+$0x0], $0xffff;
	[tilespmem:s6+$0x0] =	vst v5;
	s6 =	sadd.s32 $0xCA80, s1  }
0x97: {  	v5 =	vadd.s32 $0x1A00, v0;
	[tilespmem:s5+$0x100] =	vst v13;
	v8 =	vld.idx.msk [tilespmem:v8+s2+$0x0], $0xffff;
	s7 =	sor.u32 s31, s6  }
0x98: {  	v10 =	vld.idx.msk [tilespmem:v10+s2+$0x0], $0xffff;
	[tilespmem:s7+$0x0] =	vst v9  }
0x99: {  	s11 =	sor.u32 s19, s25;
	s12 =	sadd.s32 $0x8A00, s21;
	v9 =	vadd.s32 $0x2A00, v2;
	[tilespmem:s4+$0x100] =	vst v11;
	v11 =	vld.idx.msk [tilespmem:v12+s2+$0x0], $0xffff  }
0x9a: {  	s13 =	sor.u32 s20, s12;
	v13 =	vadd.s32 $0x800, v3;
	v12 =	vld.idx.msk [tilespmem:v14+s2+$0x0], $0xffff;
	[tilespmem:s11+$0x0] =	vst v15  }
0x9b: {  	v14 =	vld.idx.msk [tilespmem:v16+s2+$0x0], $0xffff;
	[tilespmem:s13+$0x0] =	vst v6;
	v6 =	vadd.s32 $0x2E00, v7  }
0x9c: {  	s14 =	simm.s32 $0x4060;
	s8 =	sor.u32 s30, s15;
	v15 =	vadd.s32 $0x800, v4;
	v16 =	vld.idx.msk [tilespmem:v5+s2+$0x0], $0xffff  }
0x9d: {  	v17 =	vadd.s32 $0x1A00, v1;
	s15 =	sadd.s32 $0xCB00, s1;
	v5 =	vld [tilespmem:s14+$0x0];
	[tilespmem:s8+$0x0] =	vst v8  }
0x9e: {  	s16 =	sor.u32 s31, s15;
	v8 =	vadd.s32 $0x1C00, v0;
	[tilespmem:s5+$0x180] =	vst v10;
	v9 =	vld.idx.msk [tilespmem:v9+s2+$0x0], $0xffff  }
0x9f: {  	v10 =	vld.idx.msk [tilespmem:v13+s2+$0x0], $0xffff;
	[tilespmem:s16+$0x0] =	vst v11;
	v11 =	vadd.s32 $0x2C00, v2  }
0xa0: {  	s25 =	sadd.s32 $0x8A80, s21;
	s17 =	sor.u32 s19, s12;
	[tilespmem:s4+$0x180] =	vst v12;
	v12 =	vadd.s32 $0xA00, v3;
	v6 =	vld.idx.msk [tilespmem:v6+s2+$0x0], $0xffff  }
0xa1: {  	s26 =	sor.u32 s20, s25;
	v13 =	vld.idx.msk [tilespmem:v15+s2+$0x0], $0xffff;
	[tilespmem:s17+$0x0] =	vst v14;
	v14 =	vadd.s32 $0x3000, v7  }
0xa2: {  	s6 =	sor.u32 s30, s6;
	v15 =	vld.idx.msk [tilespmem:v17+s2+$0x0], $0xffff;
	[tilespmem:s26+$0x0] =	vst v16;
	v16 =	vadd.s32 $0xA00, v4  }
0xa3: {  	s7 =	sadd.s32 $0xCB80, s1;
	v17 =	vadd.s32 $0x1C00, v1;
	v8 =	vld.idx.msk [tilespmem:v8+s2+$0x0], $0xffff;
	[tilespmem:s6+$0x0] =	vst v9  }
0xa4: {  	s11 =	sor.u32 s31, s7;
	v9 =	vadd.s32 $0x1E00, v0;
	[tilespmem:s5+$0x200] =	vst v10;
	v10 =	vld.idx.msk [tilespmem:v11+s2+$0x0], $0xffff  }
0xa5: {  	v11 =	vld.idx.msk [tilespmem:v12+s2+$0x0], $0xffff;
	[tilespmem:s11+$0x0] =	vst v6;
	v6 =	vadd.s32 $0x2E00, v2  }
0xa6: {  	s12 =	sor.u32 s19, s25;
	s13 =	sadd.s32 $0x8B00, s21;
	[tilespmem:s4+$0x200] =	vst v13;
	v13 =	vadd.s32 $0xC00, v3;
	v12 =	vld.idx.msk [tilespmem:v14+s2+$0x0], $0xffff  }
0xa7: {  	s14 =	sor.u32 s20, s13;
	v14 =	vld.idx.msk [tilespmem:v16+s2+$0x0], $0xffff;
	[tilespmem:s12+$0x0] =	vst v15;
	v15 =	vadd.s32 $0x3200, v7  }
0xa8: {  	s8 =	sor.u32 s30, s15;
	v16 =	vld.idx.msk [tilespmem:v17+s2+$0x0], $0xffff;
	[tilespmem:s14+$0x0] =	vst v8;
	v8 =	vadd.s32 $0xC00, v4  }
0xa9: {  	v17 =	vadd.s32 $0x1E00, v1;
	v9 =	vld.idx.msk [tilespmem:v9+s2+$0x0], $0xffff;
	[tilespmem:s8+$0x0] =	vst v10;
	s8 =	sadd.s32 $0x10800, s1  }
0xaa: {  	s29 =	simm.s32 $0x2;
	v10 =	vadd.s32 $0x2000, v0;
	[tilespmem:s5+$0x280] =	vst v11;
	s15 =	sor.u32 s31, s8;
	v6 =	vld.idx.msk [tilespmem:v6+s2+$0x0], $0xffff  }
0xab: {  	s16 =	sand.u32 $0x3, s29;
	v11 =	vld.idx.msk [tilespmem:v13+s2+$0x0], $0xffff;
	[tilespmem:s15+$0x0] =	vst v12;
	v12 =	vadd.s32 $0x3000, v2  }
0xac: {  	s25 =	sadd.s32 $0x8B80, s21;
	s17 =	sor.u32 s19, s13;
	s5 =	sshll.u32 s16, $0x5;
	[tilespmem:s4+$0x280] =	vst v14;
	v14 =	vadd.s32 $0xE00, v3;
	v13 =	vld.idx.msk [tilespmem:v15+s2+$0x0], $0xffff  }
0xad: {  	s26 =	sor.u32 s20, s25;
	s5 =	sadd.s32 $0x200, s5;
	v8 =	vld.idx.msk [tilespmem:v8+s2+$0x0], $0xffff;
	[tilespmem:s17+$0x0] =	vst v16;
	v15 =	vadd.s32 $0x3400, v7  }
0xae: {  	s6 =	sor.u32 s30, s7;
	s7 =	sadd.s32 $0x10, s5;
	v16 =	vld.idx.msk [tilespmem:v17+s2+$0x0], $0xffff;
	[tilespmem:s26+$0x0] =	vst v9;
	v9 =	vadd.s32 $0xE00, v4  }
0xaf: {  	s12 =	sadd.s32 $0x10880, s1;
	s11 =	sor.u32 $0x300, s7;
	v17 =	vadd.s32 $0x2000, v1;
	v10 =	vld.idx.msk [tilespmem:v10+s2+$0x0], $0xffff;
	[tilespmem:s6+$0x0] =	vst v6  }
0xb0: {  	s13 =	sor.u32 s31, s12;
	[tilespmem:s11+$0x4800] =	vst v11;
	v6 =	vadd.s32 $0x2200, v0;
	v11 =	vld.idx.msk [tilespmem:v12+s2+$0x0], $0xffff  }
0xb1: {  	s5 =	sor.u32 $0x300, s5;
	v12 =	vld.idx.msk [tilespmem:v14+s2+$0x0], $0xffff;
	[tilespmem:s13+$0x0] =	vst v13  }
0xb2: {  	s10 =	simm.s32 $0x60;
	s14 =	sadd.s32 $0xC800, s21;
	s4 =	sor.u32 s19, s25;
	v13 =	vadd.s32 $0x3200, v2;
	[tilespmem:s5+$0x4800] =	vst v8;
	v8 =	vld.idx.msk [tilespmem:v15+s2+$0x0], $0xffff  }
0xb3: {  	s15 =	sor.u32 s20, s14;
	s25 =	sand.u32 $0x60, s10;
	v14 =	vadd.s32 $0x1000, v3;
	v9 =	vld.idx.msk [tilespmem:v9+s2+$0x0], $0xffff;
	[tilespmem:s4+$0x0] =	vst v16  }
0xb4: {  	s17 =	sand.u32 $0x380, s10;
	s26 =	sor.u32 $0x10, s25;
	v15 =	vadd.s32 $0x3600, v7;
	v16 =	vld.idx.msk [tilespmem:v17+s2+$0x0], $0xffff;
	[tilespmem:s15+$0x0] =	vst v10  }
0xb5: {  	s0 =	sor.u32 s3, s0;
	s8 =	sor.u32 s30, s8;
	s3 =	sor.u32 s26, s17;
	v17 =	vadd.s32 $0x1000, v4;
	v10 =	vld.idx.msk [tilespmem:v6+s2+$0x0], $0xffff  }
0xb6: {  	s9 =	sor.u32 $0x380, s7;
	s4 =	sadd.s32 $0x10900, s1;
	v6 =	vld [tilespmem:s3+$0x4000];
	[tilespmem:s8+$0x0] =	vst v11  }
0xb7: {  	s16 =	sor.u32 s31, s4;
	[tilespmem:s9+$0x4800] =	vst v12;
	v11 =	vadd.s32 $0x2400, v0;
	v12 =	vld.idx.msk [tilespmem:v13+s2+$0x0], $0xffff  }
0xb8: {  	s0 =	sor.u32 $0x380, s0;
	v13 =	vld.idx.msk [tilespmem:v14+s2+$0x0], $0xffff;
	v14 =	vadd.s32 $0x2200, v1;
	[tilespmem:s16+$0x0] =	vst v8  }
0xb9: {  	s7 =	sadd.s32 $0xC880, s21;
	s11 =	sor.u32 s19, s14;
	[tilespmem:s0+$0x4800] =	vst v9;
	v9 =	vadd.s32 $0x1200, v3;
	v15 =	vld.idx.msk [tilespmem:v15+s2+$0x0], $0xffff  }
0xba: {  	s9 =	sor.u32 s20, s7;
	v8 =	vadd.s32 $0x3400, v2;
	v17 =	vld.idx.msk [tilespmem:v17+s2+$0x0], $0xffff;
	[tilespmem:s11+$0x0] =	vst v16  }
0xbb: {  	s12 =	sor.u32 s30, s12;
	s13 =	sadd.s32 $0x8800, s24;
	v16 =	vld.idx.msk [tilespmem:v5+s2+$0x0], $0xffff;
	[tilespmem:s9+$0x0] =	vst v10  }
0xbc: {  	s14 =	sor.u32 s23, s13;
	v10 =	vadd.s32 $0x3800, v7;
	v11 =	vld.idx.msk [tilespmem:v11+s2+$0x0], $0xffff;
	[tilespmem:s12+$0x0] =	vst v12  }
0xbd: {  	s0 =	sadd.s32 $0x10980, s1;
	v14 =	vld.idx.msk [tilespmem:v14+s2+$0x0], $0xffff;
	[tilespmem:s14+$0x0] =	vst v13;
	v12 =	vadd.s32 $0x2600, v0  }
0xbe: {  	s15 =	sor.u32 s31, s0;
	v13 =	vadd.s32 $0x1200, v4;
	v9 =	vld.idx.msk [tilespmem:v9+s2+$0x0], $0xffff  }
0xbf: {  	s6 =	sadd.s32 $0xC900, s21;
	s3 =	sor.u32 s22, s13;
	v8 =	vld.idx.msk [tilespmem:v8+s2+$0x0], $0xffff;
	[tilespmem:s15+$0x0] =	vst v15;
	v15 =	vadd.s32 $0x2400, v1  }
0xc0: {  	v18 =	vadd.s32 $0x1400, v3;
	s16 =	sor.u32 s20, s6;
	v19 =	vld.idx.msk [tilespmem:v6+s2+$0x0], $0xffff;
	[tilespmem:s3+$0x0] =	vst v17  }
0xc1: {  	s17 =	sor.u32 s19, s7;
	s7 =	sadd.s32 $0x8880, s24;
	s11 =	simm.s32 $0x300;
	v17 =	vadd.s32 $0x3600, v2;
	v10 =	vld.idx.msk [tilespmem:v10+s2+$0x0], $0xffff;
	[tilespmem:s16+$0x0] =	vst v11  }
0xc2: {  	s28 =	sand.u32 $0x1C00, s11;
	s12 =	sor.u32 s23, s7;
	v11 =	vadd.s32 $0x3A00, v7;
	v12 =	vld.idx.msk [tilespmem:v12+s2+$0x0], $0xffff;
	[tilespmem:s17+$0x0] =	vst v14  }
0xc3: {  	v20 =	vadd.s32 $0x200, v5;
	s4 =	sor.u32 s30, s4;
	s14 =	sadd.s32 $0x4800, s28;
	v13 =	vld.idx.msk [tilespmem:v13+s2+$0x0], $0xffff;
	[tilespmem:s12+$0x0] =	vst v9  }
0xc4: {  	s5 =	sadd.s32 $0x10A00, s1;
	s3 =	sor.u32 s26, s14;
	v14 =	vadd.s32 $0x200, v6;
	[tilespmem:s4+$0x0] =	vst v8;
	v9 =	vld.idx.msk [tilespmem:v15+s2+$0x0], $0xffff  }
0xc5: {  	s13 =	sor.u32 s31, s5;
	[tilespmem:s3+$0x0] =	vst v19;
	v15 =	vadd.s32 $0x2800, v0;
	v18 =	vld.idx.msk [tilespmem:v18+s2+$0x0], $0xffff  }
0xc6: {  	s17 =	sor.u32 s25, s14;
	s4 =	sadd.s32 $0xC980, s21;
	v8 =	vld.idx.msk [tilespmem:v17+s2+$0x0], $0xffff;
	[tilespmem:s13+$0x0] =	vst v10;
	v10 =	vadd.s32 $0x1400, v4  }
0xc7: {  	v19 =	vadd.s32 $0x1600, v3;
	[tilespmem:s17+$0x0] =	vst v16;
	s12 =	sor.u32 s20, s4;
	v11 =	vld.idx.msk [tilespmem:v11+s2+$0x0], $0xffff  }
0xc8: {  	v17 =	vld.idx.msk [tilespmem:v20+s2+$0x0], $0xffff;
	[tilespmem:s12+$0x0] =	vst v12;
	v12 =	vadd.s32 $0x3C00, v7  }
0xc9: {  	s8 =	sor.u32 s22, s7;
	s15 =	sadd.s32 $0x8900, s24;
	v16 =	vadd.s32 $0x2600, v1;
	v14 =	vld.idx.msk [tilespmem:v14+s2+$0x0], $0xffff  }
0xca: {  	s16 =	sor.u32 s23, s15;
	v20 =	vadd.s32 $0x400, v6;
	[tilespmem:s8+$0x0] =	vst v13;
	s12 =	sadd.s32 $0x10A80, s1;
	v15 =	vld.idx.msk [tilespmem:v15+s2+$0x0], $0xffff  }
0xcb: {  	s7 =	sor.u32 s31, s12;
	[tilespmem:s16+$0x0] =	vst v18;
	v18 =	vadd.s32 $0x400, v5;
	v10 =	vld.idx.msk [tilespmem:v10+s2+$0x0], $0xffff  }
0xcc: {  	s6 =	sor.u32 s19, s6;
	v13 =	vadd.s32 $0x2A00, v0;
	v19 =	vld.idx.msk [tilespmem:v19+s2+$0x0], $0xffff;
	[tilespmem:s7+$0x0] =	vst v11  }
0xcd: {  	[tilespmem:s6+$0x0] =	vst v9;
	v11 =	vadd.s32 $0x1600, v4;
	v9 =	vld.idx.msk [tilespmem:v12+s2+$0x0], $0xffff  }
0xce: {  	s6 =	sadd.s32 $0xCA00, s21;
	[tilespmem:s3+$0x80] =	vst v14;
	v12 =	vadd.s32 $0x1800, v3;
	v14 =	vld.idx.msk [tilespmem:v16+s2+$0x0], $0xffff  }
0xcf: {  	v7 =	vadd.s32 $0x3E00, v7;
	[tilespmem:s17+$0x80] =	vst v17;
	s13 =	sor.u32 s20, s6;
	v16 =	vld.idx.msk [tilespmem:v20+s2+$0x0], $0xffff  }
0xd0: {  	s9 =	sadd.s32 $0x8980, s24;
	s14 =	sor.u32 s22, s15;
	[tilespmem:s13+$0x0] =	vst v15;
	v15 =	vadd.s32 $0x2800, v1;
	v18 =	vld.idx.msk [tilespmem:v18+s2+$0x0], $0xffff  }
0xd1: {  	s15 =	sor.u32 s23, s9;
	v17 =	vld.idx.msk [tilespmem:v13+s2+$0x0], $0xffff;
	v13 =	vadd.s32 $0x600, v6;
	[tilespmem:s14+$0x0] =	vst v10;
	s14 =	sadd.s32 $0x10B00, s1  }
0xd2: {  	[tilespmem:s15+$0x0] =	vst v19;
	v19 =	vadd.s32 $0x600, v5;
	v20 =	vld.idx.msk [tilespmem:v11+s2+$0x0], $0xffff;
	s16 =	sor.u32 s31, s14  }
0xd3: {  	s4 =	sor.u32 s19, s4;
	v11 =	vadd.s32 $0x2C00, v0;
	v12 =	vld.idx.msk [tilespmem:v12+s2+$0x0], $0xffff;
	[tilespmem:s16+$0x0] =	vst v9  }
0xd4: {  	v21 =	vadd.s32 $0x1800, v4;
	s8 =	sor.u32 s11, s10;
	[tilespmem:s4+$0x0] =	vst v14;
	v7 =	vld.idx.msk [tilespmem:v7+s2+$0x0], $0xffff  }
0xd5: {  	s12 =	sor.u32 s30, s12;
	s13 =	sor.u32 s30, s5;
	s15 =	sadd.s32 $0xCA80, s21;
	v14 =	vadd.s32 $0x1A00, v3;
	[tilespmem:s3+$0x100] =	vst v16;
	v10 =	vld.idx.msk [tilespmem:v15+s2+$0x0], $0xffff  }
0xd6: {  	s1 =	sadd.s32 $0x10B80, s1;
	s7 =	sor.u32 s20, s15;
	s4 =	sor.u32 s30, s0;
	[tilespmem:s17+$0x100] =	vst v18;
	v13 =	vld.idx.msk [tilespmem:v13+s2+$0x0], $0xffff  }
0xd7: {  	s16 =	sor.u32 s22, s9;
	s0 =	sor.u32 s30, s14;
	[tilespmem:s7+$0x0] =	vst v17;
	s7 =	sadd.s32 $0x8A00, s24;
	v9 =	vld.idx.msk [tilespmem:v19+s2+$0x0], $0xffff;
	v17 =	vadd.s32 $0x2A00, v1  }
0xd8: {  	s30 =	sor.u32 s30, s1;
	v18 =	vadd.s32 $0x800, v6;
	v11 =	vld.idx.msk [tilespmem:v11+s2+$0x0], $0xffff;
	[tilespmem:s16+$0x0] =	vst v20;
	s16 =	sor.u32 s31, s1;
	s31 =	sor.u32 s23, s7  }
0xd9: {  	s14 =	sor.u32 $0x380, s8;
	s8 =	sor.u32 s19, s6;
	s6 =	sor.u32 s19, s15;
	v15 =	vadd.s32 $0x2E00, v0;
	[tilespmem:s31+$0x0] =	vst v12;
	v12 =	vld.idx.msk [tilespmem:v21+s2+$0x0], $0xffff  }
0xda: {  	s15 =	simm.s32 $0x4080;
	v16 =	vadd.s32 $0x800, v5;
	s1 =	simm.s32 $0x6;
	s9 =	sor.u32 s22, s7;
	[tilespmem:s16+$0x0] =	vst v7;
	v14 =	vld.idx.msk [tilespmem:v14+s2+$0x0], $0xffff  }
.LBB2_2:
0xdb: {  	v7 =	vld [tilespmem:s15+$0x0];
	v19 =	vadd.s32 $0x1A00, v4;
	[tilespmem:s8+$0x0] =	vst v10;
	s5 =	sadd.s32 $0xCB00, s21;
	s16 =	smov.u32 s20;
	s20 =	smov.u32 s23  }
0xdc: {  	v10 =	vadd.s32 $0x1C00, v3;
	s23 =	smov.u32 s26;
	[tilespmem:s3+$0x180] =	vst v13;
	v13 =	vld.idx.msk [tilespmem:v17+s2+$0x0], $0xffff;
	s8 =	sor.u32 s19, s5;
	s5 =	sor.u32 s16, s5  }
0xdd: {  	s31 =	smov.u32 s21;
	s21 =	smov.u32 s24;
	s24 =	smov.u32 s28;
	v17 =	vld.idx.msk [tilespmem:v18+s2+$0x0], $0xffff;
	[tilespmem:s5+$0x0] =	vst v11;
	v11 =	vadd.s32 $0x3800, v2  }
0xde: {  	s5 =	sadd.s32 $0x8A80, s21;
	[tilespmem:s17+$0x180] =	vst v9;
	v9 =	vadd.s32 $0x2C00, v1;
	v15 =	vld.idx.msk [tilespmem:v15+s2+$0x0], $0xffff  }
0xdf: {  	v18 =	vadd.s32 $0xA00, v6;
	v16 =	vld.idx.msk [tilespmem:v16+s2+$0x0], $0xffff;
	[tilespmem:s9+$0x0] =	vst v12;
	s9 =	sor.u32 s22, s5;
	s5 =	sor.u32 s20, s5  }
0xe0: {  	v12 =	vld.idx.msk [tilespmem:v19+s2+$0x0], $0xffff;
	[tilespmem:s5+$0x0] =	vst v14;
	v14 =	vadd.s32 $0x3000, v0  }
0xe1: {  	v19 =	vadd.s32 $0xA00, v5;
	v10 =	vld.idx.msk [tilespmem:v10+s2+$0x0], $0xffff;
	[tilespmem:s4+$0x0] =	vst v8  }
0xe2: {  	v8 =	vadd.s32 $0x1C00, v4;
	s4 =	sadd.s32 $0xCB80, s31;
	[tilespmem:s6+$0x0] =	vst v13;
	v11 =	vld.idx.msk [tilespmem:v11+s2+$0x0], $0xffff  }
0xe3: {  	v13 =	vadd.s32 $0x1E00, v3;
	s5 =	sor.u32 s19, s4;
	s4 =	sor.u32 s16, s4;
	[tilespmem:s3+$0x200] =	vst v17;
	v9 =	vld.idx.msk [tilespmem:v9+s2+$0x0], $0xffff  }
0xe4: {  	v17 =	vld.idx.msk [tilespmem:v18+s2+$0x0], $0xffff;
	[tilespmem:s4+$0x0] =	vst v15;
	v15 =	vadd.s32 $0x3A00, v2  }
0xe5: {  	s4 =	sadd.s32 $0x8B00, s21;
	[tilespmem:s17+$0x200] =	vst v16;
	v16 =	vadd.s32 $0x2E00, v1;
	v14 =	vld.idx.msk [tilespmem:v14+s2+$0x0], $0xffff  }
0xe6: {  	s6 =	sor.u32 s22, s4;
	s4 =	sor.u32 s20, s4;
	v18 =	vld.idx.msk [tilespmem:v19+s2+$0x0], $0xffff;
	v19 =	vadd.s32 $0xC00, v6;
	[tilespmem:s9+$0x0] =	vst v12  }
0xe7: {  	v8 =	vld.idx.msk [tilespmem:v8+s2+$0x0], $0xffff;
	[tilespmem:s4+$0x0] =	vst v10;
	v10 =	vadd.s32 $0x3200, v0  }
0xe8: {  	v12 =	vadd.s32 $0xC00, v5;
	v13 =	vld.idx.msk [tilespmem:v13+s2+$0x0], $0xffff;
	[tilespmem:s13+$0x0] =	vst v11  }
0xe9: {  	v11 =	vadd.s32 $0x1E00, v4;
	[tilespmem:s8+$0x0] =	vst v9;
	s8 =	sadd.s32 $0x10800, s31;
	v9 =	vld.idx.msk [tilespmem:v15+s2+$0x0], $0xffff  }
0xea: {  	v15 =	vadd.s32 $0x2000, v3;
	[tilespmem:s3+$0x280] =	vst v17;
	v16 =	vld.idx.msk [tilespmem:v16+s2+$0x0], $0xffff;
	s4 =	sor.u32 s19, s8;
	s3 =	sor.u32 s16, s8  }
0xeb: {  	s29 =	sadd.s32 $0x1, s29;
	v17 =	vld.idx.msk [tilespmem:v19+s2+$0x0], $0xffff;
	[tilespmem:s3+$0x0] =	vst v14;
	v14 =	vadd.s32 $0x3C00, v2  }
0xec: {  	s8 =	sadd.s32 $0x8B80, s21;
	s3 =	sand.u32 $0x3, s29;
	[tilespmem:s17+$0x280] =	vst v18;
	v18 =	vadd.s32 $0x3000, v1;
	v10 =	vld.idx.msk [tilespmem:v10+s2+$0x0], $0xffff  }
0xed: {  	v19 =	vadd.s32 $0xE00, v6;
	s3 =	sshll.u32 s3, $0x5;
	v12 =	vld.idx.msk [tilespmem:v12+s2+$0x0], $0xffff;
	[tilespmem:s6+$0x0] =	vst v8;
	s6 =	sor.u32 s22, s8;
	s8 =	sor.u32 s20, s8  }
0xee: {  	s3 =	sadd.s32 s3, s11;
	v8 =	vld.idx.msk [tilespmem:v11+s2+$0x0], $0xffff;
	[tilespmem:s8+$0x0] =	vst v13;
	v11 =	vadd.s32 $0x3400, v0  }
0xef: {  	s8 =	sor.u32 $0x300, s3;
	v13 =	vadd.s32 $0xE00, v5;
	s9 =	sadd.s32 $0x10, s3;
	v15 =	vld.idx.msk [tilespmem:v15+s2+$0x0], $0xffff;
	[tilespmem:s12+$0x0] =	vst v9  }
0xf0: {  	s3 =	sor.u32 $0x300, s9;
	v9 =	vadd.s32 $0x2000, v4;
	[tilespmem:s5+$0x0] =	vst v16;
	s5 =	sadd.s32 $0x10880, s31;
	v14 =	vld.idx.msk [tilespmem:v14+s2+$0x0], $0xffff  }
0xf1: {  	v16 =	vadd.s32 $0x2200, v3;
	[tilespmem:s3+$0x4800] =	vst v17;
	v17 =	vld.idx.msk [tilespmem:v18+s2+$0x0], $0xffff;
	s3 =	sor.u32 s19, s5;
	s5 =	sor.u32 s16, s5  }
0xf2: {  	v18 =	vld.idx.msk [tilespmem:v19+s2+$0x0], $0xffff;
	[tilespmem:s5+$0x0] =	vst v10;
	v10 =	vadd.s32 $0x3E00, v2;
	v2 =	vmovc v1;
	v1 =	vmovc v4;
	v4 =	vmov v5;
	v5 =	vmov v7  }
0xf3: {  	s5 =	sadd.s32 $0xC800, s21;
	[tilespmem:s8+$0x4800] =	vst v12;
	v7 =	vadd.s32 $0x3200, v2;
	v11 =	vld.idx.msk [tilespmem:v11+s2+$0x0], $0xffff  }
0xf4: {  	v12 =	vld.idx.msk [tilespmem:v13+s2+$0x0], $0xffff;
	v13 =	vadd.s32 $0x1000, v6;
	[tilespmem:s6+$0x0] =	vst v8;
	s6 =	sor.u32 s22, s5;
	s5 =	sor.u32 s20, s5  }
0xf5: {  	v8 =	vld.idx.msk [tilespmem:v9+s2+$0x0], $0xffff;
	[tilespmem:s5+$0x0] =	vst v15;
	v9 =	vadd.s32 $0x3600, v0  }
0xf6: {  	v15 =	vld.idx.msk [tilespmem:v16+s2+$0x0], $0xffff;
	[tilespmem:s0+$0x0] =	vst v14  }
0xf7: {  	s10 =	sadd.s32 $0x20, s10;
	v14 =	vadd.s32 $0x1000, v4;
	s0 =	sor.u32 $0x380, s9;
	[tilespmem:s4+$0x0] =	vst v17;
	s4 =	sadd.s32 $0x10900, s31;
	v10 =	vld.idx.msk [tilespmem:v10+s2+$0x0], $0xffff  }
0xf8: {  	s1 =	sadd.s32 $0x2, s1;
	s5 =	sand.u32 $0x60, s10;
	v16 =	vadd.s32 $0x2400, v3;
	[tilespmem:s0+$0x4800] =	vst v18;
	v7 =	vld.idx.msk [tilespmem:v7+s2+$0x0], $0xffff;
	s0 =	sor.u32 s16, s4  }
0xf9: {  	p0 =	slt.u32 s1, $0x3E;
	s8 =	sand.u32 $0x380, s10;
	s26 =	sor.u32 $0x10, s5;
	v17 =	vadd.s32 $0x2200, v1;
	v13 =	vld.idx.msk [tilespmem:v13+s2+$0x0], $0xffff;
	[tilespmem:s0+$0x0] =	vst v11  }
0xfa: {  	s9 =	sor.u32 s19, s4;
	s0 =	sor.u32 s26, s8;
	s8 =	sadd.s32 $0xC880, s21;
	v11 =	vadd.s32 $0x3400, v2;
	[tilespmem:s14+$0x4800] =	vst v12;
	v9 =	vld.idx.msk [tilespmem:v9+s2+$0x0], $0xffff  }
0xfb: {  	v18 =	vadd.s32 $0x1200, v6;
	v12 =	vld [tilespmem:s0+$0x4000];
	[tilespmem:s6+$0x0] =	vst v8;
	s6 =	sor.u32 s22, s8;
	s0 =	sor.u32 s20, s8  }
0xfc: {  	v8 =	vld.idx.msk [tilespmem:v14+s2+$0x0], $0xffff;
	[tilespmem:s0+$0x0] =	vst v15;
	v14 =	vadd.s32 $0x3800, v0  }
0xfd: {  	s0 =	sadd.s32 $0x8800, s24;
	v15 =	vld.idx.msk [tilespmem:v16+s2+$0x0], $0xffff;
	[tilespmem:s30+$0x0] =	vst v10  }
0xfe: {  	s8 =	sor.u32 s25, s0;
	s0 =	sor.u32 s23, s0;
	v10 =	vld.idx.msk [tilespmem:v17+s2+$0x0], $0xffff;
	[tilespmem:s3+$0x0] =	vst v7;
	s3 =	sadd.s32 $0x10980, s31  }
0xff: {  	v7 =	vadd.s32 $0x2600, v3;
	[tilespmem:s0+$0x0] =	vst v13;
	v11 =	vld.idx.msk [tilespmem:v11+s2+$0x0], $0xffff;
	s4 =	sor.u32 s19, s3;
	s0 =	sor.u32 s16, s3  }
0x100: {  	v13 =	vadd.s32 $0x1200, v4;
	v16 =	vld.idx.msk [tilespmem:v18+s2+$0x0], $0xffff;
	[tilespmem:s0+$0x0] =	vst v9  }
0x101: {  	s3 =	sadd.s32 $0xC900, s21;
	v9 =	vadd.s32 $0x2400, v1;
	v14 =	vld.idx.msk [tilespmem:v14+s2+$0x0], $0xffff  }
0x102: {  	s0 =	sor.u32 s22, s3;
	s3 =	sor.u32 s20, s3;
	v17 =	vld.idx.msk [tilespmem:v5+s2+$0x0], $0xffff;
	[tilespmem:s8+$0x0] =	vst v8;
	v8 =	vadd.s32 $0x1400, v6  }
0x103: {  	v18 =	vld.idx.msk [tilespmem:v12+s2+$0x0], $0xffff;
	[tilespmem:s3+$0x0] =	vst v15;
	v15 =	vadd.s32 $0x3A00, v0  }
0x104: {  	s3 =	sadd.s32 $0x8880, s24;
	[tilespmem:s6+$0x0] =	vst v10;
	v7 =	vld.idx.msk [tilespmem:v7+s2+$0x0], $0xffff;
	v10 =	vadd.s32 $0x3600, v2  }
0x105: {  	s11 =	sadd.s32 $0x100, s11;
	v19 =	vadd.s32 $0x200, v12;
	s8 =	sadd.s32 $0x10A00, s31;
	s6 =	sor.u32 s23, s3;
	v13 =	vld.idx.msk [tilespmem:v13+s2+$0x0], $0xffff;
	[tilespmem:s9+$0x0] =	vst v11  }
0x106: {  	s28 =	sand.u32 $0x1C00, s11;
	s9 =	sor.u32 s11, s10;
	v11 =	vadd.s32 $0x2800, v3;
	[tilespmem:s6+$0x0] =	vst v16;
	v9 =	vld.idx.msk [tilespmem:v9+s2+$0x0], $0xffff;
	s6 =	sor.u32 s16, s8  }
0x107: {  	s12 =	sadd.s32 $0x4800, s28;
	v16 =	vadd.s32 $0x200, v5;
	s14 =	sor.u32 $0x380, s9;
	s9 =	sor.u32 s25, s3;
	v20 =	vld.idx.msk [tilespmem:v8+s2+$0x0], $0xffff;
	[tilespmem:s6+$0x0] =	vst v14  }
0x108: {  	s17 =	sor.u32 s5, s12;
	s3 =	sor.u32 s26, s12;
	s12 =	sadd.s32 $0xC980, s21;
	v14 =	vadd.s32 $0x1400, v4;
	v15 =	vld.idx.msk [tilespmem:v15+s2+$0x0], $0xffff  }
0x109: {  	s13 =	sor.u32 s19, s8;
	s6 =	sor.u32 s22, s12;
	s12 =	sor.u32 s20, s12;
	[tilespmem:s3+$0x0] =	vst v18;
	v18 =	vadd.s32 $0x1600, v6;
	v8 =	vld.idx.msk [tilespmem:v10+s2+$0x0], $0xffff  }
0x10a: {  	v10 =	vld.idx.msk [tilespmem:v19+s2+$0x0], $0xffff;
	[tilespmem:s12+$0x0] =	vst v7;
	v7 =	vadd.s32 $0x3C00, v0  }
0x10b: {  	s8 =	sadd.s32 $0x8900, s24;
	[tilespmem:s17+$0x0] =	vst v17;
	v17 =	vadd.s32 $0x2600, v1;
	v11 =	vld.idx.msk [tilespmem:v11+s2+$0x0], $0xffff  }
0x10c: {  	s30 =	sadd.s32 $0x10A80, s31;
	v19 =	vadd.s32 $0x400, v12;
	v16 =	vld.idx.msk [tilespmem:v16+s2+$0x0], $0xffff;
	[tilespmem:s9+$0x0] =	vst v13;
	s9 =	sor.u32 s25, s8;
	s8 =	sor.u32 s23, s8  }
0x10d: {  	s12 =	sor.u32 s19, s30;
	v13 =	vld.idx.msk [tilespmem:v14+s2+$0x0], $0xffff;
	[tilespmem:s8+$0x0] =	vst v20;
	v14 =	vadd.s32 $0x2A00, v3;
	s8 =	sor.u32 s16, s30  }
0x10e: {  	v20 =	vadd.s32 $0x400, v5;
	v18 =	vld.idx.msk [tilespmem:v18+s2+$0x0], $0xffff;
	[tilespmem:s8+$0x0] =	vst v15  }
0x10f: {  	v15 =	vadd.s32 $0x1600, v4;
	[tilespmem:s0+$0x0] =	vst v9;
	s0 =	sadd.s32 $0xCA00, s21;
	v7 =	vld.idx.msk [tilespmem:v7+s2+$0x0], $0xffff  }
0x110: {  	v9 =	vadd.s32 $0x1800, v6;
	[tilespmem:s3+$0x80] =	vst v10;
	v10 =	vld.idx.msk [tilespmem:v17+s2+$0x0], $0xffff;
	s8 =	sor.u32 s22, s0;
	s0 =	sor.u32 s20, s0  }
0x111: {  	v17 =	vld.idx.msk [tilespmem:v19+s2+$0x0], $0xffff;
	[tilespmem:s0+$0x0] =	vst v11;
	v11 =	vadd.s32 $0x3E00, v0;
	v0 =	vmovc v3;
	v3 =	vmov v6;
	v6 =	vmov v12  }
0x112: {  	s0 =	sadd.s32 $0x8980, s24;
	v12 =	vadd.s32 $0x2800, v1;
	[tilespmem:s17+$0x80] =	vst v16;
	v14 =	vld.idx.msk [tilespmem:v14+s2+$0x0], $0xffff  }
0x113: {  	s30 =	sadd.s32 $0x10B00, s31;
	v19 =	vadd.s32 $0x600, v6;
	v16 =	vld.idx.msk [tilespmem:v20+s2+$0x0], $0xffff;
	[tilespmem:s9+$0x0] =	vst v13;
	s9 =	sor.u32 s25, s0;
	s0 =	sor.u32 s23, s0  }
0x114: {  	v15 =	vld.idx.msk [tilespmem:v15+s2+$0x0], $0xffff;
	[tilespmem:s0+$0x0] =	vst v18;
	v18 =	vadd.s32 $0x2C00, v0;
	s0 =	sor.u32 s19, s30;
	s30 =	sor.u32 s16, s30  }
0x115: {  	v20 =	vadd.s32 $0x600, v5;
	v21 =	vld.idx.msk [tilespmem:v9+s2+$0x0], $0xffff;
	[tilespmem:s30+$0x0] =	vst v7  }
0x116: {  	v7 =	vadd.s32 $0x1800, v4;
	s30 =	sadd.s32 $0xCA80, s21;
	[tilespmem:s6+$0x0] =	vst v10;
	v22 =	vld.idx.msk [tilespmem:v11+s2+$0x0], $0xffff  }
0x117: {  	v23 =	vadd.s32 $0x1A00, v3;
	s6 =	sor.u32 s22, s30;
	s30 =	sor.u32 s20, s30;
	[tilespmem:s3+$0x100] =	vst v17;
	v10 =	vld.idx.msk [tilespmem:v12+s2+$0x0], $0xffff  }
.Ltmp0:
0x118: {  	v13 =	vld.idx.msk [tilespmem:v19+s2+$0x0], $0xffff;
	[tilespmem:s30+$0x0] =	vst v14;
	(pc) =	sbr.rel @p0 .LBB2_2-.Ltmp0, $4  }
0x119: {  	v17 =	vadd.s32 $0x2A00, v1;
	s30 =	sadd.s32 $0x8A00, s24;
	[tilespmem:s17+$0x100] =	vst v16;
	v11 =	vld.idx.msk [tilespmem:v18+s2+$0x0], $0xffff  }
0x11a: {  	s31 =	sadd.s32 $0x10B80, s31;
	v18 =	vadd.s32 $0x800, v6;
	v9 =	vld.idx.msk [tilespmem:v20+s2+$0x0], $0xffff;
	[tilespmem:s9+$0x0] =	vst v15;
	s9 =	sor.u32 s25, s30;
	s30 =	sor.u32 s23, s30  }
0x11b: {  	s16 =	sor.u32 s16, s31;
	v15 =	vadd.s32 $0x2E00, v0;
	v12 =	vld.idx.msk [tilespmem:v7+s2+$0x0], $0xffff;
	[tilespmem:s30+$0x0] =	vst v21;
	s30 =	sor.u32 s19, s31;
	s19 =	smov.u32 s22  }
0x11c: {  	s15 =	sadd.s32 $0x20, s15;
	v16 =	vadd.s32 $0x800, v5;
	s22 =	smov.u32 s25;
	s25 =	smov.u32 s5;
	v14 =	vld.idx.msk [tilespmem:v23+s2+$0x0], $0xffff;
	[tilespmem:s16+$0x0] =	vst v22  }
0x11d: {  	_ =	sdelay $0x2  }
0x11e: {  	v7 =	vadd.s32 $0x1A00, v4;
	[tilespmem:s8+$0x0] =	vst v10;
	s5 =	sadd.s32 $0xCB00, s21  }
0x11f: {  	[tilespmem:s3+$0x180] =	vst v13;
	v13 =	vld.idx.msk [tilespmem:v17+s2+$0x0], $0xffff;
	s1 =	sor.u32 s20, s5  }
0x120: {  	v10 =	vadd.s32 $0x1C00, v3;
	v17 =	vld.idx.msk [tilespmem:v18+s2+$0x0], $0xffff;
	[tilespmem:s1+$0x0] =	vst v11  }
0x121: {  	v11 =	vadd.s32 $0x3800, v2;
	[tilespmem:s17+$0x180] =	vst v9;
	v15 =	vld.idx.msk [tilespmem:v15+s2+$0x0], $0xffff  }
0x122: {  	s15 =	sadd.s32 $0x8A80, s24;
	v19 =	vadd.s32 $0xA00, v6;
	v16 =	vld.idx.msk [tilespmem:v16+s2+$0x0], $0xffff;
	[tilespmem:s9+$0x0] =	vst v12  }
0x123: {  	[tilespmem:s4+$0x0] =	vst v8;
	s16 =	sor.u32 s23, s15;
	v12 =	vld.idx.msk [tilespmem:v7+s2+$0x0], $0xffff;
	v7 =	vadd.s32 $0xA00, v5  }
0x124: {  	[tilespmem:s16+$0x0] =	vst v14  }
0x125: {  	v18 =	vadd.s32 $0x2C00, v1;
	v10 =	vld.idx.msk [tilespmem:v10+s2+$0x0], $0xffff;
	[tilespmem:s6+$0x0] =	vst v13  }
0x126: {  	s1 =	sadd.s32 $0xCB80, s21;
	v14 =	vadd.s32 $0x3000, v0;
	[tilespmem:s3+$0x200] =	vst v17;
	v9 =	vld.idx.msk [tilespmem:v11+s2+$0x0], $0xffff  }
0x127: {  	v20 =	vadd.s32 $0x1C00, v4;
	s7 =	sor.u32 s20, s1;
	v11 =	vld.idx.msk [tilespmem:v19+s2+$0x0], $0xffff;
	[tilespmem:s17+$0x200] =	vst v16  }
0x128: {  	s8 =	sor.u32 s22, s15;
	[tilespmem:s7+$0x0] =	vst v15;
	v15 =	vadd.s32 $0xC00, v6;
	v13 =	vld.idx.msk [tilespmem:v7+s2+$0x0], $0xffff  }
0x129: {  	s4 =	sadd.s32 $0x8B00, s24;
	[tilespmem:s8+$0x0] =	vst v12;
	v12 =	vadd.s32 $0xC00, v5  }
0x12a: {  	s9 =	sor.u32 s23, s4;
	v8 =	vld.idx.msk [tilespmem:v18+s2+$0x0], $0xffff  }
0x12b: {  	v7 =	vld.idx.msk [tilespmem:v14+s2+$0x0], $0xffff;
	[tilespmem:s9+$0x0] =	vst v10  }
0x12c: {  	s10 =	sadd.s32 $0x1, s29;
	v14 =	vld.idx.msk [tilespmem:v20+s2+$0x0], $0xffff;
	[tilespmem:s3+$0x280] =	vst v11  }
0x12d: {  	s3 =	sand.u32 $0x3, s10;
	v10 =	vld.idx.msk [tilespmem:v15+s2+$0x0], $0xffff;
	[tilespmem:s17+$0x280] =	vst v13  }
0x12e: {  	s3 =	sshll.u32 s3, $0x5;
	v11 =	vld.idx.msk [tilespmem:v12+s2+$0x0], $0xffff;
	v12 =	vadd.s32 $0xE00, v6  }
0x12f: {  	s3 =	sadd.s32 s3, s11;
	v13 =	vadd.s32 $0xE00, v5  }
0x130: {  	s15 =	sadd.s32 $0x10, s3  }
0x131: {  	s16 =	sor.u32 $0x300, s15  }
0x132: {  	s3 =	sor.u32 $0x300, s3;
	[tilespmem:s16+$0x4800] =	vst v10  }
0x133: {  	v10 =	vld.idx.msk [tilespmem:v12+s2+$0x0], $0xffff;
	[tilespmem:s3+$0x4800] =	vst v11  }
0x134: {  	v12 =	vadd.s32 $0x1000, v6;
	v11 =	vld.idx.msk [tilespmem:v13+s2+$0x0], $0xffff  }
0x135: {  	v13 =	vadd.s32 $0x1000, v5;
	_ =	sdelay $0x1  }
0x136: {  	s17 =	sor.u32 $0x380, s15  }
0x137: {  	[tilespmem:s17+$0x4800] =	vst v10  }
0x138: {  	v10 =	vld.idx.msk [tilespmem:v12+s2+$0x0], $0xffff;
	[tilespmem:s14+$0x4800] =	vst v11  }
0x139: {  	v11 =	vadd.s32 $0x1200, v6;
	v12 =	vld.idx.msk [tilespmem:v13+s2+$0x0], $0xffff  }
0x13a: {  	v13 =	vadd.s32 $0x1200, v5  }
0x13b: {  	s6 =	sadd.s32 $0x8800, s28  }
0x13c: {  	s7 =	sor.u32 s26, s6  }
0x13d: {  	s3 =	sor.u32 s25, s6;
	[tilespmem:s7+$0x0] =	vst v10  }
0x13e: {  	v10 =	vld.idx.msk [tilespmem:v11+s2+$0x0], $0xffff;
	[tilespmem:s3+$0x0] =	vst v12  }
0x13f: {  	v11 =	vadd.s32 $0x1400, v6;
	v12 =	vld.idx.msk [tilespmem:v13+s2+$0x0], $0xffff  }
0x140: {  	v13 =	vadd.s32 $0x1400, v5  }
0x141: {  	s8 =	sadd.s32 $0x8880, s28  }
0x142: {  	s9 =	sor.u32 s26, s8  }
0x143: {  	s3 =	sor.u32 s25, s8;
	[tilespmem:s9+$0x0] =	vst v10  }
0x144: {  	v10 =	vld.idx.msk [tilespmem:v11+s2+$0x0], $0xffff;
	[tilespmem:s3+$0x0] =	vst v12  }
0x145: {  	v11 =	vadd.s32 $0x1600, v6;
	v12 =	vld.idx.msk [tilespmem:v13+s2+$0x0], $0xffff  }
0x146: {  	v13 =	vadd.s32 $0x1600, v5  }
0x147: {  	s10 =	sadd.s32 $0x8900, s28  }
0x148: {  	s11 =	sor.u32 s26, s10  }
0x149: {  	s3 =	sor.u32 s25, s10;
	[tilespmem:s11+$0x0] =	vst v10  }
0x14a: {  	v10 =	vld.idx.msk [tilespmem:v11+s2+$0x0], $0xffff;
	[tilespmem:s3+$0x0] =	vst v12  }
0x14b: {  	v11 =	vadd.s32 $0x1800, v6;
	v12 =	vld.idx.msk [tilespmem:v13+s2+$0x0], $0xffff  }
0x14c: {  	v13 =	vadd.s32 $0x1800, v5  }
0x14d: {  	s14 =	sadd.s32 $0x8980, s28  }
0x14e: {  	s15 =	sor.u32 s26, s14  }
0x14f: {  	s3 =	sor.u32 s25, s14;
	[tilespmem:s15+$0x0] =	vst v10  }
0x150: {  	v10 =	vld.idx.msk [tilespmem:v11+s2+$0x0], $0xffff;
	[tilespmem:s3+$0x0] =	vst v12  }
0x151: {  	v11 =	vadd.s32 $0x1A00, v6;
	v12 =	vld.idx.msk [tilespmem:v13+s2+$0x0], $0xffff  }
0x152: {  	v13 =	vadd.s32 $0x1A00, v5  }
0x153: {  	s16 =	sadd.s32 $0x8A00, s28  }
0x154: {  	s17 =	sor.u32 s26, s16  }
0x155: {  	s3 =	sor.u32 s25, s16;
	[tilespmem:s17+$0x0] =	vst v10  }
0x156: {  	v10 =	vld.idx.msk [tilespmem:v11+s2+$0x0], $0xffff;
	[tilespmem:s3+$0x0] =	vst v12  }
0x157: {  	v11 =	vadd.s32 $0x1C00, v6;
	v12 =	vld.idx.msk [tilespmem:v13+s2+$0x0], $0xffff  }
0x158: {  	v13 =	vadd.s32 $0x1C00, v5  }
0x159: {  	s7 =	sadd.s32 $0x8A80, s28  }
0x15a: {  	s8 =	sor.u32 s26, s7  }
0x15b: {  	v15 =	vadd.s32 $0x1E00, v3;
	s3 =	sor.u32 s25, s7;
	[tilespmem:s8+$0x0] =	vst v10  }
0x15c: {  	v10 =	vadd.s32 $0x1E00, v4;
	v11 =	vld.idx.msk [tilespmem:v11+s2+$0x0], $0xffff;
	[tilespmem:s3+$0x0] =	vst v12  }
0x15d: {  	v12 =	vadd.s32 $0x1E00, v6;
	v13 =	vld.idx.msk [tilespmem:v13+s2+$0x0], $0xffff  }
0x15e: {  	v16 =	vadd.s32 $0x1E00, v5  }
0x15f: {  	s9 =	sor.u32 s22, s4;
	s10 =	sadd.s32 $0x8B00, s28  }
0x160: {  	v15 =	vld.idx.msk [tilespmem:v15+s2+$0x0], $0xffff;
	[tilespmem:s9+$0x0] =	vst v14;
	s11 =	sor.u32 s26, s10  }
0x161: {  	v14 =	vadd.s32 $0x2000, v3;
	s4 =	sor.u32 s25, s10;
	v10 =	vld.idx.msk [tilespmem:v10+s2+$0x0], $0xffff;
	[tilespmem:s11+$0x0] =	vst v11  }
0x162: {  	v11 =	vadd.s32 $0x2000, v4;
	v12 =	vld.idx.msk [tilespmem:v12+s2+$0x0], $0xffff;
	[tilespmem:s4+$0x0] =	vst v13  }
0x163: {  	s14 =	sadd.s32 $0x8B80, s24;
	v13 =	vadd.s32 $0x2000, v6;
	v16 =	vld.idx.msk [tilespmem:v16+s2+$0x0], $0xffff  }
0x164: {  	v17 =	vadd.s32 $0x2000, v5;
	s15 =	sor.u32 s23, s14  }
0x165: {  	[tilespmem:s15+$0x0] =	vst v15;
	s16 =	sadd.s32 $0x8B80, s28;
	s3 =	sor.u32 s22, s14  }
0x166: {  	v14 =	vld.idx.msk [tilespmem:v14+s2+$0x0], $0xffff;
	s17 =	sor.u32 s26, s16;
	[tilespmem:s3+$0x0] =	vst v10  }
0x167: {  	s4 =	sor.u32 s25, s16;
	v10 =	vadd.s32 $0x2200, v3;
	v11 =	vld.idx.msk [tilespmem:v11+s2+$0x0], $0xffff;
	[tilespmem:s17+$0x0] =	vst v12  }
0x168: {  	v12 =	vadd.s32 $0x2200, v4;
	v13 =	vld.idx.msk [tilespmem:v13+s2+$0x0], $0xffff;
	[tilespmem:s4+$0x0] =	vst v16  }
0x169: {  	s6 =	sadd.s32 $0xC800, s24;
	v15 =	vadd.s32 $0x2200, v6;
	v16 =	vld.idx.msk [tilespmem:v17+s2+$0x0], $0xffff  }
0x16a: {  	s7 =	sor.u32 s23, s6;
	v17 =	vadd.s32 $0x2200, v5  }
0x16b: {  	[tilespmem:s7+$0x0] =	vst v14;
	s8 =	sadd.s32 $0xC800, s28;
	s3 =	sor.u32 s22, s6  }
0x16c: {  	s9 =	sor.u32 s26, s8;
	v10 =	vld.idx.msk [tilespmem:v10+s2+$0x0], $0xffff;
	[tilespmem:s3+$0x0] =	vst v11  }
0x16d: {  	s4 =	sor.u32 s25, s8;
	v11 =	vadd.s32 $0x2400, v3;
	v12 =	vld.idx.msk [tilespmem:v12+s2+$0x0], $0xffff;
	[tilespmem:s9+$0x0] =	vst v13  }
0x16e: {  	v13 =	vadd.s32 $0x2400, v4;
	v14 =	vld.idx.msk [tilespmem:v15+s2+$0x0], $0xffff;
	[tilespmem:s4+$0x0] =	vst v16  }
0x16f: {  	s10 =	sadd.s32 $0xC880, s24;
	v15 =	vadd.s32 $0x2400, v6;
	v16 =	vld.idx.msk [tilespmem:v17+s2+$0x0], $0xffff  }
0x170: {  	s11 =	sor.u32 s23, s10;
	v17 =	vadd.s32 $0x2400, v5  }
0x171: {  	s14 =	sadd.s32 $0xC880, s28;
	s3 =	sor.u32 s22, s10;
	[tilespmem:s11+$0x0] =	vst v10  }
0x172: {  	s15 =	sor.u32 s26, s14;
	v10 =	vld.idx.msk [tilespmem:v11+s2+$0x0], $0xffff;
	[tilespmem:s3+$0x0] =	vst v12  }
0x173: {  	s4 =	sor.u32 s25, s14;
	v11 =	vadd.s32 $0x2600, v3;
	v12 =	vld.idx.msk [tilespmem:v13+s2+$0x0], $0xffff;
	[tilespmem:s15+$0x0] =	vst v14  }
0x174: {  	v13 =	vadd.s32 $0x2600, v4;
	v14 =	vld.idx.msk [tilespmem:v15+s2+$0x0], $0xffff;
	[tilespmem:s4+$0x0] =	vst v16  }
0x175: {  	s16 =	sadd.s32 $0xC900, s24;
	v15 =	vadd.s32 $0x2600, v6;
	v16 =	vld.idx.msk [tilespmem:v17+s2+$0x0], $0xffff  }
0x176: {  	s17 =	sor.u32 s23, s16;
	v17 =	vadd.s32 $0x2600, v5  }
0x177: {  	s6 =	sadd.s32 $0xC900, s28;
	s3 =	sor.u32 s22, s16;
	[tilespmem:s17+$0x0] =	vst v10  }
0x178: {  	s7 =	sor.u32 s26, s6;
	v10 =	vld.idx.msk [tilespmem:v11+s2+$0x0], $0xffff;
	[tilespmem:s3+$0x0] =	vst v12  }
0x179: {  	s4 =	sor.u32 s25, s6;
	v11 =	vadd.s32 $0x2800, v3;
	v12 =	vld.idx.msk [tilespmem:v13+s2+$0x0], $0xffff;
	[tilespmem:s7+$0x0] =	vst v14  }
0x17a: {  	v13 =	vadd.s32 $0x2800, v4;
	v14 =	vld.idx.msk [tilespmem:v15+s2+$0x0], $0xffff;
	[tilespmem:s4+$0x0] =	vst v16  }
0x17b: {  	s8 =	sadd.s32 $0xC980, s24;
	v15 =	vadd.s32 $0x2800, v6;
	v16 =	vld.idx.msk [tilespmem:v17+s2+$0x0], $0xffff  }
0x17c: {  	s9 =	sor.u32 s23, s8;
	v17 =	vadd.s32 $0x2800, v5  }
0x17d: {  	s10 =	sadd.s32 $0xC980, s28;
	s3 =	sor.u32 s22, s8;
	[tilespmem:s9+$0x0] =	vst v10  }
0x17e: {  	s11 =	sor.u32 s26, s10;
	v10 =	vld.idx.msk [tilespmem:v11+s2+$0x0], $0xffff;
	[tilespmem:s3+$0x0] =	vst v12  }
0x17f: {  	s4 =	sor.u32 s25, s10;
	v11 =	vadd.s32 $0x2A00, v3;
	v12 =	vld.idx.msk [tilespmem:v13+s2+$0x0], $0xffff;
	[tilespmem:s11+$0x0] =	vst v14  }
0x180: {  	v13 =	vadd.s32 $0x2A00, v4;
	v14 =	vld.idx.msk [tilespmem:v15+s2+$0x0], $0xffff;
	[tilespmem:s4+$0x0] =	vst v16  }
0x181: {  	s14 =	sadd.s32 $0xCA00, s24;
	v15 =	vadd.s32 $0x2A00, v6;
	v16 =	vld.idx.msk [tilespmem:v17+s2+$0x0], $0xffff  }
0x182: {  	s15 =	sor.u32 s23, s14;
	v17 =	vadd.s32 $0x2A00, v5  }
0x183: {  	s16 =	sadd.s32 $0xCA00, s28;
	s3 =	sor.u32 s22, s14;
	[tilespmem:s15+$0x0] =	vst v10  }
0x184: {  	s17 =	sor.u32 s26, s16;
	v10 =	vadd.s32 $0x3A00, v2;
	v11 =	vld.idx.msk [tilespmem:v11+s2+$0x0], $0xffff;
	[tilespmem:s3+$0x0] =	vst v12  }
0x185: {  	s4 =	sor.u32 s25, s16;
	v12 =	vadd.s32 $0x2C00, v3;
	v13 =	vld.idx.msk [tilespmem:v13+s2+$0x0], $0xffff;
	[tilespmem:s17+$0x0] =	vst v14  }
0x186: {  	v14 =	vadd.s32 $0x2C00, v4;
	v15 =	vld.idx.msk [tilespmem:v15+s2+$0x0], $0xffff;
	[tilespmem:s4+$0x0] =	vst v16  }
0x187: {  	s5 =	sor.u32 s19, s5;
	[tilespmem:s13+$0x0] =	vst v9;
	v9 =	vadd.s32 $0x2C00, v6;
	s6 =	sadd.s32 $0xCA80, s24;
	v16 =	vld.idx.msk [tilespmem:v17+s2+$0x0], $0xffff  }
0x188: {  	[tilespmem:s5+$0x0] =	vst v8;
	v8 =	vadd.s32 $0x2C00, v5;
	s7 =	sor.u32 s23, s6  }
0x189: {  	s8 =	sadd.s32 $0xCA80, s28;
	v10 =	vld.idx.msk [tilespmem:v10+s2+$0x0], $0xffff;
	s4 =	sor.u32 s22, s6;
	v17 =	vadd.s32 $0x2E00, v1;
	[tilespmem:s7+$0x0] =	vst v11  }
0x18a: {  	s9 =	sor.u32 s26, s8;
	v11 =	vadd.s32 $0x3200, v0;
	v12 =	vld.idx.msk [tilespmem:v12+s2+$0x0], $0xffff;
	[tilespmem:s4+$0x0] =	vst v13  }
0x18b: {  	s10 =	sadd.s32 $0x10800, s21;
	s3 =	sor.u32 s25, s8;
	v13 =	vadd.s32 $0x2E00, v3;
	v14 =	vld.idx.msk [tilespmem:v14+s2+$0x0], $0xffff;
	[tilespmem:s9+$0x0] =	vst v15  }
0x18c: {  	s11 =	sor.u32 s20, s10;
	v15 =	vadd.s32 $0x2E00, v4;
	v9 =	vld.idx.msk [tilespmem:v9+s2+$0x0], $0xffff;
	[tilespmem:s3+$0x0] =	vst v16  }
0x18d: {  	s13 =	sadd.s32 $0xCB00, s24;
	[tilespmem:s11+$0x0] =	vst v7;
	v7 =	vadd.s32 $0x2E00, v6;
	v8 =	vld.idx.msk [tilespmem:v8+s2+$0x0], $0xffff  }
0x18e: {  	s14 =	sor.u32 s23, s13;
	[tilespmem:s12+$0x0] =	vst v10;
	v10 =	vadd.s32 $0x2E00, v5;
	v16 =	vld.idx.msk [tilespmem:v17+s2+$0x0], $0xffff  }
0x18f: {  	s15 =	sadd.s32 $0xCB00, s28;
	v17 =	vadd.s32 $0x3C00, v2;
	v11 =	vld.idx.msk [tilespmem:v11+s2+$0x0], $0xffff;
	s3 =	sor.u32 s22, s13;
	[tilespmem:s14+$0x0] =	vst v12  }
0x190: {  	s16 =	sor.u32 s26, s15;
	v12 =	vadd.s32 $0x3000, v1;
	v13 =	vld.idx.msk [tilespmem:v13+s2+$0x0], $0xffff;
	[tilespmem:s3+$0x0] =	vst v14  }
0x191: {  	s4 =	sor.u32 s25, s15;
	v14 =	vadd.s32 $0x3000, v3;
	v15 =	vld.idx.msk [tilespmem:v15+s2+$0x0], $0xffff;
	[tilespmem:s16+$0x0] =	vst v9  }
0x192: {  	s1 =	sor.u32 s19, s1;
	s17 =	sadd.s32 $0x10880, s21;
	v9 =	vadd.s32 $0x3000, v4;
	v7 =	vld.idx.msk [tilespmem:v7+s2+$0x0], $0xffff;
	[tilespmem:s4+$0x0] =	vst v8  }
0x193: {  	s6 =	sadd.s32 $0xCB80, s24;
	[tilespmem:s1+$0x0] =	vst v16;
	s4 =	sor.u32 s20, s17;
	v8 =	vadd.s32 $0x3000, v6;
	v10 =	vld.idx.msk [tilespmem:v10+s2+$0x0], $0xffff  }
0x194: {  	s7 =	sor.u32 s23, s6;
	v16 =	vld.idx.msk [tilespmem:v17+s2+$0x0], $0xffff;
	[tilespmem:s4+$0x0] =	vst v11;
	v11 =	vadd.s32 $0x3000, v5  }
0x195: {  	s8 =	sadd.s32 $0xCB80, s28;
	v17 =	vadd.s32 $0x3400, v0;
	v12 =	vld.idx.msk [tilespmem:v12+s2+$0x0], $0xffff;
	s4 =	sor.u32 s22, s6;
	[tilespmem:s7+$0x0] =	vst v13  }
0x196: {  	s9 =	sor.u32 s26, s8;
	v13 =	vadd.s32 $0x3200, v1;
	v14 =	vld.idx.msk [tilespmem:v14+s2+$0x0], $0xffff;
	[tilespmem:s4+$0x0] =	vst v15  }
0x197: {  	s1 =	sor.u32 s25, s8;
	v15 =	vadd.s32 $0x3200, v3;
	v9 =	vld.idx.msk [tilespmem:v9+s2+$0x0], $0xffff;
	[tilespmem:s9+$0x0] =	vst v7  }
0x198: {  	v7 =	vadd.s32 $0x3200, v4;
	v8 =	vld.idx.msk [tilespmem:v8+s2+$0x0], $0xffff;
	[tilespmem:s1+$0x0] =	vst v10  }
0x199: {  	s10 =	sor.u32 s19, s10;
	s11 =	sadd.s32 $0x10800, s24;
	[tilespmem:s0+$0x0] =	vst v16;
	v10 =	vadd.s32 $0x3200, v6;
	v11 =	vld.idx.msk [tilespmem:v11+s2+$0x0], $0xffff  }
0x19a: {  	s12 =	sor.u32 s23, s11;
	v16 =	vld.idx.msk [tilespmem:v17+s2+$0x0], $0xffff;
	[tilespmem:s10+$0x0] =	vst v12;
	v12 =	vadd.s32 $0x3200, v5  }
0x19b: {  	v2 =	vadd.s32 $0x3E00, v2;
	s13 =	sadd.s32 $0x10800, s28;
	s0 =	sor.u32 s22, s11;
	v13 =	vld.idx.msk [tilespmem:v13+s2+$0x0], $0xffff;
	[tilespmem:s12+$0x0] =	vst v14  }
0x19c: {  	s14 =	sor.u32 s26, s13;
	v14 =	vadd.s32 $0x3400, v1;
	v15 =	vld.idx.msk [tilespmem:v15+s2+$0x0], $0xffff;
	[tilespmem:s0+$0x0] =	vst v9  }
0x19d: {  	s15 =	sadd.s32 $0x10900, s21;
	s1 =	sor.u32 s25, s13;
	v9 =	vadd.s32 $0x3400, v3;
	v7 =	vld.idx.msk [tilespmem:v7+s2+$0x0], $0xffff;
	[tilespmem:s14+$0x0] =	vst v8  }
0x19e: {  	s16 =	sor.u32 s20, s15;
	v8 =	vadd.s32 $0x3400, v4;
	v10 =	vld.idx.msk [tilespmem:v10+s2+$0x0], $0xffff;
	[tilespmem:s1+$0x0] =	vst v11  }
0x19f: {  	s3 =	sadd.s32 $0x10880, s24;
	s17 =	sor.u32 s19, s17;
	[tilespmem:s16+$0x0] =	vst v16;
	v11 =	vadd.s32 $0x3400, v6;
	v12 =	vld.idx.msk [tilespmem:v12+s2+$0x0], $0xffff  }
0x1a0: {  	s5 =	sor.u32 s23, s3;
	v2 =	vld.idx.msk [tilespmem:v2+s2+$0x0], $0xffff;
	[tilespmem:s17+$0x0] =	vst v13;
	v13 =	vadd.s32 $0x3400, v5  }
0x1a1: {  	s6 =	sadd.s32 $0x10880, s28;
	v16 =	vadd.s32 $0x3600, v0;
	s0 =	sor.u32 s22, s3;
	v14 =	vld.idx.msk [tilespmem:v14+s2+$0x0], $0xffff;
	[tilespmem:s5+$0x0] =	vst v15  }
0x1a2: {  	s7 =	sor.u32 s26, s6;
	v15 =	vadd.s32 $0x3600, v1;
	v9 =	vld.idx.msk [tilespmem:v9+s2+$0x0], $0xffff;
	[tilespmem:s0+$0x0] =	vst v7  }
0x1a3: {  	s1 =	sor.u32 s25, s6;
	v7 =	vadd.s32 $0x3600, v3;
	v8 =	vld.idx.msk [tilespmem:v8+s2+$0x0], $0xffff;
	[tilespmem:s7+$0x0] =	vst v10  }
0x1a4: {  	v10 =	vadd.s32 $0x3600, v4;
	v11 =	vld.idx.msk [tilespmem:v11+s2+$0x0], $0xffff;
	[tilespmem:s1+$0x0] =	vst v12  }
0x1a5: {  	s8 =	sor.u32 s19, s15;
	s9 =	sadd.s32 $0x10900, s24;
	[tilespmem:s30+$0x0] =	vst v2;
	v2 =	vadd.s32 $0x3600, v6;
	v12 =	vld.idx.msk [tilespmem:v13+s2+$0x0], $0xffff  }
0x1a6: {  	s10 =	sor.u32 s23, s9;
	[tilespmem:s8+$0x0] =	vst v14;
	v14 =	vadd.s32 $0x3600, v5;
	v13 =	vld.idx.msk [tilespmem:v16+s2+$0x0], $0xffff  }
0x1a7: {  	s11 =	sor.u32 s22, s9;
	s12 =	sadd.s32 $0x10900, s28;
	v15 =	vld.idx.msk [tilespmem:v15+s2+$0x0], $0xffff;
	v16 =	vadd.s32 $0x3800, v0;
	[tilespmem:s10+$0x0] =	vst v9  }
0x1a8: {  	s13 =	sor.u32 s26, s12;
	v9 =	vadd.s32 $0x3800, v1;
	v7 =	vld.idx.msk [tilespmem:v7+s2+$0x0], $0xffff;
	[tilespmem:s11+$0x0] =	vst v8  }
0x1a9: {  	s15 =	sor.u32 s25, s12;
	s14 =	sadd.s32 $0x10980, s21;
	v8 =	vadd.s32 $0x3800, v3;
	v10 =	vld.idx.msk [tilespmem:v10+s2+$0x0], $0xffff;
	[tilespmem:s13+$0x0] =	vst v11  }
0x1aa: {  	s16 =	sor.u32 s20, s14;
	v11 =	vadd.s32 $0x3800, v4;
	v2 =	vld.idx.msk [tilespmem:v2+s2+$0x0], $0xffff;
	[tilespmem:s15+$0x0] =	vst v12  }
0x1ab: {  	s3 =	sadd.s32 $0x10980, s24;
	s17 =	sor.u32 s19, s14;
	[tilespmem:s16+$0x0] =	vst v13;
	v12 =	vadd.s32 $0x3800, v6;
	v13 =	vld.idx.msk [tilespmem:v14+s2+$0x0], $0xffff  }
0x1ac: {  	s4 =	sor.u32 s23, s3;
	[tilespmem:s17+$0x0] =	vst v15;
	v15 =	vadd.s32 $0x3800, v5;
	v14 =	vld.idx.msk [tilespmem:v16+s2+$0x0], $0xffff  }
0x1ad: {  	s5 =	sadd.s32 $0x10980, s28;
	s1 =	sor.u32 s22, s3;
	v9 =	vld.idx.msk [tilespmem:v9+s2+$0x0], $0xffff;
	v16 =	vadd.s32 $0x3A00, v0;
	[tilespmem:s4+$0x0] =	vst v7  }
0x1ae: {  	s6 =	sor.u32 s26, s5;
	v7 =	vadd.s32 $0x3A00, v1;
	v8 =	vld.idx.msk [tilespmem:v8+s2+$0x0], $0xffff;
	[tilespmem:s1+$0x0] =	vst v10  }
0x1af: {  	s0 =	sor.u32 s25, s5;
	s7 =	sadd.s32 $0x10A00, s21;
	v10 =	vadd.s32 $0x3A00, v3;
	v11 =	vld.idx.msk [tilespmem:v11+s2+$0x0], $0xffff;
	[tilespmem:s6+$0x0] =	vst v2  }
0x1b0: {  	s8 =	sor.u32 s20, s7;
	v2 =	vadd.s32 $0x3A00, v4;
	v12 =	vld.idx.msk [tilespmem:v12+s2+$0x0], $0xffff;
	[tilespmem:s0+$0x0] =	vst v13  }
0x1b1: {  	s9 =	sor.u32 s19, s7;
	s10 =	sadd.s32 $0x10A00, s24;
	[tilespmem:s8+$0x0] =	vst v14;
	v13 =	vadd.s32 $0x3A00, v6;
	v14 =	vld.idx.msk [tilespmem:v15+s2+$0x0], $0xffff  }
0x1b2: {  	s11 =	sor.u32 s23, s10;
	[tilespmem:s9+$0x0] =	vst v9;
	v9 =	vadd.s32 $0x3A00, v5;
	v15 =	vld.idx.msk [tilespmem:v16+s2+$0x0], $0xffff  }
0x1b3: {  	s12 =	sor.u32 s22, s10;
	s13 =	sadd.s32 $0x10A00, s28;
	v7 =	vld.idx.msk [tilespmem:v7+s2+$0x0], $0xffff;
	v16 =	vadd.s32 $0x3C00, v0;
	[tilespmem:s11+$0x0] =	vst v8  }
0x1b4: {  	s14 =	sor.u32 s26, s13;
	v8 =	vadd.s32 $0x3C00, v1;
	v10 =	vld.idx.msk [tilespmem:v10+s2+$0x0], $0xffff;
	[tilespmem:s12+$0x0] =	vst v11  }
0x1b5: {  	s15 =	sadd.s32 $0x10A80, s21;
	s16 =	sor.u32 s25, s13;
	v11 =	vadd.s32 $0x3C00, v3;
	v2 =	vld.idx.msk [tilespmem:v2+s2+$0x0], $0xffff;
	[tilespmem:s14+$0x0] =	vst v12  }
0x1b6: {  	s17 =	sor.u32 s20, s15;
	v12 =	vadd.s32 $0x3C00, v4;
	v13 =	vld.idx.msk [tilespmem:v13+s2+$0x0], $0xffff;
	[tilespmem:s16+$0x0] =	vst v14  }
0x1b7: {  	s5 =	sadd.s32 $0x10A80, s24;
	s4 =	sor.u32 s19, s15;
	[tilespmem:s17+$0x0] =	vst v15;
	v14 =	vadd.s32 $0x3C00, v6;
	v9 =	vld.idx.msk [tilespmem:v9+s2+$0x0], $0xffff  }
0x1b8: {  	s6 =	sor.u32 s23, s5;
	[tilespmem:s4+$0x0] =	vst v7;
	v7 =	vadd.s32 $0x3C00, v5;
	v15 =	vld.idx.msk [tilespmem:v16+s2+$0x0], $0xffff  }
0x1b9: {  	s7 =	sadd.s32 $0x10A80, s28;
	s1 =	sor.u32 s22, s5;
	v0 =	vadd.s32 $0x3E00, v0;
	v8 =	vld.idx.msk [tilespmem:v8+s2+$0x0], $0xffff;
	[tilespmem:s6+$0x0] =	vst v10  }
0x1ba: {  	s8 =	sor.u32 s26, s7;
	v1 =	vadd.s32 $0x3E00, v1;
	v10 =	vld.idx.msk [tilespmem:v11+s2+$0x0], $0xffff;
	[tilespmem:s1+$0x0] =	vst v2  }
0x1bb: {  	s9 =	sadd.s32 $0x10B00, s21;
	s0 =	sor.u32 s25, s7;
	v2 =	vadd.s32 $0x3E00, v3;
	v3 =	vld.idx.msk [tilespmem:v12+s2+$0x0], $0xffff;
	[tilespmem:s8+$0x0] =	vst v13  }
0x1bc: {  	s10 =	sor.u32 s20, s9;
	v4 =	vadd.s32 $0x3E00, v4;
	v11 =	vld.idx.msk [tilespmem:v14+s2+$0x0], $0xffff;
	[tilespmem:s0+$0x0] =	vst v9  }
0x1bd: {  	s11 =	sor.u32 s19, s9;
	s12 =	sadd.s32 $0x10B00, s24;
	v6 =	vadd.s32 $0x3E00, v6;
	[tilespmem:s10+$0x0] =	vst v15;
	v7 =	vld.idx.msk [tilespmem:v7+s2+$0x0], $0xffff  }
0x1be: {  	s13 =	sor.u32 s23, s12;
	v5 =	vadd.s32 $0x3E00, v5;
	[tilespmem:s11+$0x0] =	vst v8;
	v0 =	vld.idx.msk [tilespmem:v0+s2+$0x0], $0xffff  }
0x1bf: {  	s14 =	sadd.s32 $0x10B00, s28;
	s1 =	sor.u32 s22, s12;
	v1 =	vld.idx.msk [tilespmem:v1+s2+$0x0], $0xffff;
	[tilespmem:s13+$0x0] =	vst v10  }
0x1c0: {  	s15 =	sor.u32 s26, s14;
	v2 =	vld.idx.msk [tilespmem:v2+s2+$0x0], $0xffff;
	[tilespmem:s1+$0x0] =	vst v3  }
0x1c1: {  	s16 =	sadd.s32 $0x10B80, s21;
	s0 =	sor.u32 s25, s14;
	v3 =	vld.idx.msk [tilespmem:v4+s2+$0x0], $0xffff;
	[tilespmem:s15+$0x0] =	vst v11  }
0x1c2: {  	s17 =	sor.u32 s20, s16;
	v4 =	vld.idx.msk [tilespmem:v6+s2+$0x0], $0xffff;
	[tilespmem:s0+$0x0] =	vst v7  }
0x1c3: {  	s19 =	sor.u32 s19, s16;
	s20 =	sadd.s32 $0x10B80, s24;
	[tilespmem:s17+$0x0] =	vst v0;
	v0 =	vld.idx.msk [tilespmem:v5+s2+$0x0], $0xffff  }
0x1c4: {  	s21 =	sor.u32 s23, s20;
	[tilespmem:s19+$0x0] =	vst v1  }
0x1c5: {  	s1 =	sor.u32 s22, s20;
	s22 =	sadd.s32 $0x10B80, s28;
	[tilespmem:s21+$0x0] =	vst v2  }
0x1c6: {  	s23 =	sor.u32 s26, s22;
	[tilespmem:s1+$0x0] =	vst v3  }
0x1c7: {  	s0 =	sor.u32 s25, s22;
	[tilespmem:s23+$0x0] =	vst v4  }
0x1c8: {  	s5 =	simm.s32 $0x8800;
	s24 =	simm.s32 $0x0;
	[tilespmem:s0+$0x0] =	vst v0  }
0x1c9: {  	s10 =	simm.s32 $0x400;
	s26 =	simm.s32 $0x4800;
	s25 =	rddreg [dreg:$0x5]  }
0x1ca: {  	[hbm4b:s25+s24] =	stream.linear.scatter [tilespmem:s26], [sflag:$0x1], $0x2000, $0x38;
	[tilespmem:$0x14800] =	vst v63  }
0x1cb: {  	s7 =	simm.s32 $0xC800;
	s30 =	sand.u32 $0x60, s10;
	s4 =	sadd.s32 $0x1000, s25  }
0x1cc: {  	[hbm4b:s4+s24] =	stream.linear.scatter [tilespmem:s5], [sflag:$0x1], $0x2000, $0x38;
	[tilespmem:$0x14800] =	vst v63  }
0x1cd: {  	s31 =	sor.u32 $0x10, s30;
	s1 =	sand.u32 $0x780, s10;
	s6 =	sadd.s32 $0x2000, s25  }
0x1ce: {  	[hbm4b:s6+s24] =	stream.linear.scatter [tilespmem:s7], [sflag:$0x1], $0x2000, $0x38;
	[tilespmem:$0x14800] =	vst v63  }
0x1cf: {  	s9 =	simm.s32 $0x10800;
	s1 =	sor.u32 s31, s1;
	s8 =	sadd.s32 $0x3000, s25  }
0x1d0: {  	[hbm4b:s8+s24] =	stream.linear.scatter [tilespmem:s9], [sflag:$0x1], $0x2000, $0x38;
	[tilespmem:$0x14800] =	vst v63  }
0x1d1: {  	v7 =	vld [tilespmem:s1+$0x4000];
	_ =	sdelay $0x7  }
0x1d2: {  	v0 =	vld.idx.msk [tilespmem:v7+s2+$0x0], $0xffff  }
0x1d3: {  	s11 =	simm.s32 $0x2000;
	v1 =	vadd.s32 $0x200, v7  }
0x1d4: {  	s12 =	simm.s32 $0x4400;
	s1 =	sand.u32 $0x3C00, s11  }
0x1d5: {  	v2 =	vld [tilespmem:s12+$0x0];
	s13 =	sadd.s32 $0x4800, s1  }
0x1d6: {  	s14 =	sor.u32 s31, s13  }
0x1d7: {  	[tilespmem:s14+$0x0] =	vst v0  }
0x1d8: {  	v0 =	vld.idx.msk [tilespmem:v1+s2+$0x0], $0xffff  }
0x1d9: {  	v1 =	vadd.s32 $0x400, v7;
	_ =	sdelay $0x3  }
0x1da: {  	v3 =	vld.idx.msk [tilespmem:v2+s2+$0x0], $0xffff;
	[tilespmem:s14+$0x80] =	vst v0  }
0x1db: {  	v0 =	vadd.s32 $0x200, v2;
	v1 =	vld.idx.msk [tilespmem:v1+s2+$0x0], $0xffff  }
0x1dc: {  	v4 =	vadd.s32 $0x600, v7;
	_ =	sdelay $0x1  }
0x1dd: {  	s3 =	sor.u32 s30, s13  }
0x1de: {  	[tilespmem:s3+$0x0] =	vst v3  }
0x1df: {  	v0 =	vld.idx.msk [tilespmem:v0+s2+$0x0], $0xffff;
	[tilespmem:s14+$0x100] =	vst v1  }
0x1e0: {  	v1 =	vadd.s32 $0x400, v2;
	v3 =	vld.idx.msk [tilespmem:v4+s2+$0x0], $0xffff  }
0x1e1: {  	v4 =	vadd.s32 $0x800, v7;
	_ =	sdelay $0x2  }
0x1e2: {  	[tilespmem:s3+$0x80] =	vst v0  }
0x1e3: {  	v0 =	vld.idx.msk [tilespmem:v1+s2+$0x0], $0xffff;
	[tilespmem:s14+$0x180] =	vst v3  }
0x1e4: {  	v1 =	vadd.s32 $0x600, v2;
	v3 =	vld.idx.msk [tilespmem:v4+s2+$0x0], $0xffff  }
0x1e5: {  	v4 =	vadd.s32 $0xA00, v7;
	_ =	sdelay $0x2  }
0x1e6: {  	[tilespmem:s3+$0x100] =	vst v0  }
0x1e7: {  	v0 =	vld.idx.msk [tilespmem:v1+s2+$0x0], $0xffff;
	[tilespmem:s14+$0x200] =	vst v3  }
0x1e8: {  	v1 =	vadd.s32 $0x800, v2;
	v3 =	vld.idx.msk [tilespmem:v4+s2+$0x0], $0xffff  }
0x1e9: {  	v4 =	vadd.s32 $0xC00, v7;
	_ =	sdelay $0x2  }
0x1ea: {  	[tilespmem:s3+$0x180] =	vst v0  }
0x1eb: {  	v0 =	vld.idx.msk [tilespmem:v1+s2+$0x0], $0xffff;
	[tilespmem:s14+$0x280] =	vst v3  }
0x1ec: {  	s0 =	sand.u32 $0x3, s24;
	v1 =	vadd.s32 $0xA00, v2;
	v3 =	vld.idx.msk [tilespmem:v4+s2+$0x0], $0xffff  }
0x1ed: {  	s0 =	sshll.u32 s0, $0x5;
	v4 =	vadd.s32 $0xE00, v7  }
0x1ee: {  	s0 =	sadd.s32 $0x0, s0  }
0x1ef: {  	s15 =	sadd.s32 $0x2010, s0  }
0x1f0: {  	s16 =	sor.u32 $0x300, s15;
	[tilespmem:s3+$0x200] =	vst v0  }
0x1f1: {  	v0 =	vld.idx.msk [tilespmem:v1+s2+$0x0], $0xffff;
	[tilespmem:s16+$0x4800] =	vst v3  }
0x1f2: {  	v1 =	vadd.s32 $0xC00, v2;
	v3 =	vld.idx.msk [tilespmem:v4+s2+$0x0], $0xffff  }
0x1f3: {  	v4 =	vadd.s32 $0x1000, v7;
	_ =	sdelay $0x1  }
0x1f4: {  	s17 =	simm.s32 $0x420  }
0x1f5: {  	s19 =	sand.u32 $0x60, s17;
	s20 =	sor.u32 $0x380, s15;
	[tilespmem:s3+$0x280] =	vst v0  }
0x1f6: {  	s21 =	sand.u32 $0x780, s17;
	v1 =	vld.idx.msk [tilespmem:v1+s2+$0x0], $0xffff;
	[tilespmem:s20+$0x4800] =	vst v3;
	s20 =	sor.u32 $0x10, s19  }
0x1f7: {  	v3 =	vadd.s32 $0xE00, v2;
	v4 =	vld.idx.msk [tilespmem:v4+s2+$0x0], $0xffff;
	s3 =	sor.u32 s20, s21  }
0x1f8: {  	v0 =	vld [tilespmem:s3+$0x4000]  }
0x1f9: {  	s0 =	sadd.s32 $0x2000, s0;
	v5 =	vadd.s32 $0x1200, v7  }
0x1fa: {  	s22 =	sor.u32 $0x300, s0  }
0x1fb: {  	s23 =	sadd.s32 $0x8800, s1;
	[tilespmem:s22+$0x4800] =	vst v1  }
0x1fc: {  	s24 =	simm.s32 $0x4420;
	s25 =	sor.u32 s31, s23;
	v3 =	vld.idx.msk [tilespmem:v3+s2+$0x0], $0xffff  }
0x1fd: {  	v6 =	vadd.s32 $0x1000, v2;
	v1 =	vld [tilespmem:s24+$0x0];
	[tilespmem:s25+$0x0] =	vst v4  }
0x1fe: {  	v4 =	vld.idx.msk [tilespmem:v5+s2+$0x0], $0xffff  }
0x1ff: {  	v5 =	vadd.s32 $0x1400, v7  }
0x200: {  	s0 =	sor.u32 $0x380, s0;
	v8 =	vld.idx.msk [tilespmem:v0+s2+$0x0], $0xffff  }
0x201: {  	s7 =	simm.s32 $0x2100;
	s26 =	sadd.s32 $0x8880, s1;
	[tilespmem:s0+$0x4800] =	vst v3;
	v3 =	vadd.s32 $0x200, v0  }
0x202: {  	s8 =	sor.u32 s31, s26;
	s21 =	sand.u32 $0x3C00, s7;
	v6 =	vld.idx.msk [tilespmem:v6+s2+$0x0], $0xffff  }
0x203: {  	v9 =	vadd.s32 $0x1200, v2;
	s0 =	sadd.s32 $0x4800, s21;
	[tilespmem:s8+$0x0] =	vst v4  }
0x204: {  	s9 =	sor.u32 s20, s0;
	v4 =	vld.idx.msk [tilespmem:v5+s2+$0x0], $0xffff  }
0x205: {  	v5 =	vld.idx.msk [tilespmem:v1+s2+$0x0], $0xffff;
	[tilespmem:s9+$0x0] =	vst v8;
	v8 =	vadd.s32 $0x1600, v7  }
0x206: {  	s4 =	sor.u32 s30, s23;
	v10 =	vadd.s32 $0x200, v1;
	v3 =	vld.idx.msk [tilespmem:v3+s2+$0x0], $0xffff  }
0x207: {  	s10 =	sadd.s32 $0x8900, s1;
	[tilespmem:s4+$0x0] =	vst v6;
	v6 =	vadd.s32 $0x400, v0  }
0x208: {  	s11 =	sor.u32 s31, s10;
	v9 =	vld.idx.msk [tilespmem:v9+s2+$0x0], $0xffff  }
0x209: {  	v11 =	vadd.s32 $0x1400, v2;
	s0 =	sor.u32 s19, s0;
	[tilespmem:s11+$0x0] =	vst v4  }
0x20a: {  	[tilespmem:s0+$0x0] =	vst v5;
	v4 =	vld.idx.msk [tilespmem:v8+s2+$0x0], $0xffff  }
0x20b: {  	v5 =	vld.idx.msk [tilespmem:v10+s2+$0x0], $0xffff;
	[tilespmem:s9+$0x80] =	vst v3;
	v3 =	vadd.s32 $0x1800, v7  }
0x20c: {  	s5 =	sor.u32 s30, s26;
	v8 =	vadd.s32 $0x400, v1;
	v6 =	vld.idx.msk [tilespmem:v6+s2+$0x0], $0xffff  }
0x20d: {  	s12 =	sadd.s32 $0x8980, s1;
	[tilespmem:s5+$0x0] =	vst v9;
	v9 =	vadd.s32 $0x600, v0  }
0x20e: {  	s13 =	sor.u32 s31, s12;
	v10 =	vld.idx.msk [tilespmem:v11+s2+$0x0], $0xffff  }
0x20f: {  	v11 =	vadd.s32 $0x1600, v2;
	[tilespmem:s13+$0x0] =	vst v4  }
0x210: {  	[tilespmem:s0+$0x80] =	vst v5;
	v3 =	vld.idx.msk [tilespmem:v3+s2+$0x0], $0xffff  }
0x211: {  	v5 =	vadd.s32 $0x1A00, v7;
	v4 =	vld.idx.msk [tilespmem:v8+s2+$0x0], $0xffff;
	[tilespmem:s9+$0x100] =	vst v6  }
0x212: {  	s4 =	sor.u32 s30, s10;
	v6 =	vadd.s32 $0x600, v1;
	v8 =	vld.idx.msk [tilespmem:v9+s2+$0x0], $0xffff  }
0x213: {  	s14 =	sadd.s32 $0x8A00, s1;
	[tilespmem:s4+$0x0] =	vst v10;
	v9 =	vadd.s32 $0x800, v0  }
0x214: {  	s15 =	sor.u32 s31, s14;
	v10 =	vld.idx.msk [tilespmem:v11+s2+$0x0], $0xffff  }
0x215: {  	v11 =	vadd.s32 $0x1800, v2;
	[tilespmem:s15+$0x0] =	vst v3  }
0x216: {  	[tilespmem:s0+$0x100] =	vst v4;
	v3 =	vld.idx.msk [tilespmem:v5+s2+$0x0], $0xffff  }
0x217: {  	v4 =	vld.idx.msk [tilespmem:v6+s2+$0x0], $0xffff;
	v5 =	vadd.s32 $0x1C00, v7;
	[tilespmem:s9+$0x180] =	vst v8  }
0x218: {  	s5 =	sor.u32 s30, s12;
	v6 =	vadd.s32 $0x800, v1;
	v8 =	vld.idx.msk [tilespmem:v9+s2+$0x0], $0xffff  }
0x219: {  	s16 =	sadd.s32 $0x8A80, s1;
	[tilespmem:s5+$0x0] =	vst v10;
	v9 =	vadd.s32 $0xA00, v0  }
0x21a: {  	s17 =	sor.u32 s31, s16;
	v10 =	vld.idx.msk [tilespmem:v11+s2+$0x0], $0xffff  }
0x21b: {  	v11 =	vadd.s32 $0x1A00, v2;
	[tilespmem:s17+$0x0] =	vst v3  }
0x21c: {  	[tilespmem:s0+$0x180] =	vst v4;
	v3 =	vld.idx.msk [tilespmem:v5+s2+$0x0], $0xffff  }
0x21d: {  	v4 =	vld.idx.msk [tilespmem:v6+s2+$0x0], $0xffff;
	v5 =	vadd.s32 $0x1E00, v7;
	[tilespmem:s9+$0x200] =	vst v8  }
0x21e: {  	s4 =	sor.u32 s30, s14;
	v6 =	vadd.s32 $0xA00, v1;
	v8 =	vld.idx.msk [tilespmem:v9+s2+$0x0], $0xffff  }
0x21f: {  	s22 =	sadd.s32 $0x8B00, s1;
	[tilespmem:s4+$0x0] =	vst v10;
	v9 =	vadd.s32 $0xC00, v0  }
0x220: {  	s23 =	sor.u32 s31, s22;
	v10 =	vld.idx.msk [tilespmem:v11+s2+$0x0], $0xffff  }
0x221: {  	v11 =	vadd.s32 $0x1C00, v2;
	[tilespmem:s23+$0x0] =	vst v3  }
0x222: {  	[tilespmem:s0+$0x200] =	vst v4;
	v3 =	vld.idx.msk [tilespmem:v5+s2+$0x0], $0xffff  }
0x223: {  	s24 =	simm.s32 $0x1;
	v4 =	vld.idx.msk [tilespmem:v6+s2+$0x0], $0xffff;
	v5 =	vadd.s32 $0x2000, v7;
	[tilespmem:s9+$0x280] =	vst v8  }
0x224: {  	s3 =	sand.u32 $0x3, s24;
	s5 =	sor.u32 s30, s16;
	v6 =	vadd.s32 $0xC00, v1;
	v8 =	vld.idx.msk [tilespmem:v9+s2+$0x0], $0xffff  }
0x225: {  	s25 =	sadd.s32 $0x8B80, s1;
	s3 =	sshll.u32 s3, $0x5;
	[tilespmem:s5+$0x0] =	vst v10;
	v9 =	vadd.s32 $0xE00, v0  }
0x226: {  	s26 =	sor.u32 s31, s25;
	s3 =	sadd.s32 $0x100, s3;
	v10 =	vld.idx.msk [tilespmem:v11+s2+$0x0], $0xffff  }
0x227: {  	s7 =	sadd.s32 $0x2010, s3;
	v11 =	vadd.s32 $0x1E00, v2;
	[tilespmem:s26+$0x0] =	vst v3  }
0x228: {  	s9 =	sor.u32 $0x300, s7;
	[tilespmem:s0+$0x280] =	vst v4;
	v3 =	vld.idx.msk [tilespmem:v5+s2+$0x0], $0xffff  }
0x229: {  	v4 =	vld.idx.msk [tilespmem:v6+s2+$0x0], $0xffff;
	v5 =	vadd.s32 $0x2200, v7;
	[tilespmem:s9+$0x4800] =	vst v8  }
0x22a: {  	s10 =	sor.u32 s30, s22;
	v8 =	vld.idx.msk [tilespmem:v9+s2+$0x0], $0xffff  }
0x22b: {  	s11 =	sadd.s32 $0xC800, s1;
	s14 =	simm.s32 $0x440;
	v6 =	vadd.s32 $0xE00, v1;
	[tilespmem:s10+$0x0] =	vst v10  }
0x22c: {  	s3 =	sadd.s32 $0x2000, s3;
	s12 =	sor.u32 s31, s11;
	s22 =	sand.u32 $0x60, s14;
	v9 =	vadd.s32 $0x1000, v0;
	v10 =	vld.idx.msk [tilespmem:v11+s2+$0x0], $0xffff  }
0x22d: {  	s13 =	sor.u32 $0x300, s3;
	s4 =	sand.u32 $0x780, s14;
	s23 =	sor.u32 $0x10, s22;
	v11 =	vadd.s32 $0x2000, v2;
	[tilespmem:s12+$0x0] =	vst v3  }
0x22e: {  	s6 =	sor.u32 $0x380, s7;
	s4 =	sor.u32 s23, s4;
	[tilespmem:s13+$0x4800] =	vst v4;
	v5 =	vld.idx.msk [tilespmem:v5+s2+$0x0], $0xffff  }
0x22f: {  	v4 =	vld [tilespmem:s4+$0x4000];
	[tilespmem:s6+$0x4800] =	vst v8;
	v8 =	vadd.s32 $0x2400, v7  }
0x230: {  	s5 =	sor.u32 s30, s25;
	v6 =	vld.idx.msk [tilespmem:v6+s2+$0x0], $0xffff  }
0x231: {  	s15 =	sadd.s32 $0xC880, s1;
	v9 =	vld.idx.msk [tilespmem:v9+s2+$0x0], $0xffff;
	[tilespmem:s5+$0x0] =	vst v10;
	v10 =	vadd.s32 $0x1000, v1  }
0x232: {  	v12 =	vadd.s32 $0x1200, v0;
	s16 =	simm.s32 $0x4440;
	s17 =	sor.u32 s31, s15;
	v11 =	vld.idx.msk [tilespmem:v11+s2+$0x0], $0xffff  }
0x233: {  	v13 =	vadd.s32 $0x2200, v2;
	v3 =	vld [tilespmem:s16+$0x0];
	[tilespmem:s17+$0x0] =	vst v5  }
0x234: {  	s24 =	sadd.s32 $0x8800, s21;
	s3 =	sor.u32 $0x380, s3;
	v5 =	vld.idx.msk [tilespmem:v8+s2+$0x0], $0xffff  }
0x235: {  	s25 =	sor.u32 s20, s24;
	[tilespmem:s3+$0x4800] =	vst v6;
	v6 =	vadd.s32 $0x2600, v7  }
0x236: {  	s0 =	sor.u32 s30, s11;
	v8 =	vld.idx.msk [tilespmem:v10+s2+$0x0], $0xffff;
	[tilespmem:s25+$0x0] =	vst v9  }
0x237: {  	s26 =	sadd.s32 $0xC900, s1;
	v9 =	vadd.s32 $0x1200, v1;
	[tilespmem:s0+$0x0] =	vst v11;
	v10 =	vld.idx.msk [tilespmem:v12+s2+$0x0], $0xffff  }
0x238: {  	s3 =	sor.u32 s31, s26;
	v12 =	vadd.s32 $0x1400, v0;
	v11 =	vld.idx.msk [tilespmem:v13+s2+$0x0], $0xffff  }
0x239: {  	v14 =	vld.idx.msk [tilespmem:v4+s2+$0x0], $0xffff;
	v13 =	vadd.s32 $0x2400, v2;
	[tilespmem:s3+$0x0] =	vst v5  }
0x23a: {  	s7 =	sadd.s32 $0x8880, s21;
	s9 =	simm.s32 $0x2200;
	s4 =	sor.u32 s19, s24;
	v5 =	vld.idx.msk [tilespmem:v6+s2+$0x0], $0xffff;
	v6 =	vadd.s32 $0x200, v4  }
0x23b: {  	s10 =	sor.u32 s20, s7;
	s24 =	sand.u32 $0x3C00, s9;
	v15 =	vld.idx.msk [tilespmem:v3+s2+$0x0], $0xffff;
	[tilespmem:s4+$0x0] =	vst v8;
	v8 =	vadd.s32 $0x2800, v7  }
0x23c: {  	s11 =	sor.u32 s30, s15;
	s12 =	sadd.s32 $0x4800, s24;
	v9 =	vld.idx.msk [tilespmem:v9+s2+$0x0], $0xffff;
	[tilespmem:s10+$0x0] =	vst v10;
	v10 =	vadd.s32 $0x200, v3  }
0x23d: {  	s13 =	sadd.s32 $0xC980, s1;
	s3 =	sor.u32 s23, s12;
	[tilespmem:s11+$0x0] =	vst v11;
	v11 =	vld.idx.msk [tilespmem:v12+s2+$0x0], $0xffff;
	v12 =	vadd.s32 $0x1400, v1  }
0x23e: {  	s14 =	sor.u32 s31, s13;
	[tilespmem:s3+$0x0] =	vst v14;
	v14 =	vadd.s32 $0x1600, v0;
	v13 =	vld.idx.msk [tilespmem:v13+s2+$0x0], $0xffff  }
0x23f: {  	s0 =	sor.u32 s22, s12;
	v6 =	vld.idx.msk [tilespmem:v6+s2+$0x0], $0xffff;
	[tilespmem:s14+$0x0] =	vst v5;
	v5 =	vadd.s32 $0x2600, v2  }
0x240: {  	s15 =	sadd.s32 $0x8900, s21;
	s4 =	sor.u32 s19, s7;
	[tilespmem:s0+$0x0] =	vst v15;
	v15 =	vadd.s32 $0x400, v4;
	v8 =	vld.idx.msk [tilespmem:v8+s2+$0x0], $0xffff  }
0x241: {  	s16 =	sor.u32 s20, s15;
	v10 =	vld.idx.msk [tilespmem:v10+s2+$0x0], $0xffff;
	[tilespmem:s4+$0x0] =	vst v9;
	v9 =	vadd.s32 $0x2A00, v7  }
0x242: {  	s6 =	sor.u32 s30, s26;
	v12 =	vld.idx.msk [tilespmem:v12+s2+$0x0], $0xffff;
	[tilespmem:s16+$0x0] =	vst v11;
	v11 =	vadd.s32 $0x400, v3  }
0x243: {  	v16 =	vadd.s32 $0x1600, v1;
	s17 =	sadd.s32 $0xCA00, s1;
	v14 =	vld.idx.msk [tilespmem:v14+s2+$0x0], $0xffff;
	[tilespmem:s6+$0x0] =	vst v13  }
0x244: {  	s25 =	sor.u32 s31, s17;
	[tilespmem:s3+$0x80] =	vst v6;
	v6 =	vadd.s32 $0x1800, v0;
	v5 =	vld.idx.msk [tilespmem:v5+s2+$0x0], $0xffff  }
0x245: {  	v13 =	vld.idx.msk [tilespmem:v15+s2+$0x0], $0xffff;
	[tilespmem:s25+$0x0] =	vst v8;
	v8 =	vadd.s32 $0x2800, v2  }
0x246: {  	s26 =	sor.u32 s19, s15;
	s7 =	sadd.s32 $0x8980, s21;
	[tilespmem:s0+$0x80] =	vst v10;
	v10 =	vadd.s32 $0x600, v4;
	v9 =	vld.idx.msk [tilespmem:v9+s2+$0x0], $0xffff  }
0x247: {  	s9 =	sor.u32 s20, s7;
	v11 =	vld.idx.msk [tilespmem:v11+s2+$0x0], $0xffff;
	[tilespmem:s26+$0x0] =	vst v12;
	v12 =	vadd.s32 $0x2C00, v7  }
0x248: {  	s5 =	sor.u32 s30, s13;
	v15 =	vld.idx.msk [tilespmem:v16+s2+$0x0], $0xffff;
	[tilespmem:s9+$0x0] =	vst v14;
	v14 =	vadd.s32 $0x600, v3  }
0x249: {  	s10 =	sadd.s32 $0xCA80, s1;
	v16 =	vadd.s32 $0x1800, v1;
	v6 =	vld.idx.msk [tilespmem:v6+s2+$0x0], $0xffff;
	[tilespmem:s5+$0x0] =	vst v5  }
0x24a: {  	s11 =	sor.u32 s31, s10;
	v5 =	vadd.s32 $0x1A00, v0;
	[tilespmem:s3+$0x100] =	vst v13;
	v8 =	vld.idx.msk [tilespmem:v8+s2+$0x0], $0xffff  }
0x24b: {  	v10 =	vld.idx.msk [tilespmem:v10+s2+$0x0], $0xffff;
	[tilespmem:s11+$0x0] =	vst v9  }
0x24c: {  	s13 =	sadd.s32 $0x8A00, s21;
	s12 =	sor.u32 s19, s7;
	[tilespmem:s0+$0x100] =	vst v11;
	v9 =	vadd.s32 $0x2A00, v2;
	v11 =	vld.idx.msk [tilespmem:v12+s2+$0x0], $0xffff  }
0x24d: {  	s14 =	sor.u32 s20, s13;
	v13 =	vadd.s32 $0x800, v4;
	v12 =	vld.idx.msk [tilespmem:v14+s2+$0x0], $0xffff;
	[tilespmem:s12+$0x0] =	vst v15  }
0x24e: {  	v14 =	vld.idx.msk [tilespmem:v16+s2+$0x0], $0xffff;
	[tilespmem:s14+$0x0] =	vst v6;
	v6 =	vadd.s32 $0x2E00, v7  }
0x24f: {  	s15 =	simm.s32 $0x4460;
	s4 =	sor.u32 s30, s17;
	v15 =	vadd.s32 $0x800, v3;
	v16 =	vld.idx.msk [tilespmem:v5+s2+$0x0], $0xffff  }
0x250: {  	v17 =	vadd.s32 $0x1A00, v1;
	s16 =	sadd.s32 $0xCB00, s1;
	v5 =	vld [tilespmem:s15+$0x0];
	[tilespmem:s4+$0x0] =	vst v8  }
0x251: {  	s17 =	sor.u32 s31, s16;
	v8 =	vadd.s32 $0x1C00, v0;
	[tilespmem:s3+$0x180] =	vst v10;
	v9 =	vld.idx.msk [tilespmem:v9+s2+$0x0], $0xffff  }
0x252: {  	v10 =	vld.idx.msk [tilespmem:v13+s2+$0x0], $0xffff;
	[tilespmem:s17+$0x0] =	vst v11;
	v11 =	vadd.s32 $0x2C00, v2  }
0x253: {  	s25 =	sor.u32 s19, s13;
	s26 =	sadd.s32 $0x8A80, s21;
	[tilespmem:s0+$0x180] =	vst v12;
	v12 =	vadd.s32 $0xA00, v4;
	v6 =	vld.idx.msk [tilespmem:v6+s2+$0x0], $0xffff  }
0x254: {  	s7 =	sor.u32 s20, s26;
	v13 =	vld.idx.msk [tilespmem:v15+s2+$0x0], $0xffff;
	[tilespmem:s25+$0x0] =	vst v14;
	v14 =	vadd.s32 $0x3000, v7  }
0x255: {  	s5 =	sor.u32 s30, s10;
	v15 =	vld.idx.msk [tilespmem:v17+s2+$0x0], $0xffff;
	[tilespmem:s7+$0x0] =	vst v16;
	v16 =	vadd.s32 $0xA00, v3  }
0x256: {  	s9 =	sadd.s32 $0xCB80, s1;
	v17 =	vadd.s32 $0x1C00, v1;
	v8 =	vld.idx.msk [tilespmem:v8+s2+$0x0], $0xffff;
	[tilespmem:s5+$0x0] =	vst v9  }
0x257: {  	s10 =	sor.u32 s31, s9;
	v9 =	vadd.s32 $0x1E00, v0;
	[tilespmem:s3+$0x200] =	vst v10;
	v10 =	vld.idx.msk [tilespmem:v11+s2+$0x0], $0xffff  }
0x258: {  	v11 =	vld.idx.msk [tilespmem:v12+s2+$0x0], $0xffff;
	[tilespmem:s10+$0x0] =	vst v6;
	v6 =	vadd.s32 $0x2E00, v2  }
0x259: {  	s11 =	sor.u32 s19, s26;
	s12 =	sadd.s32 $0x8B00, s21;
	[tilespmem:s0+$0x200] =	vst v13;
	v13 =	vadd.s32 $0xC00, v4;
	v12 =	vld.idx.msk [tilespmem:v14+s2+$0x0], $0xffff  }
0x25a: {  	s13 =	sor.u32 s20, s12;
	[tilespmem:s11+$0x0] =	vst v15;
	v15 =	vadd.s32 $0x3200, v7;
	v14 =	vld.idx.msk [tilespmem:v16+s2+$0x0], $0xffff  }
0x25b: {  	s4 =	sor.u32 s30, s16;
	v16 =	vld.idx.msk [tilespmem:v17+s2+$0x0], $0xffff;
	[tilespmem:s13+$0x0] =	vst v8;
	v8 =	vadd.s32 $0xC00, v3  }
0x25c: {  	s14 =	sadd.s32 $0x10800, s1;
	v17 =	vadd.s32 $0x1E00, v1;
	v9 =	vld.idx.msk [tilespmem:v9+s2+$0x0], $0xffff;
	[tilespmem:s4+$0x0] =	vst v10  }
0x25d: {  	s29 =	simm.s32 $0x2;
	s15 =	sor.u32 s31, s14;
	[tilespmem:s3+$0x280] =	vst v11;
	v6 =	vld.idx.msk [tilespmem:v6+s2+$0x0], $0xffff  }
0x25e: {  	s16 =	sand.u32 $0x3, s29;
	v10 =	vadd.s32 $0x2000, v0;
	v11 =	vld.idx.msk [tilespmem:v13+s2+$0x0], $0xffff;
	[tilespmem:s15+$0x0] =	vst v12  }
0x25f: {  	s17 =	sor.u32 s19, s12;
	s25 =	sadd.s32 $0x8B80, s21;
	s3 =	sshll.u32 s16, $0x5;
	v12 =	vadd.s32 $0x3000, v2;
	[tilespmem:s0+$0x280] =	vst v14;
	v13 =	vld.idx.msk [tilespmem:v15+s2+$0x0], $0xffff  }
0x260: {  	s26 =	sor.u32 s20, s25;
	s3 =	sadd.s32 $0x200, s3;
	v14 =	vadd.s32 $0xE00, v4;
	[tilespmem:s17+$0x0] =	vst v16;
	v8 =	vld.idx.msk [tilespmem:v8+s2+$0x0], $0xffff  }
0x261: {  	s5 =	sor.u32 s30, s9;
	s7 =	sadd.s32 $0x2010, s3;
	v15 =	vadd.s32 $0x3400, v7;
	v16 =	vld.idx.msk [tilespmem:v17+s2+$0x0], $0xffff;
	[tilespmem:s26+$0x0] =	vst v9  }
0x262: {  	s9 =	sor.u32 $0x300, s7;
	v9 =	vadd.s32 $0xE00, v3;
	[tilespmem:s5+$0x0] =	vst v6;
	s5 =	sadd.s32 $0x10880, s1  }
0x263: {  	s3 =	sadd.s32 $0x2000, s3;
	v17 =	vadd.s32 $0x2000, v1;
	v10 =	vld.idx.msk [tilespmem:v10+s2+$0x0], $0xffff;
	[tilespmem:s9+$0x4800] =	vst v11;
	s10 =	sor.u32 s31, s5  }
0x264: {  	s11 =	sor.u32 $0x300, s3;
	v6 =	vadd.s32 $0x2200, v0;
	v11 =	vld.idx.msk [tilespmem:v12+s2+$0x0], $0xffff;
	[tilespmem:s10+$0x0] =	vst v13  }
0x265: {  	s0 =	sor.u32 s19, s25;
	v12 =	vld.idx.msk [tilespmem:v14+s2+$0x0], $0xffff;
	[tilespmem:s11+$0x4800] =	vst v8  }
0x266: {  	s12 =	sadd.s32 $0xC800, s21;
	v13 =	vadd.s32 $0x3200, v2;
	[tilespmem:s0+$0x0] =	vst v16;
	s0 =	simm.s32 $0x460;
	v8 =	vld.idx.msk [tilespmem:v15+s2+$0x0], $0xffff  }
0x267: {  	s13 =	sor.u32 s20, s12;
	v14 =	vadd.s32 $0x1000, v4;
	v9 =	vld.idx.msk [tilespmem:v9+s2+$0x0], $0xffff;
	s25 =	sand.u32 $0x60, s0  }
0x268: {  	s4 =	sor.u32 s30, s14;
	v16 =	vld.idx.msk [tilespmem:v17+s2+$0x0], $0xffff;
	s15 =	sand.u32 $0x780, s0;
	[tilespmem:s13+$0x0] =	vst v10;
	s26 =	sor.u32 $0x10, s25  }
0x269: {  	s6 =	sor.u32 $0x380, s7;
	v15 =	vadd.s32 $0x3600, v7;
	v10 =	vld.idx.msk [tilespmem:v6+s2+$0x0], $0xffff;
	s16 =	sor.u32 s26, s15;
	[tilespmem:s4+$0x0] =	vst v11;
	s4 =	sadd.s32 $0x10900, s1  }
0x26a: {  	v17 =	vadd.s32 $0x1000, v3;
	[tilespmem:s6+$0x4800] =	vst v12;
	v6 =	vld [tilespmem:s16+$0x4000];
	s14 =	sor.u32 s31, s4  }
0x26b: {  	s3 =	sor.u32 $0x380, s3;
	v11 =	vadd.s32 $0x2400, v0;
	v12 =	vld.idx.msk [tilespmem:v13+s2+$0x0], $0xffff;
	[tilespmem:s14+$0x0] =	vst v8  }
0x26c: {  	s7 =	sor.u32 s19, s12;
	v13 =	vld.idx.msk [tilespmem:v14+s2+$0x0], $0xffff;
	v14 =	vadd.s32 $0x2200, v1;
	[tilespmem:s3+$0x4800] =	vst v9  }
0x26d: {  	s17 =	sadd.s32 $0xC880, s21;
	v9 =	vadd.s32 $0x1200, v4;
	[tilespmem:s7+$0x0] =	vst v16;
	v16 =	vld.idx.msk [tilespmem:v5+s2+$0x0], $0xffff  }
0x26e: {  	s6 =	sor.u32 s20, s17;
	v8 =	vadd.s32 $0x3400, v2;
	v15 =	vld.idx.msk [tilespmem:v15+s2+$0x0], $0xffff  }
0x26f: {  	s8 =	sor.u32 s30, s5;
	s10 =	sadd.s32 $0x8800, s24;
	v17 =	vld.idx.msk [tilespmem:v17+s2+$0x0], $0xffff;
	[tilespmem:s6+$0x0] =	vst v10  }
0x270: {  	s11 =	sor.u32 s23, s10;
	v10 =	vadd.s32 $0x3800, v7;
	v11 =	vld.idx.msk [tilespmem:v11+s2+$0x0], $0xffff;
	[tilespmem:s8+$0x0] =	vst v12  }
0x271: {  	s3 =	sadd.s32 $0x10980, s1;
	v14 =	vld.idx.msk [tilespmem:v14+s2+$0x0], $0xffff;
	[tilespmem:s11+$0x0] =	vst v13;
	v12 =	vadd.s32 $0x2600, v0  }
0x272: {  	s12 =	sor.u32 s31, s3;
	v13 =	vadd.s32 $0x1200, v3;
	v9 =	vld.idx.msk [tilespmem:v9+s2+$0x0], $0xffff  }
0x273: {  	s5 =	sor.u32 s22, s10;
	s6 =	sadd.s32 $0xC900, s21;
	v8 =	vld.idx.msk [tilespmem:v8+s2+$0x0], $0xffff;
	[tilespmem:s12+$0x0] =	vst v15;
	v15 =	vadd.s32 $0x2400, v1  }
0x274: {  	v18 =	vadd.s32 $0x1400, v4;
	s13 =	sor.u32 s20, s6;
	v19 =	vld.idx.msk [tilespmem:v6+s2+$0x0], $0xffff;
	[tilespmem:s5+$0x0] =	vst v17  }
0x275: {  	s15 =	sadd.s32 $0x8880, s24;
	s14 =	sor.u32 s19, s17;
	s11 =	simm.s32 $0x2300;
	v17 =	vadd.s32 $0x3600, v2;
	v10 =	vld.idx.msk [tilespmem:v10+s2+$0x0], $0xffff;
	[tilespmem:s13+$0x0] =	vst v11  }
0x276: {  	s16 =	sor.u32 s23, s15;
	s28 =	sand.u32 $0x3C00, s11;
	v11 =	vadd.s32 $0x3A00, v7;
	v12 =	vld.idx.msk [tilespmem:v12+s2+$0x0], $0xffff;
	[tilespmem:s14+$0x0] =	vst v14  }
0x277: {  	s4 =	sor.u32 s30, s4;
	s10 =	sadd.s32 $0x4800, s28;
	v14 =	vadd.s32 $0x200, v6;
	v13 =	vld.idx.msk [tilespmem:v13+s2+$0x0], $0xffff;
	[tilespmem:s16+$0x0] =	vst v9  }
0x278: {  	v20 =	vadd.s32 $0x200, v5;
	s5 =	sadd.s32 $0x10A00, s1;
	[tilespmem:s4+$0x0] =	vst v8;
	s4 =	sor.u32 s26, s10;
	v9 =	vld.idx.msk [tilespmem:v15+s2+$0x0], $0xffff  }
0x279: {  	s17 =	sor.u32 s31, s5;
	v15 =	vadd.s32 $0x2800, v0;
	v18 =	vld.idx.msk [tilespmem:v18+s2+$0x0], $0xffff;
	[tilespmem:s4+$0x0] =	vst v19  }
0x27a: {  	s8 =	sadd.s32 $0xC980, s21;
	v8 =	vld.idx.msk [tilespmem:v17+s2+$0x0], $0xffff;
	[tilespmem:s17+$0x0] =	vst v10;
	v10 =	vadd.s32 $0x1400, v3;
	s17 =	sor.u32 s25, s10  }
0x27b: {  	s7 =	sor.u32 s20, s8;
	v19 =	vadd.s32 $0x1600, v4;
	v11 =	vld.idx.msk [tilespmem:v11+s2+$0x0], $0xffff;
	[tilespmem:s17+$0x0] =	vst v16  }
0x27c: {  	s9 =	sor.u32 s22, s15;
	s13 =	sadd.s32 $0x8900, s24;
	v14 =	vld.idx.msk [tilespmem:v14+s2+$0x0], $0xffff;
	[tilespmem:s7+$0x0] =	vst v12;
	v12 =	vadd.s32 $0x3C00, v7  }
0x27d: {  	s14 =	sor.u32 s23, s13;
	v16 =	vadd.s32 $0x2600, v1;
	v17 =	vld.idx.msk [tilespmem:v20+s2+$0x0], $0xffff;
	[tilespmem:s9+$0x0] =	vst v13  }
0x27e: {  	s15 =	sadd.s32 $0x10A80, s1;
	s6 =	sor.u32 s19, s6;
	v20 =	vadd.s32 $0x400, v6;
	v15 =	vld.idx.msk [tilespmem:v15+s2+$0x0], $0xffff;
	[tilespmem:s14+$0x0] =	vst v18  }
0x27f: {  	s16 =	sor.u32 s31, s15;
	v18 =	vadd.s32 $0x400, v5;
	[tilespmem:s6+$0x0] =	vst v9;
	v10 =	vld.idx.msk [tilespmem:v10+s2+$0x0], $0xffff  }
0x280: {  	v13 =	vadd.s32 $0x2A00, v0;
	v19 =	vld.idx.msk [tilespmem:v19+s2+$0x0], $0xffff;
	[tilespmem:s16+$0x0] =	vst v11  }
0x281: {  	s6 =	sadd.s32 $0xCA00, s21;
	v11 =	vadd.s32 $0x1600, v3;
	v9 =	vld.idx.msk [tilespmem:v12+s2+$0x0], $0xffff;
	[tilespmem:s4+$0x80] =	vst v14  }
0x282: {  	s7 =	sor.u32 s20, s6;
	v12 =	vadd.s32 $0x1800, v4;
	v14 =	vld.idx.msk [tilespmem:v16+s2+$0x0], $0xffff;
	[tilespmem:s17+$0x80] =	vst v17  }
0x283: {  	s12 =	sor.u32 s22, s13;
	v7 =	vadd.s32 $0x3E00, v7;
	s16 =	sadd.s32 $0x8980, s24;
	v16 =	vld.idx.msk [tilespmem:v20+s2+$0x0], $0xffff;
	[tilespmem:s7+$0x0] =	vst v15  }
0x284: {  	s13 =	sor.u32 s23, s16;
	v15 =	vadd.s32 $0x2800, v1;
	v17 =	vld.idx.msk [tilespmem:v18+s2+$0x0], $0xffff;
	s7 =	sadd.s32 $0x10B00, s1;
	[tilespmem:s12+$0x0] =	vst v10  }
0x285: {  	v18 =	vadd.s32 $0x600, v6;
	v13 =	vld.idx.msk [tilespmem:v13+s2+$0x0], $0xffff;
	[tilespmem:s13+$0x0] =	vst v19;
	s14 =	sor.u32 s31, s7  }
0x286: {  	s8 =	sor.u32 s19, s8;
	v20 =	vadd.s32 $0x600, v5;
	v11 =	vld.idx.msk [tilespmem:v11+s2+$0x0], $0xffff;
	[tilespmem:s14+$0x0] =	vst v9  }
0x287: {  	v19 =	vadd.s32 $0x2C00, v0;
	v12 =	vld.idx.msk [tilespmem:v12+s2+$0x0], $0xffff;
	[tilespmem:s8+$0x0] =	vst v14  }
0x288: {  	v9 =	vadd.s32 $0x1800, v3;
	s8 =	sadd.s32 $0xCA80, s21;
	v21 =	vld.idx.msk [tilespmem:v7+s2+$0x0], $0xffff;
	[tilespmem:s4+$0x100] =	vst v16  }
0x289: {  	v22 =	vadd.s32 $0x1A00, v4;
	s10 =	sor.u32 s30, s15;
	s9 =	sor.u32 s20, s8;
	v10 =	vld.idx.msk [tilespmem:v15+s2+$0x0], $0xffff;
	[tilespmem:s17+$0x100] =	vst v17  }
0x28a: {  	s15 =	sor.u32 s22, s16;
	s16 =	sadd.s32 $0x10B80, s1;
	s13 =	sor.u32 s30, s3;
	v15 =	vld.idx.msk [tilespmem:v18+s2+$0x0], $0xffff;
	[tilespmem:s9+$0x0] =	vst v13  }
0x28b: {  	s12 =	sor.u32 s30, s5;
	s1 =	sor.u32 s30, s7;
	s9 =	sadd.s32 $0x8A00, s24;
	v16 =	vld.idx.msk [tilespmem:v20+s2+$0x0], $0xffff;
	[tilespmem:s15+$0x0] =	vst v11;
	v11 =	vadd.s32 $0x2A00, v1  }
0x28c: {  	s30 =	sor.u32 s30, s16;
	s16 =	sor.u32 s31, s16;
	v17 =	vadd.s32 $0x800, v6;
	v7 =	vld.idx.msk [tilespmem:v19+s2+$0x0], $0xffff;
	s15 =	sor.u32 s23, s9  }
0x28d: {  	s31 =	simm.s32 $0x46;
	s5 =	sor.u32 s19, s6;
	s14 =	simm.s32 $0x200;
	[tilespmem:s15+$0x0] =	vst v12;
	v14 =	vld.idx.msk [tilespmem:v9+s2+$0x0], $0xffff;
	v9 =	vadd.s32 $0x2E00, v0  }
0x28e: {  	s8 =	sor.u32 s19, s8;
	v18 =	vadd.s32 $0x800, v5;
	s6 =	sor.u32 s22, s9;
	s15 =	simm.s32 $0x4480;
	[tilespmem:s16+$0x0] =	vst v21;
	v12 =	vld.idx.msk [tilespmem:v22+s2+$0x0], $0xffff  }
.LBB2_4:
0x28f: {  	v13 =	vld [tilespmem:s15+$0x0];
	v19 =	vadd.s32 $0x1A00, v3;
	[tilespmem:s5+$0x0] =	vst v10;
	s3 =	sadd.s32 $0xCB00, s21;
	s16 =	smov.u32 s20;
	s20 =	smov.u32 s23  }
0x290: {  	v10 =	vadd.s32 $0x1C00, v4;
	s23 =	smov.u32 s26;
	[tilespmem:s4+$0x180] =	vst v15;
	v11 =	vld.idx.msk [tilespmem:v11+s2+$0x0], $0xffff;
	s9 =	sor.u32 s19, s3;
	s3 =	sor.u32 s16, s3  }
0x291: {  	v15 =	vld.idx.msk [tilespmem:v17+s2+$0x0], $0xffff;
	[tilespmem:s3+$0x0] =	vst v7;
	v7 =	vadd.s32 $0x3800, v2;
	s3 =	smov.u32 s21;
	s21 =	smov.u32 s24;
	s24 =	smov.u32 s28  }
0x292: {  	[tilespmem:s17+$0x180] =	vst v16;
	s5 =	sadd.s32 $0x8A80, s21;
	v16 =	vadd.s32 $0x2C00, v1;
	v9 =	vld.idx.msk [tilespmem:v9+s2+$0x0], $0xffff  }
0x293: {  	v17 =	vld.idx.msk [tilespmem:v18+s2+$0x0], $0xffff;
	v18 =	vadd.s32 $0xA00, v6;
	[tilespmem:s6+$0x0] =	vst v14;
	s6 =	sor.u32 s22, s5;
	s5 =	sor.u32 s20, s5  }
0x294: {  	v14 =	vld.idx.msk [tilespmem:v19+s2+$0x0], $0xffff;
	[tilespmem:s5+$0x0] =	vst v12;
	v12 =	vadd.s32 $0x3000, v0  }
0x295: {  	v19 =	vadd.s32 $0xA00, v5;
	v10 =	vld.idx.msk [tilespmem:v10+s2+$0x0], $0xffff;
	[tilespmem:s13+$0x0] =	vst v8  }
0x296: {  	s7 =	sadd.s32 $0xCB80, s3;
	v8 =	vadd.s32 $0x1C00, v3;
	[tilespmem:s8+$0x0] =	vst v11;
	v7 =	vld.idx.msk [tilespmem:v7+s2+$0x0], $0xffff  }
0x297: {  	s5 =	sor.u32 s19, s7;
	s7 =	sor.u32 s16, s7;
	v11 =	vadd.s32 $0x1E00, v4;
	[tilespmem:s4+$0x200] =	vst v15;
	v15 =	vld.idx.msk [tilespmem:v16+s2+$0x0], $0xffff  }
0x298: {  	v16 =	vld.idx.msk [tilespmem:v18+s2+$0x0], $0xffff;
	[tilespmem:s7+$0x0] =	vst v9;
	v9 =	vadd.s32 $0x3A00, v2  }
0x299: {  	s7 =	sadd.s32 $0x8B00, s21;
	[tilespmem:s17+$0x200] =	vst v17;
	v17 =	vadd.s32 $0x2E00, v1;
	v12 =	vld.idx.msk [tilespmem:v12+s2+$0x0], $0xffff  }
0x29a: {  	v18 =	vld.idx.msk [tilespmem:v19+s2+$0x0], $0xffff;
	v19 =	vadd.s32 $0xC00, v6;
	[tilespmem:s6+$0x0] =	vst v14;
	s6 =	sor.u32 s22, s7;
	s7 =	sor.u32 s20, s7  }
0x29b: {  	v8 =	vld.idx.msk [tilespmem:v8+s2+$0x0], $0xffff;
	[tilespmem:s7+$0x0] =	vst v10;
	v10 =	vadd.s32 $0x3200, v0  }
0x29c: {  	v14 =	vadd.s32 $0xC00, v5;
	v11 =	vld.idx.msk [tilespmem:v11+s2+$0x0], $0xffff;
	[tilespmem:s12+$0x0] =	vst v7  }
0x29d: {  	s7 =	sadd.s32 $0x10800, s3;
	v7 =	vadd.s32 $0x1E00, v3;
	[tilespmem:s9+$0x0] =	vst v15;
	v9 =	vld.idx.msk [tilespmem:v9+s2+$0x0], $0xffff  }
0x29e: {  	v15 =	vadd.s32 $0x2000, v4;
	[tilespmem:s4+$0x280] =	vst v16;
	v16 =	vld.idx.msk [tilespmem:v17+s2+$0x0], $0xffff;
	s4 =	sor.u32 s19, s7;
	s7 =	sor.u32 s16, s7  }
0x29f: {  	s29 =	sadd.s32 $0x1, s29;
	v17 =	vld.idx.msk [tilespmem:v19+s2+$0x0], $0xffff;
	[tilespmem:s7+$0x0] =	vst v12;
	v12 =	vadd.s32 $0x3C00, v2  }
0x2a0: {  	s8 =	sadd.s32 $0x8B80, s21;
	s7 =	sand.u32 $0x3, s29;
	[tilespmem:s17+$0x280] =	vst v18;
	v18 =	vadd.s32 $0x3000, v1;
	v10 =	vld.idx.msk [tilespmem:v10+s2+$0x0], $0xffff  }
0x2a1: {  	s14 =	sadd.s32 $0x100, s14;
	v19 =	vadd.s32 $0xE00, v6;
	s7 =	sshll.u32 s7, $0x5;
	v14 =	vld.idx.msk [tilespmem:v14+s2+$0x0], $0xffff;
	[tilespmem:s6+$0x0] =	vst v8;
	s6 =	sor.u32 s20, s8  }
0x2a2: {  	s7 =	sadd.s32 s7, s14;
	s8 =	sor.u32 s22, s8;
	v8 =	vadd.s32 $0x3400, v0;
	v7 =	vld.idx.msk [tilespmem:v7+s2+$0x0], $0xffff;
	[tilespmem:s6+$0x0] =	vst v11  }
0x2a3: {  	s6 =	sadd.s32 $0x2000, s7;
	v11 =	vadd.s32 $0xE00, v5;
	s7 =	sadd.s32 $0x2010, s7;
	v15 =	vld.idx.msk [tilespmem:v15+s2+$0x0], $0xffff;
	[tilespmem:s10+$0x0] =	vst v9  }
0x2a4: {  	s12 =	sadd.s32 $0x10880, s3;
	s9 =	sor.u32 $0x300, s6;
	s10 =	sor.u32 $0x300, s7;
	v9 =	vadd.s32 $0x2000, v3;
	[tilespmem:s5+$0x0] =	vst v16;
	v12 =	vld.idx.msk [tilespmem:v12+s2+$0x0], $0xffff  }
0x2a5: {  	s6 =	sor.u32 $0x380, s6;
	v16 =	vadd.s32 $0x2200, v4;
	s5 =	sor.u32 s19, s12;
	[tilespmem:s10+$0x4800] =	vst v17;
	v17 =	vld.idx.msk [tilespmem:v18+s2+$0x0], $0xffff;
	s10 =	sor.u32 s16, s12  }
0x2a6: {  	v18 =	vld.idx.msk [tilespmem:v19+s2+$0x0], $0xffff;
	[tilespmem:s10+$0x0] =	vst v10;
	v10 =	vadd.s32 $0x3E00, v2;
	v2 =	vmovc v1;
	v1 =	vmovc v3;
	v3 =	vmov v5;
	v5 =	vmov v13  }
0x2a7: {  	[tilespmem:s9+$0x4800] =	vst v14;
	s9 =	sadd.s32 $0xC800, s21;
	v13 =	vadd.s32 $0x3200, v2;
	v8 =	vld.idx.msk [tilespmem:v8+s2+$0x0], $0xffff  }
0x2a8: {  	v14 =	vadd.s32 $0x1000, v6;
	v11 =	vld.idx.msk [tilespmem:v11+s2+$0x0], $0xffff;
	[tilespmem:s8+$0x0] =	vst v7;
	s8 =	sor.u32 s22, s9;
	s9 =	sor.u32 s20, s9  }
0x2a9: {  	v7 =	vld.idx.msk [tilespmem:v9+s2+$0x0], $0xffff;
	[tilespmem:s9+$0x0] =	vst v15;
	v9 =	vadd.s32 $0x3600, v0  }
0x2aa: {  	v15 =	vld.idx.msk [tilespmem:v16+s2+$0x0], $0xffff;
	[tilespmem:s1+$0x0] =	vst v12  }
0x2ab: {  	s0 =	sadd.s32 $0x20, s0;
	v12 =	vadd.s32 $0x1000, v3;
	s1 =	sor.u32 $0x380, s7;
	[tilespmem:s4+$0x0] =	vst v17;
	s4 =	sadd.s32 $0x10900, s3;
	v10 =	vld.idx.msk [tilespmem:v10+s2+$0x0], $0xffff  }
0x2ac: {  	s31 =	sadd.s32 $0x2, s31;
	s9 =	sand.u32 $0x60, s0;
	v16 =	vadd.s32 $0x2400, v4;
	[tilespmem:s1+$0x4800] =	vst v18;
	v13 =	vld.idx.msk [tilespmem:v13+s2+$0x0], $0xffff;
	s1 =	sor.u32 s16, s4  }
0x2ad: {  	p0 =	slt.u32 s31, $0x7E;
	s26 =	sor.u32 $0x10, s9;
	s7 =	sand.u32 $0x780, s0;
	v17 =	vadd.s32 $0x2200, v1;
	v14 =	vld.idx.msk [tilespmem:v14+s2+$0x0], $0xffff;
	[tilespmem:s1+$0x0] =	vst v8  }
0x2ae: {  	s4 =	sor.u32 s19, s4;
	s1 =	sor.u32 s26, s7;
	v8 =	vadd.s32 $0x3400, v2;
	[tilespmem:s6+$0x4800] =	vst v11;
	s6 =	sadd.s32 $0xC880, s21;
	v9 =	vld.idx.msk [tilespmem:v9+s2+$0x0], $0xffff  }
0x2af: {  	v18 =	vadd.s32 $0x1200, v6;
	v11 =	vld [tilespmem:s1+$0x4000];
	[tilespmem:s8+$0x0] =	vst v7;
	s7 =	sor.u32 s22, s6;
	s1 =	sor.u32 s20, s6  }
0x2b0: {  	v7 =	vld.idx.msk [tilespmem:v12+s2+$0x0], $0xffff;
	[tilespmem:s1+$0x0] =	vst v15;
	v12 =	vadd.s32 $0x3800, v0  }
0x2b1: {  	s1 =	sadd.s32 $0x8800, s24;
	v15 =	vld.idx.msk [tilespmem:v16+s2+$0x0], $0xffff;
	[tilespmem:s30+$0x0] =	vst v10  }
0x2b2: {  	s6 =	sor.u32 s25, s1;
	s1 =	sor.u32 s23, s1;
	v10 =	vld.idx.msk [tilespmem:v17+s2+$0x0], $0xffff;
	[tilespmem:s5+$0x0] =	vst v13;
	s5 =	sadd.s32 $0x10980, s3  }
0x2b3: {  	v13 =	vadd.s32 $0x2600, v4;
	[tilespmem:s1+$0x0] =	vst v14;
	v8 =	vld.idx.msk [tilespmem:v8+s2+$0x0], $0xffff;
	s13 =	sor.u32 s19, s5;
	s1 =	sor.u32 s16, s5  }
0x2b4: {  	v14 =	vadd.s32 $0x1200, v3;
	v16 =	vld.idx.msk [tilespmem:v18+s2+$0x0], $0xffff;
	[tilespmem:s1+$0x0] =	vst v9  }
0x2b5: {  	s5 =	sadd.s32 $0xC900, s21;
	v9 =	vadd.s32 $0x2400, v1;
	v12 =	vld.idx.msk [tilespmem:v12+s2+$0x0], $0xffff  }
0x2b6: {  	s1 =	sor.u32 s22, s5;
	s5 =	sor.u32 s20, s5;
	v17 =	vld.idx.msk [tilespmem:v5+s2+$0x0], $0xffff;
	[tilespmem:s6+$0x0] =	vst v7;
	v7 =	vadd.s32 $0x1400, v6  }
0x2b7: {  	v18 =	vld.idx.msk [tilespmem:v11+s2+$0x0], $0xffff;
	[tilespmem:s5+$0x0] =	vst v15;
	v15 =	vadd.s32 $0x3A00, v0  }
0x2b8: {  	s5 =	sadd.s32 $0x8880, s24;
	[tilespmem:s7+$0x0] =	vst v10;
	v10 =	vld.idx.msk [tilespmem:v13+s2+$0x0], $0xffff;
	v13 =	vadd.s32 $0x3600, v2  }
0x2b9: {  	s11 =	sadd.s32 $0x100, s11;
	v19 =	vadd.s32 $0x200, v11;
	s6 =	sor.u32 s23, s5;
	v14 =	vld.idx.msk [tilespmem:v14+s2+$0x0], $0xffff;
	[tilespmem:s4+$0x0] =	vst v8;
	s4 =	sadd.s32 $0x10A00, s3  }
0x2ba: {  	s28 =	sand.u32 $0x3C00, s11;
	s5 =	sor.u32 s25, s5;
	[tilespmem:s6+$0x0] =	vst v16;
	v9 =	vld.idx.msk [tilespmem:v9+s2+$0x0], $0xffff;
	v16 =	vadd.s32 $0x2800, v4;
	s6 =	sor.u32 s16, s4  }
0x2bb: {  	v20 =	vadd.s32 $0x200, v5;
	s7 =	sadd.s32 $0x4800, s28;
	s12 =	sor.u32 s19, s4;
	v7 =	vld.idx.msk [tilespmem:v7+s2+$0x0], $0xffff;
	[tilespmem:s6+$0x0] =	vst v12  }
0x2bc: {  	s17 =	sor.u32 s9, s7;
	s4 =	sor.u32 s26, s7;
	s7 =	sadd.s32 $0xC980, s21;
	v12 =	vadd.s32 $0x1400, v3;
	v15 =	vld.idx.msk [tilespmem:v15+s2+$0x0], $0xffff  }
0x2bd: {  	s6 =	sor.u32 s22, s7;
	s7 =	sor.u32 s20, s7;
	[tilespmem:s4+$0x0] =	vst v18;
	v18 =	vadd.s32 $0x1600, v6;
	v8 =	vld.idx.msk [tilespmem:v13+s2+$0x0], $0xffff  }
0x2be: {  	v13 =	vld.idx.msk [tilespmem:v19+s2+$0x0], $0xffff;
	[tilespmem:s7+$0x0] =	vst v10;
	v10 =	vadd.s32 $0x3C00, v0  }
0x2bf: {  	s7 =	sadd.s32 $0x8900, s24;
	[tilespmem:s17+$0x0] =	vst v17;
	v17 =	vadd.s32 $0x2600, v1;
	v16 =	vld.idx.msk [tilespmem:v16+s2+$0x0], $0xffff  }
0x2c0: {  	s8 =	sor.u32 s25, s7;
	v19 =	vld.idx.msk [tilespmem:v20+s2+$0x0], $0xffff;
	v20 =	vadd.s32 $0x400, v11;
	[tilespmem:s5+$0x0] =	vst v14;
	s5 =	sor.u32 s23, s7;
	s7 =	sadd.s32 $0x10A80, s3  }
0x2c1: {  	v12 =	vld.idx.msk [tilespmem:v12+s2+$0x0], $0xffff;
	[tilespmem:s5+$0x0] =	vst v7;
	v7 =	vadd.s32 $0x2A00, v4;
	s10 =	sor.u32 s19, s7;
	s5 =	sor.u32 s16, s7  }
0x2c2: {  	v14 =	vadd.s32 $0x400, v5;
	v18 =	vld.idx.msk [tilespmem:v18+s2+$0x0], $0xffff;
	[tilespmem:s5+$0x0] =	vst v15  }
0x2c3: {  	v15 =	vadd.s32 $0x1600, v3;
	[tilespmem:s1+$0x0] =	vst v9;
	s1 =	sadd.s32 $0xCA00, s21;
	v9 =	vld.idx.msk [tilespmem:v10+s2+$0x0], $0xffff  }
0x2c4: {  	v10 =	vadd.s32 $0x1800, v6;
	[tilespmem:s4+$0x80] =	vst v13;
	v13 =	vld.idx.msk [tilespmem:v17+s2+$0x0], $0xffff;
	s5 =	sor.u32 s22, s1;
	s1 =	sor.u32 s20, s1  }
0x2c5: {  	v17 =	vld.idx.msk [tilespmem:v20+s2+$0x0], $0xffff;
	[tilespmem:s1+$0x0] =	vst v16;
	v16 =	vadd.s32 $0x3E00, v0;
	v0 =	vmovc v4;
	v4 =	vmov v6;
	v6 =	vmov v11  }
0x2c6: {  	s1 =	sadd.s32 $0x8980, s24;
	v11 =	vadd.s32 $0x2800, v1;
	[tilespmem:s17+$0x80] =	vst v19;
	v7 =	vld.idx.msk [tilespmem:v7+s2+$0x0], $0xffff  }
0x2c7: {  	v19 =	vadd.s32 $0x600, v6;
	s7 =	sor.u32 s25, s1;
	s1 =	sor.u32 s23, s1;
	v14 =	vld.idx.msk [tilespmem:v14+s2+$0x0], $0xffff;
	[tilespmem:s8+$0x0] =	vst v12;
	s8 =	sadd.s32 $0x10B00, s3  }
0x2c8: {  	v12 =	vld.idx.msk [tilespmem:v15+s2+$0x0], $0xffff;
	[tilespmem:s1+$0x0] =	vst v18;
	v18 =	vadd.s32 $0x2C00, v0;
	s1 =	sor.u32 s19, s8;
	s8 =	sor.u32 s16, s8  }
0x2c9: {  	v20 =	vadd.s32 $0x600, v5;
	v21 =	vld.idx.msk [tilespmem:v10+s2+$0x0], $0xffff;
	[tilespmem:s8+$0x0] =	vst v9  }
0x2ca: {  	v9 =	vadd.s32 $0x1800, v3;
	[tilespmem:s6+$0x0] =	vst v13;
	s6 =	sadd.s32 $0xCA80, s21;
	v13 =	vld.idx.msk [tilespmem:v16+s2+$0x0], $0xffff  }
0x2cb: {  	v22 =	vadd.s32 $0x1A00, v4;
	[tilespmem:s4+$0x100] =	vst v17;
	v10 =	vld.idx.msk [tilespmem:v11+s2+$0x0], $0xffff;
	s8 =	sor.u32 s22, s6;
	s6 =	sor.u32 s20, s6  }
.Ltmp1:
0x2cc: {  	v15 =	vld.idx.msk [tilespmem:v19+s2+$0x0], $0xffff;
	[tilespmem:s6+$0x0] =	vst v7;
	(pc) =	sbr.rel @p0 .LBB2_4-.Ltmp1, $4  }
0x2cd: {  	s30 =	sadd.s32 $0x8A00, s24;
	v11 =	vadd.s32 $0x2A00, v1;
	[tilespmem:s17+$0x100] =	vst v14;
	v7 =	vld.idx.msk [tilespmem:v18+s2+$0x0], $0xffff  }
0x2ce: {  	s3 =	sadd.s32 $0x10B80, s3;
	v17 =	vadd.s32 $0x800, v6;
	s6 =	sor.u32 s25, s30;
	v16 =	vld.idx.msk [tilespmem:v20+s2+$0x0], $0xffff;
	[tilespmem:s7+$0x0] =	vst v12;
	s7 =	sor.u32 s23, s30  }
0x2cf: {  	s30 =	sor.u32 s19, s3;
	s3 =	sor.u32 s16, s3;
	s19 =	smov.u32 s22;
	v14 =	vld.idx.msk [tilespmem:v9+s2+$0x0], $0xffff;
	[tilespmem:s7+$0x0] =	vst v21;
	v9 =	vadd.s32 $0x2E00, v0  }
0x2d0: {  	s15 =	sadd.s32 $0x20, s15;
	v18 =	vadd.s32 $0x800, v5;
	s22 =	smov.u32 s25;
	s25 =	smov.u32 s9;
	v12 =	vld.idx.msk [tilespmem:v22+s2+$0x0], $0xffff;
	[tilespmem:s3+$0x0] =	vst v13  }
0x2d1: {  	_ =	sdelay $0x2  }
0x2d2: {  	[tilespmem:s4+$0x180] =	vst v15  }
0x2d3: {  	v13 =	vld.idx.msk [tilespmem:v17+s2+$0x0], $0xffff;
	[tilespmem:s17+$0x180] =	vst v16  }
0x2d4: {  	v25 =	vadd.s32 $0xA00, v6;
	v24 =	vld.idx.msk [tilespmem:v18+s2+$0x0], $0xffff  }
0x2d5: {  	v26 =	vadd.s32 $0xA00, v5;
	_ =	sdelay $0x2  }
0x2d6: {  	[tilespmem:s4+$0x200] =	vst v13  }
0x2d7: {  	v13 =	vld.idx.msk [tilespmem:v25+s2+$0x0], $0xffff;
	[tilespmem:s17+$0x200] =	vst v24  }
0x2d8: {  	v27 =	vadd.s32 $0xC00, v6;
	v15 =	vld.idx.msk [tilespmem:v26+s2+$0x0], $0xffff  }
0x2d9: {  	v28 =	vadd.s32 $0xC00, v5;
	_ =	sdelay $0x2  }
0x2da: {  	s0 =	sadd.s32 $0x1, s29;
	[tilespmem:s4+$0x280] =	vst v13  }
0x2db: {  	s0 =	sand.u32 $0x3, s0;
	v13 =	vld.idx.msk [tilespmem:v27+s2+$0x0], $0xffff;
	[tilespmem:s17+$0x280] =	vst v15  }
0x2dc: {  	v29 =	vadd.s32 $0xE00, v6;
	s3 =	sadd.s32 $0x100, s14;
	s0 =	sshll.u32 s0, $0x5;
	v15 =	vld.idx.msk [tilespmem:v28+s2+$0x0], $0xffff  }
0x2dd: {  	v30 =	vadd.s32 $0xE00, v5;
	s0 =	sadd.s32 s0, s3  }
0x2de: {  	s3 =	sadd.s32 $0x2010, s0  }
0x2df: {  	s0 =	sadd.s32 $0x2000, s0;
	s29 =	sor.u32 $0x300, s3  }
0x2e0: {  	s31 =	sor.u32 $0x300, s0;
	[tilespmem:s29+$0x4800] =	vst v13  }
0x2e1: {  	v13 =	vld.idx.msk [tilespmem:v29+s2+$0x0], $0xffff;
	[tilespmem:s31+$0x4800] =	vst v15  }
0x2e2: {  	v31 =	vadd.s32 $0x1000, v6;
	v15 =	vld.idx.msk [tilespmem:v30+s2+$0x0], $0xffff  }
0x2e3: {  	v32 =	vadd.s32 $0x1000, v5;
	_ =	sdelay $0x1  }
0x2e4: {  	s3 =	sor.u32 $0x380, s3  }
0x2e5: {  	s0 =	sor.u32 $0x380, s0;
	[tilespmem:s3+$0x4800] =	vst v13  }
0x2e6: {  	v13 =	vld.idx.msk [tilespmem:v31+s2+$0x0], $0xffff;
	[tilespmem:s0+$0x4800] =	vst v15  }
0x2e7: {  	v33 =	vadd.s32 $0x1200, v6;
	v34 =	vld.idx.msk [tilespmem:v32+s2+$0x0], $0xffff  }
0x2e8: {  	v35 =	vadd.s32 $0x1200, v5  }
0x2e9: {  	s4 =	sadd.s32 $0x8800, s28  }
0x2ea: {  	s7 =	sor.u32 s26, s4  }
0x2eb: {  	s0 =	sor.u32 s25, s4;
	[tilespmem:s7+$0x0] =	vst v13  }
0x2ec: {  	v13 =	vld.idx.msk [tilespmem:v33+s2+$0x0], $0xffff;
	[tilespmem:s0+$0x0] =	vst v34  }
0x2ed: {  	v36 =	vadd.s32 $0x1400, v6;
	v16 =	vld.idx.msk [tilespmem:v35+s2+$0x0], $0xffff  }
0x2ee: {  	v37 =	vadd.s32 $0x1400, v5  }
0x2ef: {  	s9 =	sadd.s32 $0x8880, s28  }
0x2f0: {  	s11 =	sor.u32 s26, s9  }
0x2f1: {  	s0 =	sor.u32 s25, s9;
	[tilespmem:s11+$0x0] =	vst v13  }
0x2f2: {  	v13 =	vld.idx.msk [tilespmem:v36+s2+$0x0], $0xffff;
	[tilespmem:s0+$0x0] =	vst v16  }
0x2f3: {  	v38 =	vadd.s32 $0x1600, v6;
	v16 =	vld.idx.msk [tilespmem:v37+s2+$0x0], $0xffff  }
0x2f4: {  	v39 =	vadd.s32 $0x1600, v5  }
0x2f5: {  	s14 =	sadd.s32 $0x8900, s28  }
0x2f6: {  	s15 =	sor.u32 s26, s14  }
0x2f7: {  	s0 =	sor.u32 s25, s14;
	[tilespmem:s15+$0x0] =	vst v13  }
0x2f8: {  	v13 =	vld.idx.msk [tilespmem:v38+s2+$0x0], $0xffff;
	[tilespmem:s0+$0x0] =	vst v16  }
0x2f9: {  	v40 =	vadd.s32 $0x1800, v6;
	v16 =	vld.idx.msk [tilespmem:v39+s2+$0x0], $0xffff  }
0x2fa: {  	v41 =	vadd.s32 $0x1800, v5  }
0x2fb: {  	s16 =	sadd.s32 $0x8980, s28  }
0x2fc: {  	s17 =	sor.u32 s26, s16  }
0x2fd: {  	s0 =	sor.u32 s25, s16;
	[tilespmem:s17+$0x0] =	vst v13  }
0x2fe: {  	v42 =	vadd.s32 $0x1A00, v3;
	v15 =	vld.idx.msk [tilespmem:v40+s2+$0x0], $0xffff;
	[tilespmem:s0+$0x0] =	vst v16  }
0x2ff: {  	v43 =	vadd.s32 $0x1A00, v6;
	v17 =	vld.idx.msk [tilespmem:v41+s2+$0x0], $0xffff  }
0x300: {  	v44 =	vadd.s32 $0x1A00, v5  }
0x301: {  	s29 =	sadd.s32 $0x8A00, s28  }
0x302: {  	[tilespmem:s6+$0x0] =	vst v14;
	s31 =	sor.u32 s26, s29  }
0x303: {  	v45 =	vadd.s32 $0x1C00, v4;
	v13 =	vld.idx.msk [tilespmem:v42+s2+$0x0], $0xffff;
	s0 =	sor.u32 s25, s29;
	[tilespmem:s31+$0x0] =	vst v15  }
0x304: {  	v46 =	vadd.s32 $0x1C00, v3;
	v16 =	vld.idx.msk [tilespmem:v43+s2+$0x0], $0xffff;
	[tilespmem:s0+$0x0] =	vst v17  }
0x305: {  	v47 =	vadd.s32 $0x1C00, v6;
	s3 =	sadd.s32 $0x8A80, s24;
	v18 =	vld.idx.msk [tilespmem:v44+s2+$0x0], $0xffff  }
0x306: {  	v19 =	vadd.s32 $0x1C00, v5;
	s4 =	sor.u32 s23, s3  }
0x307: {  	s6 =	sadd.s32 $0x8A80, s28;
	[tilespmem:s4+$0x0] =	vst v12;
	s0 =	sor.u32 s22, s3  }
0x308: {  	v12 =	vld.idx.msk [tilespmem:v45+s2+$0x0], $0xffff;
	s7 =	sor.u32 s26, s6;
	[tilespmem:s0+$0x0] =	vst v13  }
0x309: {  	v48 =	vadd.s32 $0x1E00, v4;
	s3 =	sor.u32 s25, s6;
	v49 =	vld.idx.msk [tilespmem:v46+s2+$0x0], $0xffff;
	[tilespmem:s7+$0x0] =	vst v16  }
0x30a: {  	v50 =	vadd.s32 $0x1E00, v3;
	v16 =	vld.idx.msk [tilespmem:v47+s2+$0x0], $0xffff;
	[tilespmem:s3+$0x0] =	vst v18  }
0x30b: {  	v51 =	vadd.s32 $0x1E00, v6;
	s9 =	sadd.s32 $0x8B00, s24;
	v18 =	vld.idx.msk [tilespmem:v19+s2+$0x0], $0xffff  }
0x30c: {  	v52 =	vadd.s32 $0x1E00, v5;
	s11 =	sor.u32 s23, s9  }
0x30d: {  	[tilespmem:s11+$0x0] =	vst v12;
	s14 =	sadd.s32 $0x8B00, s28;
	s0 =	sor.u32 s22, s9  }
0x30e: {  	v12 =	vld.idx.msk [tilespmem:v48+s2+$0x0], $0xffff;
	s15 =	sor.u32 s26, s14;
	[tilespmem:s0+$0x0] =	vst v49  }
0x30f: {  	v53 =	vadd.s32 $0x2000, v4;
	s3 =	sor.u32 s25, s14;
	v14 =	vld.idx.msk [tilespmem:v50+s2+$0x0], $0xffff;
	[tilespmem:s15+$0x0] =	vst v16  }
0x310: {  	v54 =	vadd.s32 $0x2000, v3;
	v16 =	vld.idx.msk [tilespmem:v51+s2+$0x0], $0xffff;
	[tilespmem:s3+$0x0] =	vst v18  }
0x311: {  	v55 =	vadd.s32 $0x2000, v6;
	s16 =	sadd.s32 $0x8B80, s24;
	v18 =	vld.idx.msk [tilespmem:v52+s2+$0x0], $0xffff  }
0x312: {  	v56 =	vadd.s32 $0x2000, v5;
	s17 =	sor.u32 s23, s16  }
0x313: {  	[tilespmem:s17+$0x0] =	vst v12;
	s29 =	sadd.s32 $0x8B80, s28;
	s0 =	sor.u32 s22, s16  }
0x314: {  	v12 =	vld.idx.msk [tilespmem:v53+s2+$0x0], $0xffff;
	s31 =	sor.u32 s26, s29;
	[tilespmem:s0+$0x0] =	vst v14  }
0x315: {  	v57 =	vadd.s32 $0x2200, v4;
	s3 =	sor.u32 s25, s29;
	v14 =	vld.idx.msk [tilespmem:v54+s2+$0x0], $0xffff;
	[tilespmem:s31+$0x0] =	vst v16  }
0x316: {  	v58 =	vadd.s32 $0x2200, v3;
	v16 =	vld.idx.msk [tilespmem:v55+s2+$0x0], $0xffff;
	[tilespmem:s3+$0x0] =	vst v18  }
0x317: {  	v59 =	vadd.s32 $0x2200, v6;
	s3 =	sadd.s32 $0xC800, s24;
	v18 =	vld.idx.msk [tilespmem:v56+s2+$0x0], $0xffff  }
0x318: {  	v60 =	vadd.s32 $0x2200, v5;
	s4 =	sor.u32 s23, s3  }
0x319: {  	s6 =	sadd.s32 $0xC800, s28;
	s0 =	sor.u32 s22, s3;
	[tilespmem:s4+$0x0] =	vst v12  }
0x31a: {  	s7 =	sor.u32 s26, s6;
	[tilespmem:s0+$0x0] =	vst v14;
	v12 =	vld.idx.msk [tilespmem:v57+s2+$0x0], $0xffff  }
0x31b: {  	v61 =	vadd.s32 $0x2400, v4;
	s3 =	sor.u32 s25, s6;
	v14 =	vld.idx.msk [tilespmem:v58+s2+$0x0], $0xffff;
	[tilespmem:s7+$0x0] =	vst v16  }
0x31c: {  	v62 =	vadd.s32 $0x2400, v3;
	v16 =	vld.idx.msk [tilespmem:v59+s2+$0x0], $0xffff;
	[tilespmem:s3+$0x0] =	vst v18  }
0x31d: {  	v63 =	vadd.s32 $0x2400, v6;
	s9 =	sadd.s32 $0xC880, s24;
	v18 =	vld.idx.msk [tilespmem:v60+s2+$0x0], $0xffff  }
0x31e: {  	v21 =	vadd.s32 $0x2400, v5;
	s11 =	sor.u32 s23, s9  }
0x31f: {  	s14 =	sadd.s32 $0xC880, s28;
	s0 =	sor.u32 s22, s9;
	[tilespmem:s11+$0x0] =	vst v12  }
0x320: {  	s15 =	sor.u32 s26, s14;
	[tilespmem:s0+$0x0] =	vst v14;
	v12 =	vld.idx.msk [tilespmem:v61+s2+$0x0], $0xffff  }
0x321: {  	v22 =	vadd.s32 $0x2600, v4;
	s16 =	sor.u32 s25, s14;
	v14 =	vld.idx.msk [tilespmem:v62+s2+$0x0], $0xffff;
	[tilespmem:s15+$0x0] =	vst v16  }
0x322: {  	v23 =	vadd.s32 $0x2600, v3;
	v16 =	vld.idx.msk [tilespmem:v63+s2+$0x0], $0xffff;
	[tilespmem:s16+$0x0] =	vst v18  }
0x323: {  	v24 =	vadd.s32 $0x2600, v6;
	s17 =	sadd.s32 $0xC900, s24;
	v18 =	vld.idx.msk [tilespmem:v21+s2+$0x0], $0xffff  }
0x324: {  	[tilespmem:s5+$0x0] =	vst v10;
	v25 =	vadd.s32 $0x2600, v5;
	s29 =	sor.u32 s23, s17  }
0x325: {  	s31 =	sadd.s32 $0xC900, s28;
	s0 =	sor.u32 s22, s17;
	[tilespmem:s29+$0x0] =	vst v12  }
0x326: {  	v30 =	vadd.s32 $0x3800, v2;
	s5 =	sor.u32 s26, s31;
	[tilespmem:s0+$0x0] =	vst v14;
	v12 =	vld.idx.msk [tilespmem:v22+s2+$0x0], $0xffff  }
0x327: {  	v26 =	vadd.s32 $0x2800, v4;
	s6 =	sor.u32 s25, s31;
	v14 =	vld.idx.msk [tilespmem:v23+s2+$0x0], $0xffff;
	[tilespmem:s5+$0x0] =	vst v16  }
0x328: {  	v27 =	vadd.s32 $0x2800, v3;
	s4 =	sadd.s32 $0xCB00, s21;
	v16 =	vld.idx.msk [tilespmem:v24+s2+$0x0], $0xffff;
	[tilespmem:s6+$0x0] =	vst v18  }
0x329: {  	[tilespmem:s13+$0x0] =	vst v8;
	v28 =	vadd.s32 $0x2800, v6;
	s9 =	sadd.s32 $0xC980, s24;
	s7 =	sor.u32 s20, s4;
	v10 =	vld.idx.msk [tilespmem:v25+s2+$0x0], $0xffff  }
0x32a: {  	v11 =	vld.idx.msk [tilespmem:v11+s2+$0x0], $0xffff;
	v29 =	vadd.s32 $0x2800, v5;
	[tilespmem:s7+$0x0] =	vst v7;
	s11 =	sor.u32 s23, s9  }
0x32b: {  	s13 =	sadd.s32 $0xC980, s28;
	v35 =	vld.idx.msk [tilespmem:v30+s2+$0x0], $0xffff;
	s0 =	sor.u32 s22, s9;
	[tilespmem:s11+$0x0] =	vst v12  }
0x32c: {  	v31 =	vadd.s32 $0x2C00, v1;
	s14 =	sor.u32 s26, s13;
	[tilespmem:s0+$0x0] =	vst v14;
	v13 =	vld.idx.msk [tilespmem:v26+s2+$0x0], $0xffff  }
0x32d: {  	v32 =	vadd.s32 $0x2A00, v4;
	s3 =	sor.u32 s25, s13;
	v15 =	vld.idx.msk [tilespmem:v27+s2+$0x0], $0xffff;
	[tilespmem:s14+$0x0] =	vst v16  }
0x32e: {  	v33 =	vadd.s32 $0x2A00, v3;
	v7 =	vld.idx.msk [tilespmem:v28+s2+$0x0], $0xffff;
	[tilespmem:s3+$0x0] =	vst v10  }
0x32f: {  	[tilespmem:s8+$0x0] =	vst v11;
	v34 =	vadd.s32 $0x2A00, v6;
	s16 =	sadd.s32 $0xCA00, s24;
	v8 =	vld.idx.msk [tilespmem:v29+s2+$0x0], $0xffff  }
0x330: {  	v36 =	vadd.s32 $0x2A00, v5;
	[tilespmem:s12+$0x0] =	vst v35;
	v9 =	vld.idx.msk [tilespmem:v9+s2+$0x0], $0xffff;
	s17 =	sor.u32 s23, s16  }
0x331: {  	v37 =	vadd.s32 $0x3000, v0;
	s29 =	sadd.s32 $0xCA00, s28;
	s5 =	sor.u32 s22, s16;
	v12 =	vld.idx.msk [tilespmem:v31+s2+$0x0], $0xffff;
	[tilespmem:s17+$0x0] =	vst v13  }
0x332: {  	v38 =	vadd.s32 $0x3A00, v2;
	s31 =	sor.u32 s26, s29;
	[tilespmem:s5+$0x0] =	vst v15;
	v14 =	vld.idx.msk [tilespmem:v32+s2+$0x0], $0xffff  }
0x333: {  	v39 =	vadd.s32 $0x2C00, v4;
	s0 =	sadd.s32 $0xCB80, s21;
	s3 =	sor.u32 s25, s29;
	v15 =	vld.idx.msk [tilespmem:v33+s2+$0x0], $0xffff;
	[tilespmem:s31+$0x0] =	vst v7  }
0x334: {  	v40 =	vadd.s32 $0x2C00, v3;
	s15 =	sor.u32 s20, s0;
	v10 =	vld.idx.msk [tilespmem:v34+s2+$0x0], $0xffff;
	[tilespmem:s3+$0x0] =	vst v8  }
0x335: {  	v41 =	vadd.s32 $0x2C00, v6;
	s4 =	sor.u32 s19, s4;
	[tilespmem:s15+$0x0] =	vst v9;
	s5 =	sadd.s32 $0xCA80, s24;
	v9 =	vld.idx.msk [tilespmem:v36+s2+$0x0], $0xffff  }
0x336: {  	v43 =	vadd.s32 $0x2C00, v5;
	v42 =	vld.idx.msk [tilespmem:v37+s2+$0x0], $0xffff;
	[tilespmem:s4+$0x0] =	vst v12;
	s6 =	sor.u32 s23, s5  }
0x337: {  	v44 =	vadd.s32 $0x2E00, v1;
	s7 =	sadd.s32 $0xCA80, s28;
	v13 =	vld.idx.msk [tilespmem:v38+s2+$0x0], $0xffff;
	s4 =	sor.u32 s22, s5;
	[tilespmem:s6+$0x0] =	vst v14  }
0x338: {  	v45 =	vadd.s32 $0x3200, v0;
	s8 =	sor.u32 s26, s7;
	[tilespmem:s4+$0x0] =	vst v15;
	v7 =	vld.idx.msk [tilespmem:v39+s2+$0x0], $0xffff  }
0x339: {  	v46 =	vadd.s32 $0x2E00, v4;
	s9 =	sadd.s32 $0x10800, s21;
	s3 =	sor.u32 s25, s7;
	v8 =	vld.idx.msk [tilespmem:v40+s2+$0x0], $0xffff;
	[tilespmem:s8+$0x0] =	vst v10  }
0x33a: {  	v47 =	vadd.s32 $0x2E00, v3;
	s11 =	sor.u32 s20, s9;
	v11 =	vld.idx.msk [tilespmem:v41+s2+$0x0], $0xffff;
	[tilespmem:s3+$0x0] =	vst v9  }
0x33b: {  	s12 =	sadd.s32 $0xCB00, s24;
	v48 =	vadd.s32 $0x2E00, v6;
	[tilespmem:s11+$0x0] =	vst v42;
	v12 =	vld.idx.msk [tilespmem:v43+s2+$0x0], $0xffff  }
0x33c: {  	v50 =	vadd.s32 $0x2E00, v5;
	s13 =	sor.u32 s23, s12;
	v49 =	vld.idx.msk [tilespmem:v44+s2+$0x0], $0xffff;
	[tilespmem:s10+$0x0] =	vst v13  }
0x33d: {  	v51 =	vadd.s32 $0x3C00, v2;
	s14 =	sadd.s32 $0xCB00, s28;
	v14 =	vld.idx.msk [tilespmem:v45+s2+$0x0], $0xffff;
	s3 =	sor.u32 s22, s12;
	[tilespmem:s13+$0x0] =	vst v7  }
0x33e: {  	v52 =	vadd.s32 $0x3000, v1;
	s15 =	sor.u32 s26, s14;
	[tilespmem:s3+$0x0] =	vst v8;
	v10 =	vld.idx.msk [tilespmem:v46+s2+$0x0], $0xffff  }
0x33f: {  	v53 =	vadd.s32 $0x3000, v4;
	s5 =	sor.u32 s25, s14;
	v9 =	vld.idx.msk [tilespmem:v47+s2+$0x0], $0xffff;
	[tilespmem:s15+$0x0] =	vst v11  }
0x340: {  	v54 =	vadd.s32 $0x3000, v3;
	s16 =	sadd.s32 $0x10880, s21;
	s0 =	sor.u32 s19, s0;
	v15 =	vld.idx.msk [tilespmem:v48+s2+$0x0], $0xffff;
	[tilespmem:s5+$0x0] =	vst v12  }
0x341: {  	v55 =	vadd.s32 $0x3000, v6;
	s29 =	sadd.s32 $0xCB80, s24;
	s17 =	sor.u32 s20, s16;
	[tilespmem:s0+$0x0] =	vst v49;
	v13 =	vld.idx.msk [tilespmem:v50+s2+$0x0], $0xffff  }
0x342: {  	v57 =	vadd.s32 $0x3000, v5;
	s31 =	sor.u32 s23, s29;
	v56 =	vld.idx.msk [tilespmem:v51+s2+$0x0], $0xffff;
	[tilespmem:s17+$0x0] =	vst v14  }
0x343: {  	v58 =	vadd.s32 $0x3400, v0;
	s6 =	sadd.s32 $0xCB80, s28;
	v7 =	vld.idx.msk [tilespmem:v52+s2+$0x0], $0xffff;
	s5 =	sor.u32 s22, s29;
	[tilespmem:s31+$0x0] =	vst v10  }
0x344: {  	v59 =	vadd.s32 $0x3200, v1;
	s7 =	sor.u32 s26, s6;
	[tilespmem:s5+$0x0] =	vst v9;
	v8 =	vld.idx.msk [tilespmem:v53+s2+$0x0], $0xffff  }
0x345: {  	v60 =	vadd.s32 $0x3200, v4;
	s0 =	sor.u32 s25, s6;
	v11 =	vld.idx.msk [tilespmem:v54+s2+$0x0], $0xffff;
	[tilespmem:s7+$0x0] =	vst v15  }
0x346: {  	v61 =	vadd.s32 $0x3200, v3;
	v12 =	vld.idx.msk [tilespmem:v55+s2+$0x0], $0xffff;
	[tilespmem:s0+$0x0] =	vst v13  }
0x347: {  	v62 =	vadd.s32 $0x3200, v6;
	s8 =	sor.u32 s19, s9;
	s9 =	sadd.s32 $0x10800, s24;
	[tilespmem:s1+$0x0] =	vst v56;
	v14 =	vld.idx.msk [tilespmem:v57+s2+$0x0], $0xffff  }
0x348: {  	v18 =	vadd.s32 $0x3200, v5;
	s10 =	sor.u32 s23, s9;
	v63 =	vld.idx.msk [tilespmem:v58+s2+$0x0], $0xffff;
	[tilespmem:s8+$0x0] =	vst v7  }
0x349: {  	v19 =	vadd.s32 $0x3E00, v2;
	s11 =	sadd.s32 $0x10800, s28;
	s1 =	sor.u32 s22, s9;
	v10 =	vld.idx.msk [tilespmem:v59+s2+$0x0], $0xffff;
	[tilespmem:s10+$0x0] =	vst v8  }
0x34a: {  	v20 =	vadd.s32 $0x3400, v1;
	s12 =	sor.u32 s26, s11;
	[tilespmem:s1+$0x0] =	vst v11;
	v9 =	vld.idx.msk [tilespmem:v60+s2+$0x0], $0xffff  }
0x34b: {  	v21 =	vadd.s32 $0x3400, v4;
	s13 =	sadd.s32 $0x10900, s21;
	s0 =	sor.u32 s25, s11;
	v22 =	vld.idx.msk [tilespmem:v61+s2+$0x0], $0xffff;
	[tilespmem:s12+$0x0] =	vst v12  }
0x34c: {  	v23 =	vadd.s32 $0x3400, v3;
	s14 =	sor.u32 s20, s13;
	v24 =	vld.idx.msk [tilespmem:v62+s2+$0x0], $0xffff;
	[tilespmem:s0+$0x0] =	vst v14  }
0x34d: {  	v25 =	vadd.s32 $0x3400, v6;
	s3 =	sor.u32 s19, s16;
	s15 =	sadd.s32 $0x10880, s24;
	[tilespmem:s14+$0x0] =	vst v63;
	v7 =	vld.idx.msk [tilespmem:v18+s2+$0x0], $0xffff  }
0x34e: {  	v26 =	vadd.s32 $0x3400, v5;
	v2 =	vld.idx.msk [tilespmem:v19+s2+$0x0], $0xffff;
	s16 =	sor.u32 s23, s15;
	[tilespmem:s3+$0x0] =	vst v10  }
0x34f: {  	v27 =	vadd.s32 $0x3600, v0;
	s17 =	sadd.s32 $0x10880, s28;
	v8 =	vld.idx.msk [tilespmem:v20+s2+$0x0], $0xffff;
	s0 =	sor.u32 s22, s15;
	[tilespmem:s16+$0x0] =	vst v9  }
0x350: {  	v28 =	vadd.s32 $0x3600, v1;
	s29 =	sor.u32 s26, s17;
	[tilespmem:s0+$0x0] =	vst v22;
	v11 =	vld.idx.msk [tilespmem:v21+s2+$0x0], $0xffff  }
0x351: {  	v29 =	vadd.s32 $0x3600, v4;
	s31 =	sor.u32 s25, s17;
	v13 =	vld.idx.msk [tilespmem:v23+s2+$0x0], $0xffff;
	[tilespmem:s29+$0x0] =	vst v24  }
0x352: {  	v30 =	vadd.s32 $0x3600, v3;
	v14 =	vld.idx.msk [tilespmem:v25+s2+$0x0], $0xffff;
	[tilespmem:s31+$0x0] =	vst v7  }
0x353: {  	v31 =	vadd.s32 $0x3600, v6;
	s4 =	sadd.s32 $0x10900, s24;
	[tilespmem:s30+$0x0] =	vst v2;
	s3 =	sor.u32 s19, s13;
	v10 =	vld.idx.msk [tilespmem:v26+s2+$0x0], $0xffff  }
0x354: {  	v33 =	vadd.s32 $0x3600, v5;
	v32 =	vld.idx.msk [tilespmem:v27+s2+$0x0], $0xffff;
	s5 =	sor.u32 s23, s4;
	[tilespmem:s3+$0x0] =	vst v8  }
0x355: {  	v34 =	vadd.s32 $0x3800, v0;
	s6 =	sor.u32 s22, s4;
	s7 =	sadd.s32 $0x10900, s28;
	v9 =	vld.idx.msk [tilespmem:v28+s2+$0x0], $0xffff;
	[tilespmem:s5+$0x0] =	vst v11  }
0x356: {  	v35 =	vadd.s32 $0x3800, v1;
	s8 =	sor.u32 s26, s7;
	[tilespmem:s6+$0x0] =	vst v13;
	v12 =	vld.idx.msk [tilespmem:v29+s2+$0x0], $0xffff  }
0x357: {  	v36 =	vadd.s32 $0x3800, v4;
	s9 =	sadd.s32 $0x10980, s21;
	s1 =	sor.u32 s25, s7;
	v7 =	vld.idx.msk [tilespmem:v30+s2+$0x0], $0xffff;
	[tilespmem:s8+$0x0] =	vst v14  }
0x358: {  	v37 =	vadd.s32 $0x3800, v3;
	s10 =	sor.u32 s20, s9;
	v2 =	vld.idx.msk [tilespmem:v31+s2+$0x0], $0xffff;
	[tilespmem:s1+$0x0] =	vst v10  }
0x359: {  	v38 =	vadd.s32 $0x3800, v6;
	s11 =	sadd.s32 $0x10980, s24;
	[tilespmem:s10+$0x0] =	vst v32;
	s0 =	sor.u32 s19, s9;
	v8 =	vld.idx.msk [tilespmem:v33+s2+$0x0], $0xffff  }
0x35a: {  	v39 =	vadd.s32 $0x3800, v5;
	v15 =	vld.idx.msk [tilespmem:v34+s2+$0x0], $0xffff;
	s12 =	sor.u32 s23, s11;
	[tilespmem:s0+$0x0] =	vst v9  }
0x35b: {  	v40 =	vadd.s32 $0x3A00, v0;
	s13 =	sadd.s32 $0x10980, s28;
	v11 =	vld.idx.msk [tilespmem:v35+s2+$0x0], $0xffff;
	s1 =	sor.u32 s22, s11;
	[tilespmem:s12+$0x0] =	vst v12  }
0x35c: {  	v41 =	vadd.s32 $0x3A00, v1;
	s14 =	sor.u32 s26, s13;
	[tilespmem:s1+$0x0] =	vst v7;
	v13 =	vld.idx.msk [tilespmem:v36+s2+$0x0], $0xffff  }
0x35d: {  	v42 =	vadd.s32 $0x3A00, v4;
	s15 =	sadd.s32 $0x10A00, s21;
	s0 =	sor.u32 s25, s13;
	v7 =	vld.idx.msk [tilespmem:v37+s2+$0x0], $0xffff;
	[tilespmem:s14+$0x0] =	vst v2  }
0x35e: {  	v43 =	vadd.s32 $0x3A00, v3;
	s16 =	sor.u32 s20, s15;
	v44 =	vld.idx.msk [tilespmem:v38+s2+$0x0], $0xffff;
	[tilespmem:s0+$0x0] =	vst v8  }
0x35f: {  	v45 =	vadd.s32 $0x3A00, v6;
	s17 =	sadd.s32 $0x10A00, s24;
	[tilespmem:s16+$0x0] =	vst v15;
	s1 =	sor.u32 s19, s15;
	v9 =	vld.idx.msk [tilespmem:v39+s2+$0x0], $0xffff  }
0x360: {  	v46 =	vadd.s32 $0x3A00, v5;
	v15 =	vld.idx.msk [tilespmem:v40+s2+$0x0], $0xffff;
	s29 =	sor.u32 s23, s17;
	[tilespmem:s1+$0x0] =	vst v11  }
0x361: {  	v47 =	vadd.s32 $0x3C00, v0;
	s30 =	sadd.s32 $0x10A00, s28;
	v12 =	vld.idx.msk [tilespmem:v41+s2+$0x0], $0xffff;
	s0 =	sor.u32 s22, s17;
	[tilespmem:s29+$0x0] =	vst v13  }
0x362: {  	v48 =	vadd.s32 $0x3C00, v1;
	s31 =	sor.u32 s26, s30;
	[tilespmem:s0+$0x0] =	vst v7;
	v2 =	vld.idx.msk [tilespmem:v42+s2+$0x0], $0xffff  }
0x363: {  	v49 =	vadd.s32 $0x3C00, v4;
	s3 =	sadd.s32 $0x10A80, s21;
	s1 =	sor.u32 s25, s30;
	v8 =	vld.idx.msk [tilespmem:v43+s2+$0x0], $0xffff;
	[tilespmem:s31+$0x0] =	vst v44  }
0x364: {  	v50 =	vadd.s32 $0x3C00, v3;
	s4 =	sor.u32 s20, s3;
	v10 =	vld.idx.msk [tilespmem:v45+s2+$0x0], $0xffff;
	[tilespmem:s1+$0x0] =	vst v9  }
0x365: {  	v51 =	vadd.s32 $0x3C00, v6;
	s5 =	sadd.s32 $0x10A80, s24;
	[tilespmem:s4+$0x0] =	vst v15;
	s0 =	sor.u32 s19, s3;
	v11 =	vld.idx.msk [tilespmem:v46+s2+$0x0], $0xffff  }
0x366: {  	v52 =	vadd.s32 $0x3C00, v5;
	s6 =	sor.u32 s23, s5;
	v15 =	vld.idx.msk [tilespmem:v47+s2+$0x0], $0xffff;
	[tilespmem:s0+$0x0] =	vst v12  }
0x367: {  	v53 =	vadd.s32 $0x3E00, v0;
	s7 =	sadd.s32 $0x10A80, s28;
	v13 =	vld.idx.msk [tilespmem:v48+s2+$0x0], $0xffff;
	s1 =	sor.u32 s22, s5;
	[tilespmem:s6+$0x0] =	vst v2  }
0x368: {  	v54 =	vadd.s32 $0x3E00, v1;
	s8 =	sor.u32 s26, s7;
	[tilespmem:s1+$0x0] =	vst v8;
	v2 =	vld.idx.msk [tilespmem:v49+s2+$0x0], $0xffff  }
0x369: {  	v55 =	vadd.s32 $0x3E00, v4;
	s9 =	sadd.s32 $0x10B00, s21;
	s0 =	sor.u32 s25, s7;
	v56 =	vld.idx.msk [tilespmem:v50+s2+$0x0], $0xffff;
	[tilespmem:s8+$0x0] =	vst v10  }
0x36a: {  	v57 =	vadd.s32 $0x3E00, v3;
	s10 =	sor.u32 s20, s9;
	v58 =	vld.idx.msk [tilespmem:v51+s2+$0x0], $0xffff;
	[tilespmem:s0+$0x0] =	vst v11  }
0x36b: {  	v59 =	vadd.s32 $0x3E00, v6;
	s11 =	sadd.s32 $0x10B00, s24;
	[tilespmem:s10+$0x0] =	vst v15;
	s1 =	sor.u32 s19, s9;
	v60 =	vld.idx.msk [tilespmem:v52+s2+$0x0], $0xffff  }
0x36c: {  	v61 =	vadd.s32 $0x3E00, v5;
	s12 =	sor.u32 s23, s11;
	v0 =	vld.idx.msk [tilespmem:v53+s2+$0x0], $0xffff;
	[tilespmem:s1+$0x0] =	vst v13  }
0x36d: {  	s13 =	sadd.s32 $0x10B00, s28;
	v1 =	vld.idx.msk [tilespmem:v54+s2+$0x0], $0xffff;
	s0 =	sor.u32 s22, s11;
	[tilespmem:s12+$0x0] =	vst v2  }
0x36e: {  	s14 =	sor.u32 s26, s13;
	[tilespmem:s0+$0x0] =	vst v56;
	v2 =	vld.idx.msk [tilespmem:v55+s2+$0x0], $0xffff  }
0x36f: {  	s15 =	sadd.s32 $0x10B80, s21;
	s1 =	sor.u32 s25, s13;
	v3 =	vld.idx.msk [tilespmem:v57+s2+$0x0], $0xffff;
	[tilespmem:s14+$0x0] =	vst v58  }
0x370: {  	s16 =	sor.u32 s20, s15;
	v62 =	vld.idx.msk [tilespmem:v59+s2+$0x0], $0xffff;
	[tilespmem:s1+$0x0] =	vst v60  }
0x371: {  	s17 =	sadd.s32 $0x10B80, s24;
	[tilespmem:s16+$0x0] =	vst v0;
	s0 =	sor.u32 s19, s15;
	v63 =	vld.idx.msk [tilespmem:v61+s2+$0x0], $0xffff  }
0x372: {  	s19 =	sor.u32 s23, s17;
	[tilespmem:s0+$0x0] =	vst v1  }
0x373: {  	s20 =	sadd.s32 $0x10B80, s28;
	s1 =	sor.u32 s22, s17;
	[tilespmem:s19+$0x0] =	vst v2  }
0x374: {  	s21 =	sor.u32 s26, s20;
	[tilespmem:s1+$0x0] =	vst v3  }
0x375: {  	s0 =	sor.u32 s25, s20;
	[tilespmem:s21+$0x0] =	vst v62  }
0x376: {  	[tilespmem:s0+$0x0] =	vst v63  }
0x377: {  	s22 =	simm.s32 $0x6800;
	s1 =	rddreg [dreg:$0x6]  }
0x378: {  	[hbm4b:s1+s2] =	stream.linear.scatter [tilespmem:s22], [sflag:$0x1], $0x2000, $0x38;
	[tilespmem:$0x14800] =	vst v63  }
0x379: {  	s24 =	simm.s32 $0xA800;
	s23 =	sadd.s32 $0x1000, s1  }
0x37a: {  	[hbm4b:s23+s2] =	stream.linear.scatter [tilespmem:s24], [sflag:$0x1], $0x2000, $0x38;
	[tilespmem:$0x14800] =	vst v63  }
0x37b: {  	s26 =	simm.s32 $0xE800;
	s25 =	sadd.s32 $0x2000, s1  }
0x37c: {  	[hbm4b:s25+s2] =	stream.linear.scatter [tilespmem:s26], [sflag:$0x1], $0x2000, $0x38;
	[tilespmem:$0x14800] =	vst v63  }
0x37d: {  	s30 =	simm.s32 $0x1;
	s29 =	simm.s32 $0x12800;
	s28 =	sadd.s32 $0x3000, s1  }
0x37e: {  	[hbm4b:s28+s2] =	stream.linear.scatter [tilespmem:s29], [sflag:$0x1], $0x2000, $0x38;
	[tilespmem:$0x14800] =	vst v63  }
0x37f: {  	_ =	swait.ge [sflag:s30], $0x8000  }
0x380: {  	[sflag:s30] =	ssyncset.done $0x0  }
0x381: {  	[sflag:s30] =	ssyncadd.s32 $0xFFFF8000  }
0x382: {  	_ =	swait.ge [sflag:s30], $0x8000  }
0x383: {  	s18 =	sadd.s32 $0x1, s18;
	s31 =	rddreg [dreg:$0x7]  }
0x384: {  	p0 =	sne.s32 s18, s31  }
.Ltmp2:
0x385: {  	_ = 	snop;
	(pc) =	sbr.rel @p0 .LBB2_1-.Ltmp2, $3  }
0x386: {  	_ =	sdelay $0x1  }
0x387: {  	[sflag:s30] =	ssyncset.done $0x0  }
0x388: {  	[sflag:s30] =	ssyncadd.s32 $0xFFFF8000  }
0x389: {  	_ =	sfence.sel $0x180000  }
0x38a: {  	[bflag:$0x0] =	sbarrier.arrive $0xFFFF  }
0x38b: {  	_ =	strace $0x90000047  }
0x38c: {  	s0 =	stileid.u32;
	[bflag:$0x2] =	sbarrier.arrive $0xFFFF  }
0x38d: {  	p0 =	sne.s32 s0, $0x0;
	s0 =	rddreg [dreg:$0x2]  }
0x38e: {  	s0 =	sadd.s32 @!p0 $0x100000, s0  }
0x38f: {  	[sflag:s0] =	ssyncadd.tile.s32 @!p0 $0x1;
	_ =	shalt  }
.Lfunc_end2:
_tile_overlayer_lowered:
.L_overlay_start_2:
0x390: {  	(tag) =	ssettag $0x2  }
0x391: {  	s0 =	rddreg [dreg:$0x0];
	s2 =	stileid.u32  }
0x392: {  	s1 =	rddreg [dreg:$0x1];
	p0 =	sne.s32 s2, $0x0  }
0x393: {  	s3 =	rddreg [dreg:$0x2];
	[bflag:$0x3] =	sbarrier.arrive $0xFFFF;
	s2 =	simm.s32 @!p0 $0x1C02  }
0x394: {  	[timem:s3], [sflag:s2] =	dma.local @!p0 [hbm:s0], s1  }
0x395: {  	s0 =	simm.s32 @!p0 $0x2  }
0x396: {  	_ =	swait.ge @!p0 [sflag:s0], s1  }
0x397: {  	s1 =	ssub.s32 @!p0 $0x0, s1;
	[sflag:s0] =	ssyncset.done @!p0 $0x0  }
0x398: {  	[sflag:s0] =	ssyncadd.s32 @!p0 s1  }
0x399: {  	[bflag:$0x3] =	sbarrier.arrive $0xFFFF  }
0x39a: {  	_ =	shalt  }

</sc_bundles>
